<compile_context>
chip_gen: v7x
topology: tpu7x:2x2x1
jax: 0.10.2.dev20260603
libtpu: 0.0.44.dev20260713+nightly
codegen_flags: <defaults>
</compile_context>

<pallas_src>
import functools

import jax
import jax.numpy as jnp
from jax import lax
from jax.experimental import pallas as pl
from jax.experimental.pallas import tpu as pltpu
from jax.experimental.pallas import tpu_sc as plsc

EPS = 1e-7
NL = 16
NEGF = -3.0e38


def _permute(x, idx):
    dnums = lax.GatherDimensionNumbers(
        offset_dims=(), collapsed_slice_dims=(0,), start_index_map=(0,))
    return lax.gather(x, idx[:, None], dnums, (1,),
                      mode=lax.GatherScatterMode.PROMISE_IN_BOUNDS)


def _sc_argmax_body(x_hbm, ci_hbm, m_hbm, buf, ci_v, m_v,
                    sem0, sem1, *, rows_per_worker, chunk, V, ncores,
                    row0=0):
    cid = lax.axis_index("c")
    sid = lax.axis_index("s")
    wid = sid * ncores + cid
    base = wid * rows_per_worker
    in_base = row0 + base
    nch = rows_per_worker // chunk
    vch = V // NL
    sems = (sem0, sem1)

    def start(i, slot):
        return pltpu.async_copy(
            x_hbm.at[pl.ds(in_base + i * chunk, chunk)], buf.at[slot],
            sems[slot])

    handles = {0: start(0, 0)}

    for i in range(nch):
        slot = i % 2
        handles.pop(slot).wait()
        if i + 1 < nch:
            handles[(i + 1) % 2] = start(i + 1, (i + 1) % 2)
        bslot = buf.at[slot]

        def row_body(rr, _, bslot=bslot, i=i):
            row = bslot.at[rr]

            def vchunk_body(cc, carry2):
                m, ci = carry2
                for u in range(16):
                    idx = cc * 16 + u
                    x = row[pl.ds(idx * NL, NL)]
                    gt = x > m
                    m = jnp.where(gt, x, m)
                    ci = jnp.where(gt, idx, ci)
                return (m, ci)

            m, ci = lax.fori_loop(
                0, vch // 16, vchunk_body,
                (jnp.full((NL,), NEGF, jnp.float32),
                 jnp.zeros((NL,), jnp.int32)))
            off16 = (i * chunk + rr) * NL
            ci_v[pl.ds(off16, NL)] = ci
            m_v[pl.ds(off16, NL)] = m
            return 0

        lax.fori_loop(0, chunk, row_body, 0)

    pltpu.sync_copy(ci_v, ci_hbm.at[pl.ds(base * NL, rows_per_worker * NL)])
    pltpu.sync_copy(m_v, m_hbm.at[pl.ds(base * NL, rows_per_worker * NL)])


def _make_sc_argmax(rows, V, ncores=2, row0=0, chunk=32):
    nw = 16 * ncores
    rpw = rows // nw
    mesh = plsc.VectorSubcoreMesh(core_axis_name="c", subcore_axis_name="s",
                                  num_cores=ncores)
    return pl.kernel(
        functools.partial(_sc_argmax_body, rows_per_worker=rpw, chunk=chunk,
                          V=V, ncores=ncores, row0=row0),
        out_type=[jax.ShapeDtypeStruct((rows * NL,), jnp.int32),
                  jax.ShapeDtypeStruct((rows * NL,), jnp.float32)],
        mesh=mesh,
        scratch_types=[pltpu.VMEM((2, chunk, V), jnp.float32),
                       pltpu.VMEM((rpw * NL,), jnp.int32),
                       pltpu.VMEM((rpw * NL,), jnp.float32),
                       pltpu.SemaphoreType.DMA,
                       pltpu.SemaphoreType.DMA],
    )


def _tc_main_kernel(x_ref, dec_ref, score_ref, *, T, V):
    x = x_ref[0]
    maxv = jnp.max(x, axis=1, keepdims=True)
    idx = lax.broadcasted_iota(jnp.int32, (T, V), 1)
    cand = jnp.where(x == maxv, idx, V)
    best = jnp.min(cand, axis=1, keepdims=True)
    _collapse_and_score(best, maxv, dec_ref, score_ref, T, V)


def _collapse_and_score(best, maxv, dec_ref, score_ref, T, V):
    score_ref[0] = jnp.sum(jnp.log(maxv + EPS)).reshape(1, 1)

    blank = V - 1
    prev = jnp.concatenate(
        [jnp.full((1, 1), -1, jnp.int32), best[:-1]], axis=0)
    keep = (best != prev) & (best != blank)

    c = keep.astype(jnp.float32)
    sh = 1
    while sh < T:
        c = c + jnp.concatenate(
            [jnp.zeros((sh, 1), jnp.float32), c[:-sh]], axis=0)
        sh *= 2
    pos = (c - 1.0).astype(jnp.int32)

    jidx = lax.broadcasted_iota(jnp.int32, (T, T), 1)
    onehot = ((pos == jidx) & keep).astype(jnp.float32)
    vals = (best + 1).astype(jnp.float32)
    dec_row = jnp.sum(onehot * vals, axis=0, keepdims=True) - 1.0
    dec_ref[0] = dec_row.astype(jnp.int32)


def _tc_main(inputs, k, B, T, V):
    return pl.pallas_call(
        functools.partial(_tc_main_kernel, T=T, V=V),
        grid=(B - k,),
        in_specs=[pl.BlockSpec((1, T, V), lambda b: (b + k, 0, 0))],
        out_specs=[
            pl.BlockSpec((1, 1, T), lambda b: (b, 0, 0)),
            pl.BlockSpec((1, 1, 1), lambda b: (b, 0, 0)),
        ],
        out_shape=[
            jax.ShapeDtypeStruct((B - k, 1, T), jnp.int32),
            jax.ShapeDtypeStruct((B - k, 1, 1), jnp.float32),
        ],
    )(inputs)


def _tc_post_kernel(ci_ref, m_ref, dec_ref, score_ref, *, T, V):
    ci = ci_ref[0]
    m = m_ref[0]
    maxv = jnp.max(m, axis=1, keepdims=True)
    lane = lax.broadcasted_iota(jnp.int32, (T, NL), 1)
    vocab = ci * NL + lane
    best = jnp.min(jnp.where(m == maxv, vocab, V), axis=1,
                   keepdims=True)
    _collapse_and_score(best, maxv, dec_ref, score_ref, T, V)


def _tc_post(ci3, m3, B, T, V):
    return pl.pallas_call(
        functools.partial(_tc_post_kernel, T=T, V=V),
        grid=(B,),
        in_specs=[pl.BlockSpec((1, T, NL), lambda b: (b, 0, 0)),
                  pl.BlockSpec((1, T, NL), lambda b: (b, 0, 0))],
        out_specs=[
            pl.BlockSpec((1, 1, T), lambda b: (b, 0, 0)),
            pl.BlockSpec((1, 1, 1), lambda b: (b, 0, 0)),
        ],
        out_shape=[
            jax.ShapeDtypeStruct((B, 1, T), jnp.int32),
            jax.ShapeDtypeStruct((B, 1, 1), jnp.float32),
        ],
    )(ci3, m3)


K_SC = 16


def kernel(inputs):
    B, T, V = inputs.shape
    k = K_SC
    x2d = inputs.reshape(B * T, V)
    dec_tc, score_tc = _tc_main(inputs, k, B, T, V)
    ci, m = _make_sc_argmax(k * T, V)(x2d)
    dec_sc, score_sc = _tc_post(ci.reshape(k, T, NL), m.reshape(k, T, NL),
                                k, T, V)
    dec = jnp.concatenate(
        [dec_sc.reshape(k, T), dec_tc.reshape(B - k, T)], axis=0)
    score = jnp.concatenate(
        [score_sc.reshape(k, 1), score_tc.reshape(B - k, 1)], axis=0)
    return dec, score

# --- scband reference (transcript-rebuilt; emitter-appended) ---
"""Pipeline reference for scband-ctcdecoder-30966714204687 (READ-ONLY COPY).

The authoritative reference and input builder live on the scoring server;
editing this copy changes nothing except your own understanding.
"""

import jax, jax.numpy as jnp
import numpy as np

BEAM_WIDTH = 100
EPSILON = 1e-7

def setup_inputs(seed: int = 0) -> dict:
    key = jax.random.key(seed)
    inputs = jax.random.uniform(key, (32, 256, 1024), dtype=jnp.float32)
    return {"inputs": inputs}

def reference(inputs):
    # CTC beam-search decode (K.ctc_decode with greedy=False).
    # TF convention: blank index = num_classes - 1; scores are log-probs of the beams.
    B, T, V = inputs.shape
    beam = BEAM_WIDTH
    blank = V - 1
    log_probs = jnp.log(inputs + EPSILON)  # K.ctc_decode applies log(y_pred + epsilon)
    NEG = jnp.float32(-1e30)
    init_scores = jnp.full((B, beam), NEG, dtype=jnp.float32).at[:, 0].set(0.0)
    init_seqs = jnp.full((B, beam, T), blank, dtype=jnp.int32)

    def step(carry, xs):
        scores, seqs = carry
        t, lp = xs  # lp: [B, V]
        cand = scores[:, :, None] + lp[:, None, :]          # [B, beam, V]
        flat = cand.reshape(B, beam * V)
        top_scores, top_idx = jax.lax.top_k(flat, beam)      # prune to beam width
        beam_idx = top_idx // V                              # which parent beam
        sym = (top_idx % V).astype(jnp.int32)                # which symbol extended
        new_seqs = jnp.take_along_axis(seqs, beam_idx[:, :, None], axis=1)
        new_seqs = new_seqs.at[:, :, t].set(sym)
        return (top_scores, new_seqs), None

    lp_t = jnp.transpose(log_probs, (1, 0, 2))               # [T, B, V]
    (scores, seqs), _ = jax.lax.scan(step, (init_scores, init_seqs), (jnp.arange(T), lp_t))

    # CTC collapse of the best beam: merge repeats, drop blanks, left-pack, pad with -1
    best_seq = seqs[:, 0, :]                                 # [B, T]
    prev = jnp.concatenate([jnp.full((B, 1), -1, jnp.int32), best_seq[:, :-1]], axis=1)
    keep = (best_seq != prev) & (best_seq != blank)
    order = jnp.argsort((~keep).astype(jnp.int32), axis=1)   # stable: kept tokens first
    gathered = jnp.take_along_axis(best_seq, order, axis=1)
    keep_sorted = jnp.take_along_axis(keep, order, axis=1)
    decoded = jnp.where(keep_sorted, gathered, jnp.int32(-1))  # [B, T], padded with -1
    top_path_scores = scores[:, :1]                          # [B, 1] log-prob of best beam
    return decoded, top_path_scores

if __name__ == "__main__":
    import jax
    _d = setup_inputs()
    print(jax.jit(kernel)(*tuple(_d.values())))

</pallas_src>

<mosaic_0001>
#map = affine_map<(d0, d1) -> (0, 0)>
#map1 = affine_map<(d0, d1) -> (0)>
module attributes {stable_mosaic.version = 14 : i64} {
  func.func @_sc_argmax_body(%arg0: i32, %arg1: i32, %arg2: memref<8192x1024xf32, #tpu.memory_space<hbm>>, %arg3: memref<65536xi32, #tpu.memory_space<hbm>>, %arg4: memref<65536xf32, #tpu.memory_space<hbm>>, %arg5: memref<2x32x1024xf32, #tpu.memory_space<vmem>>, %arg6: memref<2048xi32, #tpu.memory_space<vmem>>, %arg7: memref<2048xf32, #tpu.memory_space<vmem>>, %arg8: memref<!tpu.dma_semaphore, #tpu.memory_space<semaphore_mem>>, %arg9: memref<!tpu.dma_semaphore, #tpu.memory_space<semaphore_mem>>) attributes {dimension_semantics = [#tpu.dimension_semantics<core_parallel>, #tpu.dimension_semantics<subcore_parallel>], iteration_bounds = array<i64: 2, 16>, scalar_prefetch = 0 : i64, scratch_operands = 5 : i64, tpu.core_type = #tpu.core_type<sc_vector_subcore>, window_params = [{transform_indices = #map}, {transform_indices = #map1}, {transform_indices = #map1}]} {
    %mul3A = arith.constant 2 : i32
    %mul3A_0 = arith.muli %arg1, %mul3A : i32
    %add3A = arith.addi %mul3A_0, %arg0 : i32
    %mul3A_1 = arith.constant 128 : i32
    %mul3A_2 = arith.muli %add3A, %mul3A_1 : i32
    %add3A_3 = arith.constant 0 : i32
    %add3A_4 = arith.addi %add3A_3, %mul3A_2 : i32
    %add3A_5 = arith.constant 0 : i32
    %add3A_6 = arith.addi %add3A_4, %add3A_5 : i32
    %dma_start3A = arith.constant 0 : i32
    %dma_start3A_7 = arith.constant 0 : i32
    %dma_start3A_8 = arith.constant 0 : i32
    %dma_start3A_9 = tpu.memref_slice %arg5[%dma_start3A, %dma_start3A_7, %dma_start3A_8] : memref<2x32x1024xf32, #tpu.memory_space<vmem>> -> memref<1x32x1024xf32, #tpu.memory_space<vmem>>
    %dma_start3A_10 = tpu.memref_squeeze %dma_start3A_9 : memref<1x32x1024xf32, #tpu.memory_space<vmem>> -> memref<32x1024xf32, #tpu.memory_space<vmem>>
    %dma_start3A_11 = arith.constant 0 : i32
    %dma_start3A_12 = tpu.memref_slice %arg2[%add3A_6, %dma_start3A_11] : memref<8192x1024xf32, #tpu.memory_space<hbm>> -> memref<32x1024xf32, #tpu.memory_space<hbm>>
    %dma_start3A_13 = arith.constant 0 : i32
    %dma_start3A_14 = arith.constant 0 : i32
    %dma_start3A_15 = tpu.memref_slice %arg5[%dma_start3A, %dma_start3A_13, %dma_start3A_14] : memref<2x32x1024xf32, #tpu.memory_space<vmem>> -> memref<1x32x1024xf32, #tpu.memory_space<vmem>>
    %dma_start3A_16 = tpu.memref_squeeze %dma_start3A_15 : memref<1x32x1024xf32, #tpu.memory_space<vmem>> -> memref<32x1024xf32, #tpu.memory_space<vmem>>
    %dma_start3A_17 = arith.constant 0 : i32
    %dma_start3A_18 = tpu.memref_slice %arg2[%add3A_6, %dma_start3A_17] : memref<8192x1024xf32, #tpu.memory_space<hbm>> -> memref<32x1024xf32, #tpu.memory_space<hbm>>
    tpu.enqueue_dma source(%dma_start3A_18 : memref<32x1024xf32, #tpu.memory_space<hbm>>) target(%dma_start3A_16 : memref<32x1024xf32, #tpu.memory_space<vmem>>) target_semaphore(%arg8 : memref<!tpu.dma_semaphore, #tpu.memory_space<semaphore_mem>>)
    %dma_wait3A = arith.constant 0 : i32
    %dma_wait3A_19 = arith.constant 0 : i32
    %dma_wait3A_20 = arith.constant 0 : i32
    %dma_wait3A_21 = tpu.memref_slice %arg5[%dma_wait3A, %dma_wait3A_19, %dma_wait3A_20] : memref<2x32x1024xf32, #tpu.memory_space<vmem>> -> memref<1x32x1024xf32, #tpu.memory_space<vmem>>
    %dma_wait3A_22 = tpu.memref_squeeze %dma_wait3A_21 : memref<1x32x1024xf32, #tpu.memory_space<vmem>> -> memref<32x1024xf32, #tpu.memory_space<vmem>>
    %dma_wait3A_23 = arith.constant 0 : i32
    %dma_wait3A_24 = tpu.memref_slice %arg2[%add3A_6, %dma_wait3A_23] : memref<8192x1024xf32, #tpu.memory_space<hbm>> -> memref<32x1024xf32, #tpu.memory_space<hbm>>
    %dma_wait3A_25 = arith.constant 0 : i32
    %dma_wait3A_26 = arith.constant 0 : i32
    %dma_wait3A_27 = tpu.memref_slice %arg5[%dma_wait3A, %dma_wait3A_25, %dma_wait3A_26] : memref<2x32x1024xf32, #tpu.memory_space<vmem>> -> memref<1x32x1024xf32, #tpu.memory_space<vmem>>
    %dma_wait3A_28 = tpu.memref_squeeze %dma_wait3A_27 : memref<1x32x1024xf32, #tpu.memory_space<vmem>> -> memref<32x1024xf32, #tpu.memory_space<vmem>>
    %dma_wait3A_29 = arith.constant 0 : i32
    %dma_wait3A_30 = tpu.memref_slice %arg2[%add3A_6, %dma_wait3A_29] : memref<8192x1024xf32, #tpu.memory_space<hbm>> -> memref<32x1024xf32, #tpu.memory_space<hbm>>
    tpu.wait_dma2 semaphore(%arg8 : memref<!tpu.dma_semaphore, #tpu.memory_space<semaphore_mem>>) src(%dma_wait3A_30 : memref<32x1024xf32, #tpu.memory_space<hbm>>) dst(%dma_wait3A_28 : memref<32x1024xf32, #tpu.memory_space<vmem>>)
    %add3A_31 = arith.constant 32 : i32
    %add3A_32 = arith.addi %add3A_4, %add3A_31 : i32
    %dma_start3A_33 = arith.constant 1 : i32
    %dma_start3A_34 = arith.constant 0 : i32
    %dma_start3A_35 = arith.constant 0 : i32
    %dma_start3A_36 = tpu.memref_slice %arg5[%dma_start3A_33, %dma_start3A_34, %dma_start3A_35] : memref<2x32x1024xf32, #tpu.memory_space<vmem>> -> memref<1x32x1024xf32, #tpu.memory_space<vmem>>
    %dma_start3A_37 = tpu.memref_squeeze %dma_start3A_36 : memref<1x32x1024xf32, #tpu.memory_space<vmem>> -> memref<32x1024xf32, #tpu.memory_space<vmem>>
    %dma_start3A_38 = arith.constant 0 : i32
    %dma_start3A_39 = tpu.memref_slice %arg2[%add3A_32, %dma_start3A_38] : memref<8192x1024xf32, #tpu.memory_space<hbm>> -> memref<32x1024xf32, #tpu.memory_space<hbm>>
    %dma_start3A_40 = arith.constant 0 : i32
    %dma_start3A_41 = arith.constant 0 : i32
    %dma_start3A_42 = tpu.memref_slice %arg5[%dma_start3A_33, %dma_start3A_40, %dma_start3A_41] : memref<2x32x1024xf32, #tpu.memory_space<vmem>> -> memref<1x32x1024xf32, #tpu.memory_space<vmem>>
    %dma_start3A_43 = tpu.memref_squeeze %dma_start3A_42 : memref<1x32x1024xf32, #tpu.memory_space<vmem>> -> memref<32x1024xf32, #tpu.memory_space<vmem>>
    %dma_start3A_44 = arith.constant 0 : i32
    %dma_start3A_45 = tpu.memref_slice %arg2[%add3A_32, %dma_start3A_44] : memref<8192x1024xf32, #tpu.memory_space<hbm>> -> memref<32x1024xf32, #tpu.memory_space<hbm>>
    tpu.enqueue_dma source(%dma_start3A_45 : memref<32x1024xf32, #tpu.memory_space<hbm>>) target(%dma_start3A_43 : memref<32x1024xf32, #tpu.memory_space<vmem>>) target_semaphore(%arg9 : memref<!tpu.dma_semaphore, #tpu.memory_space<semaphore_mem>>)
    %scan3A = arith.constant 0 : i32
    %scan3A_46 = arith.constant 0 : i32
    %scan3A_47 = arith.constant 0 : i32
    %scan3A_48 = arith.constant 32 : i32
    %scan3A_49 = arith.addi %scan3A_47, %scan3A_48 : i32
    %scan3A_50 = arith.constant 1 : i32
    %scan3A_51 = scf.for %scan3A_150 = %scan3A_47 to %scan3A_49 step %scan3A_50 iter_args(%scan3A_151 = %scan3A_46) -> (i32)  : i32 {
      %broadcast_in_dim3A = arith.constant -3.000000e+38 : f32
      %broadcast_in_dim3A_152 = vector.broadcast %broadcast_in_dim3A : f32 to vector<16xf32>
      %broadcast_in_dim3A_153 = arith.constant 0 : i32
      %broadcast_in_dim3A_154 = vector.broadcast %broadcast_in_dim3A_153 : i32 to vector<16xi32>
      %scan3A_155 = arith.constant 0 : i32
      %scan3A_156 = arith.constant 4 : i32
      %scan3A_157 = arith.addi %scan3A_155, %scan3A_156 : i32
      %scan3A_158 = arith.constant 1 : i32
      %scan3A_159:2 = scf.for %scan3A_173 = %scan3A_155 to %scan3A_157 step %scan3A_158 iter_args(%scan3A_174 = %broadcast_in_dim3A_152, %scan3A_175 = %broadcast_in_dim3A_154) -> (vector<16xf32>, vector<16xi32>)  : i32 {
        %mul3A_176 = arith.constant 16 : i32
        %mul3A_177 = arith.muli %scan3A_173, %mul3A_176 : i32
        %add3A_178 = arith.constant 0 : i32
        %add3A_179 = arith.addi %mul3A_177, %add3A_178 : i32
        %mul3A_180 = arith.constant 16 : i32
        %mul3A_181 = arith.muli %add3A_179, %mul3A_180 : i32
        %get3A = arith.constant 0 : i32
        %get3A_182 = arith.constant 0 : i32
        %get3A_183 = tpu.memref_slice %arg5[%scan3A, %get3A, %get3A_182] : memref<2x32x1024xf32, #tpu.memory_space<vmem>> -> memref<1x32x1024xf32, #tpu.memory_space<vmem>>
        %get3A_184 = tpu.memref_squeeze %get3A_183 : memref<1x32x1024xf32, #tpu.memory_space<vmem>> -> memref<32x1024xf32, #tpu.memory_space<vmem>>
        %get3A_185 = arith.constant 0 : i32
        %get3A_186 = tpu.memref_slice %get3A_184[%scan3A_150, %get3A_185] : memref<32x1024xf32, #tpu.memory_space<vmem>> -> memref<1x1024xf32, #tpu.memory_space<vmem>>
        %get3A_187 = tpu.memref_squeeze %get3A_186 : memref<1x1024xf32, #tpu.memory_space<vmem>> -> memref<1024xf32, #tpu.memory_space<vmem>>
        %get3A_188 = arith.index_cast %mul3A_181 : i32 to index
        %get3A_189 = tpu.vector_load %get3A_187[%get3A_188] {strides = array<i32>} : memref<1024xf32, #tpu.memory_space<vmem>>, vector<16xf32>,
        %get3A_190 = vector.shape_cast %get3A_189 : vector<16xf32> to vector<16xf32>
        %gt3A = arith.cmpf ogt, %get3A_190, %scan3A_174 : vector<16xf32>
        %select_n3A = arith.select %gt3A, %get3A_190, %scan3A_174 : vector<16xi1>, vector<16xf32>
        %broadcast_in_dim3A_191 = vector.broadcast %add3A_179 : i32 to vector<16xi32>
        %select_n3A_192 = arith.select %gt3A, %broadcast_in_dim3A_191, %scan3A_175 : vector<16xi1>, vector<16xi32>
        %mul3A_193 = arith.constant 16 : i32
        %mul3A_194 = arith.muli %scan3A_173, %mul3A_193 : i32
        %add3A_195 = arith.constant 1 : i32
        %add3A_196 = arith.addi %mul3A_194, %add3A_195 : i32
        %mul3A_197 = arith.constant 16 : i32
        %mul3A_198 = arith.muli %add3A_196, %mul3A_197 : i32
        %get3A_199 = arith.constant 0 : i32
        %get3A_200 = arith.constant 0 : i32
        %get3A_201 = tpu.memref_slice %arg5[%scan3A, %get3A_199, %get3A_200] : memref<2x32x1024xf32, #tpu.memory_space<vmem>> -> memref<1x32x1024xf32, #tpu.memory_space<vmem>>
        %get3A_202 = tpu.memref_squeeze %get3A_201 : memref<1x32x1024xf32, #tpu.memory_space<vmem>> -> memref<32x1024xf32, #tpu.memory_space<vmem>>
        %get3A_203 = arith.constant 0 : i32
        %get3A_204 = tpu.memref_slice %get3A_202[%scan3A_150, %get3A_203] : memref<32x1024xf32, #tpu.memory_space<vmem>> -> memref<1x1024xf32, #tpu.memory_space<vmem>>
        %get3A_205 = tpu.memref_squeeze %get3A_204 : memref<1x1024xf32, #tpu.memory_space<vmem>> -> memref<1024xf32, #tpu.memory_space<vmem>>
        %get3A_206 = arith.index_cast %mul3A_198 : i32 to index
        %get3A_207 = tpu.vector_load %get3A_205[%get3A_206] {strides = array<i32>} : memref<1024xf32, #tpu.memory_space<vmem>>, vector<16xf32>,
        %get3A_208 = vector.shape_cast %get3A_207 : vector<16xf32> to vector<16xf32>
        %gt3A_209 = arith.cmpf ogt, %get3A_208, %select_n3A : vector<16xf32>
        %select_n3A_210 = arith.select %gt3A_209, %get3A_208, %select_n3A : vector<16xi1>, vector<16xf32>
        %broadcast_in_dim3A_211 = vector.broadcast %add3A_196 : i32 to vector<16xi32>
        %select_n3A_212 = arith.select %gt3A_209, %broadcast_in_dim3A_211, %select_n3A_192 : vector<16xi1>, vector<16xi32>
        %mul3A_213 = arith.constant 16 : i32
        %mul3A_214 = arith.muli %scan3A_173, %mul3A_213 : i32
        %add3A_215 = arith.constant 2 : i32
        %add3A_216 = arith.addi %mul3A_214, %add3A_215 : i32
        %mul3A_217 = arith.constant 16 : i32
        %mul3A_218 = arith.muli %add3A_216, %mul3A_217 : i32
        %get3A_219 = arith.constant 0 : i32
        %get3A_220 = arith.constant 0 : i32
        %get3A_221 = tpu.memref_slice %arg5[%scan3A, %get3A_219, %get3A_220] : memref<2x32x1024xf32, #tpu.memory_space<vmem>> -> memref<1x32x1024xf32, #tpu.memory_space<vmem>>
        %get3A_222 = tpu.memref_squeeze %get3A_221 : memref<1x32x1024xf32, #tpu.memory_space<vmem>> -> memref<32x1024xf32, #tpu.memory_space<vmem>>
        %get3A_223 = arith.constant 0 : i32
        %get3A_224 = tpu.memref_slice %get3A_222[%scan3A_150, %get3A_223] : memref<32x1024xf32, #tpu.memory_space<vmem>> -> memref<1x1024xf32, #tpu.memory_space<vmem>>
        %get3A_225 = tpu.memref_squeeze %get3A_224 : memref<1x1024xf32, #tpu.memory_space<vmem>> -> memref<1024xf32, #tpu.memory_space<vmem>>
        %get3A_226 = arith.index_cast %mul3A_218 : i32 to index
        %get3A_227 = tpu.vector_load %get3A_225[%get3A_226] {strides = array<i32>} : memref<1024xf32, #tpu.memory_space<vmem>>, vector<16xf32>,
        %get3A_228 = vector.shape_cast %get3A_227 : vector<16xf32> to vector<16xf32>
        %gt3A_229 = arith.cmpf ogt, %get3A_228, %select_n3A_210 : vector<16xf32>
        %select_n3A_230 = arith.select %gt3A_229, %get3A_228, %select_n3A_210 : vector<16xi1>, vector<16xf32>
        %broadcast_in_dim3A_231 = vector.broadcast %add3A_216 : i32 to vector<16xi32>
        %select_n3A_232 = arith.select %gt3A_229, %broadcast_in_dim3A_231, %select_n3A_212 : vector<16xi1>, vector<16xi32>
        %mul3A_233 = arith.constant 16 : i32
        %mul3A_234 = arith.muli %scan3A_173, %mul3A_233 : i32
        %add3A_235 = arith.constant 3 : i32
        %add3A_236 = arith.addi %mul3A_234, %add3A_235 : i32
        %mul3A_237 = arith.constant 16 : i32
        %mul3A_238 = arith.muli %add3A_236, %mul3A_237 : i32
        %get3A_239 = arith.constant 0 : i32
        %get3A_240 = arith.constant 0 : i32
        %get3A_241 = tpu.memref_slice %arg5[%scan3A, %get3A_239, %get3A_240] : memref<2x32x1024xf32, #tpu.memory_space<vmem>> -> memref<1x32x1024xf32, #tpu.memory_space<vmem>>
        %get3A_242 = tpu.memref_squeeze %get3A_241 : memref<1x32x1024xf32, #tpu.memory_space<vmem>> -> memref<32x1024xf32, #tpu.memory_space<vmem>>
        %get3A_243 = arith.constant 0 : i32
        %get3A_244 = tpu.memref_slice %get3A_242[%scan3A_150, %get3A_243] : memref<32x1024xf32, #tpu.memory_space<vmem>> -> memref<1x1024xf32, #tpu.memory_space<vmem>>
        %get3A_245 = tpu.memref_squeeze %get3A_244 : memref<1x1024xf32, #tpu.memory_space<vmem>> -> memref<1024xf32, #tpu.memory_space<vmem>>
        %get3A_246 = arith.index_cast %mul3A_238 : i32 to index
        %get3A_247 = tpu.vector_load %get3A_245[%get3A_246] {strides = array<i32>} : memref<1024xf32, #tpu.memory_space<vmem>>, vector<16xf32>,
        %get3A_248 = vector.shape_cast %get3A_247 : vector<16xf32> to vector<16xf32>
        %gt3A_249 = arith.cmpf ogt, %get3A_248, %select_n3A_230 : vector<16xf32>
        %select_n3A_250 = arith.select %gt3A_249, %get3A_248, %select_n3A_230 : vector<16xi1>, vector<16xf32>
        %broadcast_in_dim3A_251 = vector.broadcast %add3A_236 : i32 to vector<16xi32>
        %select_n3A_252 = arith.select %gt3A_249, %broadcast_in_dim3A_251, %select_n3A_232 : vector<16xi1>, vector<16xi32>
        %mul3A_253 = arith.constant 16 : i32
        %mul3A_254 = arith.muli %scan3A_173, %mul3A_253 : i32
        %add3A_255 = arith.constant 4 : i32
        %add3A_256 = arith.addi %mul3A_254, %add3A_255 : i32
        %mul3A_257 = arith.constant 16 : i32
        %mul3A_258 = arith.muli %add3A_256, %mul3A_257 : i32
        %get3A_259 = arith.constant 0 : i32
        %get3A_260 = arith.constant 0 : i32
        %get3A_261 = tpu.memref_slice %arg5[%scan3A, %get3A_259, %get3A_260] : memref<2x32x1024xf32, #tpu.memory_space<vmem>> -> memref<1x32x1024xf32, #tpu.memory_space<vmem>>
        %get3A_262 = tpu.memref_squeeze %get3A_261 : memref<1x32x1024xf32, #tpu.memory_space<vmem>> -> memref<32x1024xf32, #tpu.memory_space<vmem>>
        %get3A_263 = arith.constant 0 : i32
        %get3A_264 = tpu.memref_slice %get3A_262[%scan3A_150, %get3A_263] : memref<32x1024xf32, #tpu.memory_space<vmem>> -> memref<1x1024xf32, #tpu.memory_space<vmem>>
        %get3A_265 = tpu.memref_squeeze %get3A_264 : memref<1x1024xf32, #tpu.memory_space<vmem>> -> memref<1024xf32, #tpu.memory_space<vmem>>
        %get3A_266 = arith.index_cast %mul3A_258 : i32 to index
        %get3A_267 = tpu.vector_load %get3A_265[%get3A_266] {strides = array<i32>} : memref<1024xf32, #tpu.memory_space<vmem>>, vector<16xf32>,
        %get3A_268 = vector.shape_cast %get3A_267 : vector<16xf32> to vector<16xf32>
        %gt3A_269 = arith.cmpf ogt, %get3A_268, %select_n3A_250 : vector<16xf32>
        %select_n3A_270 = arith.select %gt3A_269, %get3A_268, %select_n3A_250 : vector<16xi1>, vector<16xf32>
        %broadcast_in_dim3A_271 = vector.broadcast %add3A_256 : i32 to vector<16xi32>
        %select_n3A_272 = arith.select %gt3A_269, %broadcast_in_dim3A_271, %select_n3A_252 : vector<16xi1>, vector<16xi32>
        %mul3A_273 = arith.constant 16 : i32
        %mul3A_274 = arith.muli %scan3A_173, %mul3A_273 : i32
        %add3A_275 = arith.constant 5 : i32
        %add3A_276 = arith.addi %mul3A_274, %add3A_275 : i32
        %mul3A_277 = arith.constant 16 : i32
        %mul3A_278 = arith.muli %add3A_276, %mul3A_277 : i32
        %get3A_279 = arith.constant 0 : i32
        %get3A_280 = arith.constant 0 : i32
        %get3A_281 = tpu.memref_slice %arg5[%scan3A, %get3A_279, %get3A_280] : memref<2x32x1024xf32, #tpu.memory_space<vmem>> -> memref<1x32x1024xf32, #tpu.memory_space<vmem>>
        %get3A_282 = tpu.memref_squeeze %get3A_281 : memref<1x32x1024xf32, #tpu.memory_space<vmem>> -> memref<32x1024xf32, #tpu.memory_space<vmem>>
        %get3A_283 = arith.constant 0 : i32
        %get3A_284 = tpu.memref_slice %get3A_282[%scan3A_150, %get3A_283] : memref<32x1024xf32, #tpu.memory_space<vmem>> -> memref<1x1024xf32, #tpu.memory_space<vmem>>
        %get3A_285 = tpu.memref_squeeze %get3A_284 : memref<1x1024xf32, #tpu.memory_space<vmem>> -> memref<1024xf32, #tpu.memory_space<vmem>>
        %get3A_286 = arith.index_cast %mul3A_278 : i32 to index
        %get3A_287 = tpu.vector_load %get3A_285[%get3A_286] {strides = array<i32>} : memref<1024xf32, #tpu.memory_space<vmem>>, vector<16xf32>,
        %get3A_288 = vector.shape_cast %get3A_287 : vector<16xf32> to vector<16xf32>
        %gt3A_289 = arith.cmpf ogt, %get3A_288, %select_n3A_270 : vector<16xf32>
        %select_n3A_290 = arith.select %gt3A_289, %get3A_288, %select_n3A_270 : vector<16xi1>, vector<16xf32>
        %broadcast_in_dim3A_291 = vector.broadcast %add3A_276 : i32 to vector<16xi32>
        %select_n3A_292 = arith.select %gt3A_289, %broadcast_in_dim3A_291, %select_n3A_272 : vector<16xi1>, vector<16xi32>
        %mul3A_293 = arith.constant 16 : i32
        %mul3A_294 = arith.muli %scan3A_173, %mul3A_293 : i32
        %add3A_295 = arith.constant 6 : i32
        %add3A_296 = arith.addi %mul3A_294, %add3A_295 : i32
        %mul3A_297 = arith.constant 16 : i32
        %mul3A_298 = arith.muli %add3A_296, %mul3A_297 : i32
        %get3A_299 = arith.constant 0 : i32
        %get3A_300 = arith.constant 0 : i32
        %get3A_301 = tpu.memref_slice %arg5[%scan3A, %get3A_299, %get3A_300] : memref<2x32x1024xf32, #tpu.memory_space<vmem>> -> memref<1x32x1024xf32, #tpu.memory_space<vmem>>
        %get3A_302 = tpu.memref_squeeze %get3A_301 : memref<1x32x1024xf32, #tpu.memory_space<vmem>> -> memref<32x1024xf32, #tpu.memory_space<vmem>>
        %get3A_303 = arith.constant 0 : i32
        %get3A_304 = tpu.memref_slice %get3A_302[%scan3A_150, %get3A_303] : memref<32x1024xf32, #tpu.memory_space<vmem>> -> memref<1x1024xf32, #tpu.memory_space<vmem>>
        %get3A_305 = tpu.memref_squeeze %get3A_304 : memref<1x1024xf32, #tpu.memory_space<vmem>> -> memref<1024xf32, #tpu.memory_space<vmem>>
        %get3A_306 = arith.index_cast %mul3A_298 : i32 to index
        %get3A_307 = tpu.vector_load %get3A_305[%get3A_306] {strides = array<i32>} : memref<1024xf32, #tpu.memory_space<vmem>>, vector<16xf32>,
        %get3A_308 = vector.shape_cast %get3A_307 : vector<16xf32> to vector<16xf32>
        %gt3A_309 = arith.cmpf ogt, %get3A_308, %select_n3A_290 : vector<16xf32>
        %select_n3A_310 = arith.select %gt3A_309, %get3A_308, %select_n3A_290 : vector<16xi1>, vector<16xf32>
        %broadcast_in_dim3A_311 = vector.broadcast %add3A_296 : i32 to vector<16xi32>
        %select_n3A_312 = arith.select %gt3A_309, %broadcast_in_dim3A_311, %select_n3A_292 : vector<16xi1>, vector<16xi32>
        %mul3A_313 = arith.constant 16 : i32
        %mul3A_314 = arith.muli %scan3A_173, %mul3A_313 : i32
        %add3A_315 = arith.constant 7 : i32
        %add3A_316 = arith.addi %mul3A_314, %add3A_315 : i32
        %mul3A_317 = arith.constant 16 : i32
        %mul3A_318 = arith.muli %add3A_316, %mul3A_317 : i32
        %get3A_319 = arith.constant 0 : i32
        %get3A_320 = arith.constant 0 : i32
        %get3A_321 = tpu.memref_slice %arg5[%scan3A, %get3A_319, %get3A_320] : memref<2x32x1024xf32, #tpu.memory_space<vmem>> -> memref<1x32x1024xf32, #tpu.memory_space<vmem>>
        %get3A_322 = tpu.memref_squeeze %get3A_321 : memref<1x32x1024xf32, #tpu.memory_space<vmem>> -> memref<32x1024xf32, #tpu.memory_space<vmem>>
        %get3A_323 = arith.constant 0 : i32
        %get3A_324 = tpu.memref_slice %get3A_322[%scan3A_150, %get3A_323] : memref<32x1024xf32, #tpu.memory_space<vmem>> -> memref<1x1024xf32, #tpu.memory_space<vmem>>
        %get3A_325 = tpu.memref_squeeze %get3A_324 : memref<1x1024xf32, #tpu.memory_space<vmem>> -> memref<1024xf32, #tpu.memory_space<vmem>>
        %get3A_326 = arith.index_cast %mul3A_318 : i32 to index
        %get3A_327 = tpu.vector_load %get3A_325[%get3A_326] {strides = array<i32>} : memref<1024xf32, #tpu.memory_space<vmem>>, vector<16xf32>,
        %get3A_328 = vector.shape_cast %get3A_327 : vector<16xf32> to vector<16xf32>
        %gt3A_329 = arith.cmpf ogt, %get3A_328, %select_n3A_310 : vector<16xf32>
        %select_n3A_330 = arith.select %gt3A_329, %get3A_328, %select_n3A_310 : vector<16xi1>, vector<16xf32>
        %broadcast_in_dim3A_331 = vector.broadcast %add3A_316 : i32 to vector<16xi32>
        %select_n3A_332 = arith.select %gt3A_329, %broadcast_in_dim3A_331, %select_n3A_312 : vector<16xi1>, vector<16xi32>
        %mul3A_333 = arith.constant 16 : i32
        %mul3A_334 = arith.muli %scan3A_173, %mul3A_333 : i32
        %add3A_335 = arith.constant 8 : i32
        %add3A_336 = arith.addi %mul3A_334, %add3A_335 : i32
        %mul3A_337 = arith.constant 16 : i32
        %mul3A_338 = arith.muli %add3A_336, %mul3A_337 : i32
        %get3A_339 = arith.constant 0 : i32
        %get3A_340 = arith.constant 0 : i32
        %get3A_341 = tpu.memref_slice %arg5[%scan3A, %get3A_339, %get3A_340] : memref<2x32x1024xf32, #tpu.memory_space<vmem>> -> memref<1x32x1024xf32, #tpu.memory_space<vmem>>
        %get3A_342 = tpu.memref_squeeze %get3A_341 : memref<1x32x1024xf32, #tpu.memory_space<vmem>> -> memref<32x1024xf32, #tpu.memory_space<vmem>>
        %get3A_343 = arith.constant 0 : i32
        %get3A_344 = tpu.memref_slice %get3A_342[%scan3A_150, %get3A_343] : memref<32x1024xf32, #tpu.memory_space<vmem>> -> memref<1x1024xf32, #tpu.memory_space<vmem>>
        %get3A_345 = tpu.memref_squeeze %get3A_344 : memref<1x1024xf32, #tpu.memory_space<vmem>> -> memref<1024xf32, #tpu.memory_space<vmem>>
        %get3A_346 = arith.index_cast %mul3A_338 : i32 to index
        %get3A_347 = tpu.vector_load %get3A_345[%get3A_346] {strides = array<i32>} : memref<1024xf32, #tpu.memory_space<vmem>>, vector<16xf32>,
        %get3A_348 = vector.shape_cast %get3A_347 : vector<16xf32> to vector<16xf32>
        %gt3A_349 = arith.cmpf ogt, %get3A_348, %select_n3A_330 : vector<16xf32>
        %select_n3A_350 = arith.select %gt3A_349, %get3A_348, %select_n3A_330 : vector<16xi1>, vector<16xf32>
        %broadcast_in_dim3A_351 = vector.broadcast %add3A_336 : i32 to vector<16xi32>
        %select_n3A_352 = arith.select %gt3A_349, %broadcast_in_dim3A_351, %select_n3A_332 : vector<16xi1>, vector<16xi32>
        %mul3A_353 = arith.constant 16 : i32
        %mul3A_354 = arith.muli %scan3A_173, %mul3A_353 : i32
        %add3A_355 = arith.constant 9 : i32
        %add3A_356 = arith.addi %mul3A_354, %add3A_355 : i32
        %mul3A_357 = arith.constant 16 : i32
        %mul3A_358 = arith.muli %add3A_356, %mul3A_357 : i32
        %get3A_359 = arith.constant 0 : i32
        %get3A_360 = arith.constant 0 : i32
        %get3A_361 = tpu.memref_slice %arg5[%scan3A, %get3A_359, %get3A_360] : memref<2x32x1024xf32, #tpu.memory_space<vmem>> -> memref<1x32x1024xf32, #tpu.memory_space<vmem>>
        %get3A_362 = tpu.memref_squeeze %get3A_361 : memref<1x32x1024xf32, #tpu.memory_space<vmem>> -> memref<32x1024xf32, #tpu.memory_space<vmem>>
        %get3A_363 = arith.constant 0 : i32
        %get3A_364 = tpu.memref_slice %get3A_362[%scan3A_150, %get3A_363] : memref<32x1024xf32, #tpu.memory_space<vmem>> -> memref<1x1024xf32, #tpu.memory_space<vmem>>
        %get3A_365 = tpu.memref_squeeze %get3A_364 : memref<1x1024xf32, #tpu.memory_space<vmem>> -> memref<1024xf32, #tpu.memory_space<vmem>>
        %get3A_366 = arith.index_cast %mul3A_358 : i32 to index
        %get3A_367 = tpu.vector_load %get3A_365[%get3A_366] {strides = array<i32>} : memref<1024xf32, #tpu.memory_space<vmem>>, vector<16xf32>,
        %get3A_368 = vector.shape_cast %get3A_367 : vector<16xf32> to vector<16xf32>
        %gt3A_369 = arith.cmpf ogt, %get3A_368, %select_n3A_350 : vector<16xf32>
        %select_n3A_370 = arith.select %gt3A_369, %get3A_368, %select_n3A_350 : vector<16xi1>, vector<16xf32>
        %broadcast_in_dim3A_371 = vector.broadcast %add3A_356 : i32 to vector<16xi32>
        %select_n3A_372 = arith.select %gt3A_369, %broadcast_in_dim3A_371, %select_n3A_352 : vector<16xi1>, vector<16xi32>
        %mul3A_373 = arith.constant 16 : i32
        %mul3A_374 = arith.muli %scan3A_173, %mul3A_373 : i32
        %add3A_375 = arith.constant 10 : i32
        %add3A_376 = arith.addi %mul3A_374, %add3A_375 : i32
        %mul3A_377 = arith.constant 16 : i32
        %mul3A_378 = arith.muli %add3A_376, %mul3A_377 : i32
        %get3A_379 = arith.constant 0 : i32
        %get3A_380 = arith.constant 0 : i32
        %get3A_381 = tpu.memref_slice %arg5[%scan3A, %get3A_379, %get3A_380] : memref<2x32x1024xf32, #tpu.memory_space<vmem>> -> memref<1x32x1024xf32, #tpu.memory_space<vmem>>
        %get3A_382 = tpu.memref_squeeze %get3A_381 : memref<1x32x1024xf32, #tpu.memory_space<vmem>> -> memref<32x1024xf32, #tpu.memory_space<vmem>>
        %get3A_383 = arith.constant 0 : i32
        %get3A_384 = tpu.memref_slice %get3A_382[%scan3A_150, %get3A_383] : memref<32x1024xf32, #tpu.memory_space<vmem>> -> memref<1x1024xf32, #tpu.memory_space<vmem>>
        %get3A_385 = tpu.memref_squeeze %get3A_384 : memref<1x1024xf32, #tpu.memory_space<vmem>> -> memref<1024xf32, #tpu.memory_space<vmem>>
        %get3A_386 = arith.index_cast %mul3A_378 : i32 to index
        %get3A_387 = tpu.vector_load %get3A_385[%get3A_386] {strides = array<i32>} : memref<1024xf32, #tpu.memory_space<vmem>>, vector<16xf32>,
        %get3A_388 = vector.shape_cast %get3A_387 : vector<16xf32> to vector<16xf32>
        %gt3A_389 = arith.cmpf ogt, %get3A_388, %select_n3A_370 : vector<16xf32>
        %select_n3A_390 = arith.select %gt3A_389, %get3A_388, %select_n3A_370 : vector<16xi1>, vector<16xf32>
        %broadcast_in_dim3A_391 = vector.broadcast %add3A_376 : i32 to vector<16xi32>
        %select_n3A_392 = arith.select %gt3A_389, %broadcast_in_dim3A_391, %select_n3A_372 : vector<16xi1>, vector<16xi32>
        %mul3A_393 = arith.constant 16 : i32
        %mul3A_394 = arith.muli %scan3A_173, %mul3A_393 : i32
        %add3A_395 = arith.constant 11 : i32
        %add3A_396 = arith.addi %mul3A_394, %add3A_395 : i32
        %mul3A_397 = arith.constant 16 : i32
        %mul3A_398 = arith.muli %add3A_396, %mul3A_397 : i32
        %get3A_399 = arith.constant 0 : i32
        %get3A_400 = arith.constant 0 : i32
        %get3A_401 = tpu.memref_slice %arg5[%scan3A, %get3A_399, %get3A_400] : memref<2x32x1024xf32, #tpu.memory_space<vmem>> -> memref<1x32x1024xf32, #tpu.memory_space<vmem>>
        %get3A_402 = tpu.memref_squeeze %get3A_401 : memref<1x32x1024xf32, #tpu.memory_space<vmem>> -> memref<32x1024xf32, #tpu.memory_space<vmem>>
        %get3A_403 = arith.constant 0 : i32
        %get3A_404 = tpu.memref_slice %get3A_402[%scan3A_150, %get3A_403] : memref<32x1024xf32, #tpu.memory_space<vmem>> -> memref<1x1024xf32, #tpu.memory_space<vmem>>
        %get3A_405 = tpu.memref_squeeze %get3A_404 : memref<1x1024xf32, #tpu.memory_space<vmem>> -> memref<1024xf32, #tpu.memory_space<vmem>>
        %get3A_406 = arith.index_cast %mul3A_398 : i32 to index
        %get3A_407 = tpu.vector_load %get3A_405[%get3A_406] {strides = array<i32>} : memref<1024xf32, #tpu.memory_space<vmem>>, vector<16xf32>,
        %get3A_408 = vector.shape_cast %get3A_407 : vector<16xf32> to vector<16xf32>
        %gt3A_409 = arith.cmpf ogt, %get3A_408, %select_n3A_390 : vector<16xf32>
        %select_n3A_410 = arith.select %gt3A_409, %get3A_408, %select_n3A_390 : vector<16xi1>, vector<16xf32>
        %broadcast_in_dim3A_411 = vector.broadcast %add3A_396 : i32 to vector<16xi32>
        %select_n3A_412 = arith.select %gt3A_409, %broadcast_in_dim3A_411, %select_n3A_392 : vector<16xi1>, vector<16xi32>
        %mul3A_413 = arith.constant 16 : i32
        %mul3A_414 = arith.muli %scan3A_173, %mul3A_413 : i32
        %add3A_415 = arith.constant 12 : i32
        %add3A_416 = arith.addi %mul3A_414, %add3A_415 : i32
        %mul3A_417 = arith.constant 16 : i32
        %mul3A_418 = arith.muli %add3A_416, %mul3A_417 : i32
        %get3A_419 = arith.constant 0 : i32
        %get3A_420 = arith.constant 0 : i32
        %get3A_421 = tpu.memref_slice %arg5[%scan3A, %get3A_419, %get3A_420] : memref<2x32x1024xf32, #tpu.memory_space<vmem>> -> memref<1x32x1024xf32, #tpu.memory_space<vmem>>
        %get3A_422 = tpu.memref_squeeze %get3A_421 : memref<1x32x1024xf32, #tpu.memory_space<vmem>> -> memref<32x1024xf32, #tpu.memory_space<vmem>>
        %get3A_423 = arith.constant 0 : i32
        %get3A_424 = tpu.memref_slice %get3A_422[%scan3A_150, %get3A_423] : memref<32x1024xf32, #tpu.memory_space<vmem>> -> memref<1x1024xf32, #tpu.memory_space<vmem>>
        %get3A_425 = tpu.memref_squeeze %get3A_424 : memref<1x1024xf32, #tpu.memory_space<vmem>> -> memref<1024xf32, #tpu.memory_space<vmem>>
        %get3A_426 = arith.index_cast %mul3A_418 : i32 to index
        %get3A_427 = tpu.vector_load %get3A_425[%get3A_426] {strides = array<i32>} : memref<1024xf32, #tpu.memory_space<vmem>>, vector<16xf32>,
        %get3A_428 = vector.shape_cast %get3A_427 : vector<16xf32> to vector<16xf32>
        %gt3A_429 = arith.cmpf ogt, %get3A_428, %select_n3A_410 : vector<16xf32>
        %select_n3A_430 = arith.select %gt3A_429, %get3A_428, %select_n3A_410 : vector<16xi1>, vector<16xf32>
        %broadcast_in_dim3A_431 = vector.broadcast %add3A_416 : i32 to vector<16xi32>
        %select_n3A_432 = arith.select %gt3A_429, %broadcast_in_dim3A_431, %select_n3A_412 : vector<16xi1>, vector<16xi32>
        %mul3A_433 = arith.constant 16 : i32
        %mul3A_434 = arith.muli %scan3A_173, %mul3A_433 : i32
        %add3A_435 = arith.constant 13 : i32
        %add3A_436 = arith.addi %mul3A_434, %add3A_435 : i32
        %mul3A_437 = arith.constant 16 : i32
        %mul3A_438 = arith.muli %add3A_436, %mul3A_437 : i32
        %get3A_439 = arith.constant 0 : i32
        %get3A_440 = arith.constant 0 : i32
        %get3A_441 = tpu.memref_slice %arg5[%scan3A, %get3A_439, %get3A_440] : memref<2x32x1024xf32, #tpu.memory_space<vmem>> -> memref<1x32x1024xf32, #tpu.memory_space<vmem>>
        %get3A_442 = tpu.memref_squeeze %get3A_441 : memref<1x32x1024xf32, #tpu.memory_space<vmem>> -> memref<32x1024xf32, #tpu.memory_space<vmem>>
        %get3A_443 = arith.constant 0 : i32
        %get3A_444 = tpu.memref_slice %get3A_442[%scan3A_150, %get3A_443] : memref<32x1024xf32, #tpu.memory_space<vmem>> -> memref<1x1024xf32, #tpu.memory_space<vmem>>
        %get3A_445 = tpu.memref_squeeze %get3A_444 : memref<1x1024xf32, #tpu.memory_space<vmem>> -> memref<1024xf32, #tpu.memory_space<vmem>>
        %get3A_446 = arith.index_cast %mul3A_438 : i32 to index
        %get3A_447 = tpu.vector_load %get3A_445[%get3A_446] {strides = array<i32>} : memref<1024xf32, #tpu.memory_space<vmem>>, vector<16xf32>,
        %get3A_448 = vector.shape_cast %get3A_447 : vector<16xf32> to vector<16xf32>
        %gt3A_449 = arith.cmpf ogt, %get3A_448, %select_n3A_430 : vector<16xf32>
        %select_n3A_450 = arith.select %gt3A_449, %get3A_448, %select_n3A_430 : vector<16xi1>, vector<16xf32>
        %broadcast_in_dim3A_451 = vector.broadcast %add3A_436 : i32 to vector<16xi32>
        %select_n3A_452 = arith.select %gt3A_449, %broadcast_in_dim3A_451, %select_n3A_432 : vector<16xi1>, vector<16xi32>
        %mul3A_453 = arith.constant 16 : i32
        %mul3A_454 = arith.muli %scan3A_173, %mul3A_453 : i32
        %add3A_455 = arith.constant 14 : i32
        %add3A_456 = arith.addi %mul3A_454, %add3A_455 : i32
        %mul3A_457 = arith.constant 16 : i32
        %mul3A_458 = arith.muli %add3A_456, %mul3A_457 : i32
        %get3A_459 = arith.constant 0 : i32
        %get3A_460 = arith.constant 0 : i32
        %get3A_461 = tpu.memref_slice %arg5[%scan3A, %get3A_459, %get3A_460] : memref<2x32x1024xf32, #tpu.memory_space<vmem>> -> memref<1x32x1024xf32, #tpu.memory_space<vmem>>
        %get3A_462 = tpu.memref_squeeze %get3A_461 : memref<1x32x1024xf32, #tpu.memory_space<vmem>> -> memref<32x1024xf32, #tpu.memory_space<vmem>>
        %get3A_463 = arith.constant 0 : i32
        %get3A_464 = tpu.memref_slice %get3A_462[%scan3A_150, %get3A_463] : memref<32x1024xf32, #tpu.memory_space<vmem>> -> memref<1x1024xf32, #tpu.memory_space<vmem>>
        %get3A_465 = tpu.memref_squeeze %get3A_464 : memref<1x1024xf32, #tpu.memory_space<vmem>> -> memref<1024xf32, #tpu.memory_space<vmem>>
        %get3A_466 = arith.index_cast %mul3A_458 : i32 to index
        %get3A_467 = tpu.vector_load %get3A_465[%get3A_466] {strides = array<i32>} : memref<1024xf32, #tpu.memory_space<vmem>>, vector<16xf32>,
        %get3A_468 = vector.shape_cast %get3A_467 : vector<16xf32> to vector<16xf32>
        %gt3A_469 = arith.cmpf ogt, %get3A_468, %select_n3A_450 : vector<16xf32>
        %select_n3A_470 = arith.select %gt3A_469, %get3A_468, %select_n3A_450 : vector<16xi1>, vector<16xf32>
        %broadcast_in_dim3A_471 = vector.broadcast %add3A_456 : i32 to vector<16xi32>
        %select_n3A_472 = arith.select %gt3A_469, %broadcast_in_dim3A_471, %select_n3A_452 : vector<16xi1>, vector<16xi32>
        %mul3A_473 = arith.constant 16 : i32
        %mul3A_474 = arith.muli %scan3A_173, %mul3A_473 : i32
        %add3A_475 = arith.constant 15 : i32
        %add3A_476 = arith.addi %mul3A_474, %add3A_475 : i32
        %mul3A_477 = arith.constant 16 : i32
        %mul3A_478 = arith.muli %add3A_476, %mul3A_477 : i32
        %get3A_479 = arith.constant 0 : i32
        %get3A_480 = arith.constant 0 : i32
        %get3A_481 = tpu.memref_slice %arg5[%scan3A, %get3A_479, %get3A_480] : memref<2x32x1024xf32, #tpu.memory_space<vmem>> -> memref<1x32x1024xf32, #tpu.memory_space<vmem>>
        %get3A_482 = tpu.memref_squeeze %get3A_481 : memref<1x32x1024xf32, #tpu.memory_space<vmem>> -> memref<32x1024xf32, #tpu.memory_space<vmem>>
        %get3A_483 = arith.constant 0 : i32
        %get3A_484 = tpu.memref_slice %get3A_482[%scan3A_150, %get3A_483] : memref<32x1024xf32, #tpu.memory_space<vmem>> -> memref<1x1024xf32, #tpu.memory_space<vmem>>
        %get3A_485 = tpu.memref_squeeze %get3A_484 : memref<1x1024xf32, #tpu.memory_space<vmem>> -> memref<1024xf32, #tpu.memory_space<vmem>>
        %get3A_486 = arith.index_cast %mul3A_478 : i32 to index
        %get3A_487 = tpu.vector_load %get3A_485[%get3A_486] {strides = array<i32>} : memref<1024xf32, #tpu.memory_space<vmem>>, vector<16xf32>,
        %get3A_488 = vector.shape_cast %get3A_487 : vector<16xf32> to vector<16xf32>
        %gt3A_489 = arith.cmpf ogt, %get3A_488, %select_n3A_470 : vector<16xf32>
        %select_n3A_490 = arith.select %gt3A_489, %get3A_488, %select_n3A_470 : vector<16xi1>, vector<16xf32>
        %broadcast_in_dim3A_491 = vector.broadcast %add3A_476 : i32 to vector<16xi32>
        %select_n3A_492 = arith.select %gt3A_489, %broadcast_in_dim3A_491, %select_n3A_472 : vector<16xi1>, vector<16xi32>
        scf.yield %select_n3A_490, %select_n3A_492 : vector<16xf32>, vector<16xi32>
      }
      %scan3A_160 = arith.constant 4 : i32
      %add3A_161 = arith.constant 0 : i32
      %add3A_162 = arith.addi %add3A_161, %scan3A_150 : i32
      %mul3A_163 = arith.constant 16 : i32
      %mul3A_164 = arith.muli %add3A_162, %mul3A_163 : i32
      %swap3A = arith.index_cast %mul3A_164 : i32 to index
      %swap3A_165 = tpu.vector_load %arg6[%swap3A] {strides = array<i32>} : memref<2048xi32, #tpu.memory_space<vmem>>, vector<16xi32>,
      %swap3A_166 = vector.shape_cast %swap3A_165 : vector<16xi32> to vector<16xi32>
      %swap3A_167 = vector.shape_cast %scan3A_159#1 : vector<16xi32> to vector<16xi32>
      tpu.vector_store %arg6[%swap3A], %swap3A_167 {strides = array<i32>} : memref<2048xi32, #tpu.memory_space<vmem>>, vector<16xi32>,
      %swap3A_168 = arith.index_cast %mul3A_164 : i32 to index
      %swap3A_169 = tpu.vector_load %arg7[%swap3A_168] {strides = array<i32>} : memref<2048xf32, #tpu.memory_space<vmem>>, vector<16xf32>,
      %swap3A_170 = vector.shape_cast %swap3A_169 : vector<16xf32> to vector<16xf32>
      %swap3A_171 = vector.shape_cast %scan3A_159#0 : vector<16xf32> to vector<16xf32>
      tpu.vector_store %arg7[%swap3A_168], %swap3A_171 {strides = array<i32>} : memref<2048xf32, #tpu.memory_space<vmem>>, vector<16xf32>,
      %scan3A_172 = arith.constant 0 : i32
      scf.yield %scan3A_172 : i32
    }
    %scan3A_52 = arith.constant 32 : i32
    %dma_wait3A_53 = arith.constant 1 : i32
    %dma_wait3A_54 = arith.constant 0 : i32
    %dma_wait3A_55 = arith.constant 0 : i32
    %dma_wait3A_56 = tpu.memref_slice %arg5[%dma_wait3A_53, %dma_wait3A_54, %dma_wait3A_55] : memref<2x32x1024xf32, #tpu.memory_space<vmem>> -> memref<1x32x1024xf32, #tpu.memory_space<vmem>>
    %dma_wait3A_57 = tpu.memref_squeeze %dma_wait3A_56 : memref<1x32x1024xf32, #tpu.memory_space<vmem>> -> memref<32x1024xf32, #tpu.memory_space<vmem>>
    %dma_wait3A_58 = arith.constant 0 : i32
    %dma_wait3A_59 = tpu.memref_slice %arg2[%add3A_32, %dma_wait3A_58] : memref<8192x1024xf32, #tpu.memory_space<hbm>> -> memref<32x1024xf32, #tpu.memory_space<hbm>>
    %dma_wait3A_60 = arith.constant 0 : i32
    %dma_wait3A_61 = arith.constant 0 : i32
    %dma_wait3A_62 = tpu.memref_slice %arg5[%dma_wait3A_53, %dma_wait3A_60, %dma_wait3A_61] : memref<2x32x1024xf32, #tpu.memory_space<vmem>> -> memref<1x32x1024xf32, #tpu.memory_space<vmem>>
    %dma_wait3A_63 = tpu.memref_squeeze %dma_wait3A_62 : memref<1x32x1024xf32, #tpu.memory_space<vmem>> -> memref<32x1024xf32, #tpu.memory_space<vmem>>
    %dma_wait3A_64 = arith.constant 0 : i32
    %dma_wait3A_65 = tpu.memref_slice %arg2[%add3A_32, %dma_wait3A_64] : memref<8192x1024xf32, #tpu.memory_space<hbm>> -> memref<32x1024xf32, #tpu.memory_space<hbm>>
    tpu.wait_dma2 semaphore(%arg9 : memref<!tpu.dma_semaphore, #tpu.memory_space<semaphore_mem>>) src(%dma_wait3A_65 : memref<32x1024xf32, #tpu.memory_space<hbm>>) dst(%dma_wait3A_63 : memref<32x1024xf32, #tpu.memory_space<vmem>>)
    %add3A_66 = arith.constant 64 : i32
    %add3A_67 = arith.addi %add3A_4, %add3A_66 : i32
    %dma_start3A_68 = arith.constant 0 : i32
    %dma_start3A_69 = arith.constant 0 : i32
    %dma_start3A_70 = arith.constant 0 : i32
    %dma_start3A_71 = tpu.memref_slice %arg5[%dma_start3A_68, %dma_start3A_69, %dma_start3A_70] : memref<2x32x1024xf32, #tpu.memory_space<vmem>> -> memref<1x32x1024xf32, #tpu.memory_space<vmem>>
    %dma_start3A_72 = tpu.memref_squeeze %dma_start3A_71 : memref<1x32x1024xf32, #tpu.memory_space<vmem>> -> memref<32x1024xf32, #tpu.memory_space<vmem>>
    %dma_start3A_73 = arith.constant 0 : i32
    %dma_start3A_74 = tpu.memref_slice %arg2[%add3A_67, %dma_start3A_73] : memref<8192x1024xf32, #tpu.memory_space<hbm>> -> memref<32x1024xf32, #tpu.memory_space<hbm>>
    %dma_start3A_75 = arith.constant 0 : i32
    %dma_start3A_76 = arith.constant 0 : i32
    %dma_start3A_77 = tpu.memref_slice %arg5[%dma_start3A_68, %dma_start3A_75, %dma_start3A_76] : memref<2x32x1024xf32, #tpu.memory_space<vmem>> -> memref<1x32x1024xf32, #tpu.memory_space<vmem>>
    %dma_start3A_78 = tpu.memref_squeeze %dma_start3A_77 : memref<1x32x1024xf32, #tpu.memory_space<vmem>> -> memref<32x1024xf32, #tpu.memory_space<vmem>>
    %dma_start3A_79 = arith.constant 0 : i32
    %dma_start3A_80 = tpu.memref_slice %arg2[%add3A_67, %dma_start3A_79] : memref<8192x1024xf32, #tpu.memory_space<hbm>> -> memref<32x1024xf32, #tpu.memory_space<hbm>>
    tpu.enqueue_dma source(%dma_start3A_80 : memref<32x1024xf32, #tpu.memory_space<hbm>>) target(%dma_start3A_78 : memref<32x1024xf32, #tpu.memory_space<vmem>>) target_semaphore(%arg8 : memref<!tpu.dma_semaphore, #tpu.memory_space<semaphore_mem>>)
    %scan3A_81 = arith.constant 1 : i32
    %scan3A_82 = arith.constant 0 : i32
    %scan3A_83 = arith.constant 0 : i32
    %scan3A_84 = arith.constant 32 : i32
    %scan3A_85 = arith.addi %scan3A_83, %scan3A_84 : i32
    %scan3A_86 = arith.constant 1 : i32
    %scan3A_87 = scf.for %scan3A_150 = %scan3A_83 to %scan3A_85 step %scan3A_86 iter_args(%scan3A_151 = %scan3A_82) -> (i32)  : i32 {
      %broadcast_in_dim3A = arith.constant -3.000000e+38 : f32
      %broadcast_in_dim3A_152 = vector.broadcast %broadcast_in_dim3A : f32 to vector<16xf32>
      %broadcast_in_dim3A_153 = arith.constant 0 : i32
      %broadcast_in_dim3A_154 = vector.broadcast %broadcast_in_dim3A_153 : i32 to vector<16xi32>
      %scan3A_155 = arith.constant 0 : i32
      %scan3A_156 = arith.constant 4 : i32
      %scan3A_157 = arith.addi %scan3A_155, %scan3A_156 : i32
      %scan3A_158 = arith.constant 1 : i32
      %scan3A_159:2 = scf.for %scan3A_173 = %scan3A_155 to %scan3A_157 step %scan3A_158 iter_args(%scan3A_174 = %broadcast_in_dim3A_152, %scan3A_175 = %broadcast_in_dim3A_154) -> (vector<16xf32>, vector<16xi32>)  : i32 {
        %mul3A_176 = arith.constant 16 : i32
        %mul3A_177 = arith.muli %scan3A_173, %mul3A_176 : i32
        %add3A_178 = arith.constant 0 : i32
        %add3A_179 = arith.addi %mul3A_177, %add3A_178 : i32
        %mul3A_180 = arith.constant 16 : i32
        %mul3A_181 = arith.muli %add3A_179, %mul3A_180 : i32
        %get3A = arith.constant 0 : i32
        %get3A_182 = arith.constant 0 : i32
        %get3A_183 = tpu.memref_slice %arg5[%scan3A_81, %get3A, %get3A_182] : memref<2x32x1024xf32, #tpu.memory_space<vmem>> -> memref<1x32x1024xf32, #tpu.memory_space<vmem>>
        %get3A_184 = tpu.memref_squeeze %get3A_183 : memref<1x32x1024xf32, #tpu.memory_space<vmem>> -> memref<32x1024xf32, #tpu.memory_space<vmem>>
        %get3A_185 = arith.constant 0 : i32
        %get3A_186 = tpu.memref_slice %get3A_184[%scan3A_150, %get3A_185] : memref<32x1024xf32, #tpu.memory_space<vmem>> -> memref<1x1024xf32, #tpu.memory_space<vmem>>
        %get3A_187 = tpu.memref_squeeze %get3A_186 : memref<1x1024xf32, #tpu.memory_space<vmem>> -> memref<1024xf32, #tpu.memory_space<vmem>>
        %get3A_188 = arith.index_cast %mul3A_181 : i32 to index
        %get3A_189 = tpu.vector_load %get3A_187[%get3A_188] {strides = array<i32>} : memref<1024xf32, #tpu.memory_space<vmem>>, vector<16xf32>,
        %get3A_190 = vector.shape_cast %get3A_189 : vector<16xf32> to vector<16xf32>
        %gt3A = arith.cmpf ogt, %get3A_190, %scan3A_174 : vector<16xf32>
        %select_n3A = arith.select %gt3A, %get3A_190, %scan3A_174 : vector<16xi1>, vector<16xf32>
        %broadcast_in_dim3A_191 = vector.broadcast %add3A_179 : i32 to vector<16xi32>
        %select_n3A_192 = arith.select %gt3A, %broadcast_in_dim3A_191, %scan3A_175 : vector<16xi1>, vector<16xi32>
        %mul3A_193 = arith.constant 16 : i32
        %mul3A_194 = arith.muli %scan3A_173, %mul3A_193 : i32
        %add3A_195 = arith.constant 1 : i32
        %add3A_196 = arith.addi %mul3A_194, %add3A_195 : i32
        %mul3A_197 = arith.constant 16 : i32
        %mul3A_198 = arith.muli %add3A_196, %mul3A_197 : i32
        %get3A_199 = arith.constant 0 : i32
        %get3A_200 = arith.constant 0 : i32
        %get3A_201 = tpu.memref_slice %arg5[%scan3A_81, %get3A_199, %get3A_200] : memref<2x32x1024xf32, #tpu.memory_space<vmem>> -> memref<1x32x1024xf32, #tpu.memory_space<vmem>>
        %get3A_202 = tpu.memref_squeeze %get3A_201 : memref<1x32x1024xf32, #tpu.memory_space<vmem>> -> memref<32x1024xf32, #tpu.memory_space<vmem>>
        %get3A_203 = arith.constant 0 : i32
        %get3A_204 = tpu.memref_slice %get3A_202[%scan3A_150, %get3A_203] : memref<32x1024xf32, #tpu.memory_space<vmem>> -> memref<1x1024xf32, #tpu.memory_space<vmem>>
        %get3A_205 = tpu.memref_squeeze %get3A_204 : memref<1x1024xf32, #tpu.memory_space<vmem>> -> memref<1024xf32, #tpu.memory_space<vmem>>
        %get3A_206 = arith.index_cast %mul3A_198 : i32 to index
        %get3A_207 = tpu.vector_load %get3A_205[%get3A_206] {strides = array<i32>} : memref<1024xf32, #tpu.memory_space<vmem>>, vector<16xf32>,
        %get3A_208 = vector.shape_cast %get3A_207 : vector<16xf32> to vector<16xf32>
        %gt3A_209 = arith.cmpf ogt, %get3A_208, %select_n3A : vector<16xf32>
        %select_n3A_210 = arith.select %gt3A_209, %get3A_208, %select_n3A : vector<16xi1>, vector<16xf32>
        %broadcast_in_dim3A_211 = vector.broadcast %add3A_196 : i32 to vector<16xi32>
        %select_n3A_212 = arith.select %gt3A_209, %broadcast_in_dim3A_211, %select_n3A_192 : vector<16xi1>, vector<16xi32>
        %mul3A_213 = arith.constant 16 : i32
        %mul3A_214 = arith.muli %scan3A_173, %mul3A_213 : i32
        %add3A_215 = arith.constant 2 : i32
        %add3A_216 = arith.addi %mul3A_214, %add3A_215 : i32
        %mul3A_217 = arith.constant 16 : i32
        %mul3A_218 = arith.muli %add3A_216, %mul3A_217 : i32
        %get3A_219 = arith.constant 0 : i32
        %get3A_220 = arith.constant 0 : i32
        %get3A_221 = tpu.memref_slice %arg5[%scan3A_81, %get3A_219, %get3A_220] : memref<2x32x1024xf32, #tpu.memory_space<vmem>> -> memref<1x32x1024xf32, #tpu.memory_space<vmem>>
        %get3A_222 = tpu.memref_squeeze %get3A_221 : memref<1x32x1024xf32, #tpu.memory_space<vmem>> -> memref<32x1024xf32, #tpu.memory_space<vmem>>
        %get3A_223 = arith.constant 0 : i32
        %get3A_224 = tpu.memref_slice %get3A_222[%scan3A_150, %get3A_223] : memref<32x1024xf32, #tpu.memory_space<vmem>> -> memref<1x1024xf32, #tpu.memory_space<vmem>>
        %get3A_225 = tpu.memref_squeeze %get3A_224 : memref<1x1024xf32, #tpu.memory_space<vmem>> -> memref<1024xf32, #tpu.memory_space<vmem>>
        %get3A_226 = arith.index_cast %mul3A_218 : i32 to index
        %get3A_227 = tpu.vector_load %get3A_225[%get3A_226] {strides = array<i32>} : memref<1024xf32, #tpu.memory_space<vmem>>, vector<16xf32>,
        %get3A_228 = vector.shape_cast %get3A_227 : vector<16xf32> to vector<16xf32>
        %gt3A_229 = arith.cmpf ogt, %get3A_228, %select_n3A_210 : vector<16xf32>
        %select_n3A_230 = arith.select %gt3A_229, %get3A_228, %select_n3A_210 : vector<16xi1>, vector<16xf32>
        %broadcast_in_dim3A_231 = vector.broadcast %add3A_216 : i32 to vector<16xi32>
        %select_n3A_232 = arith.select %gt3A_229, %broadcast_in_dim3A_231, %select_n3A_212 : vector<16xi1>, vector<16xi32>
        %mul3A_233 = arith.constant 16 : i32
        %mul3A_234 = arith.muli %scan3A_173, %mul3A_233 : i32
        %add3A_235 = arith.constant 3 : i32
        %add3A_236 = arith.addi %mul3A_234, %add3A_235 : i32
        %mul3A_237 = arith.constant 16 : i32
        %mul3A_238 = arith.muli %add3A_236, %mul3A_237 : i32
        %get3A_239 = arith.constant 0 : i32
        %get3A_240 = arith.constant 0 : i32
        %get3A_241 = tpu.memref_slice %arg5[%scan3A_81, %get3A_239, %get3A_240] : memref<2x32x1024xf32, #tpu.memory_space<vmem>> -> memref<1x32x1024xf32, #tpu.memory_space<vmem>>
        %get3A_242 = tpu.memref_squeeze %get3A_241 : memref<1x32x1024xf32, #tpu.memory_space<vmem>> -> memref<32x1024xf32, #tpu.memory_space<vmem>>
        %get3A_243 = arith.constant 0 : i32
        %get3A_244 = tpu.memref_slice %get3A_242[%scan3A_150, %get3A_243] : memref<32x1024xf32, #tpu.memory_space<vmem>> -> memref<1x1024xf32, #tpu.memory_space<vmem>>
        %get3A_245 = tpu.memref_squeeze %get3A_244 : memref<1x1024xf32, #tpu.memory_space<vmem>> -> memref<1024xf32, #tpu.memory_space<vmem>>
        %get3A_246 = arith.index_cast %mul3A_238 : i32 to index
        %get3A_247 = tpu.vector_load %get3A_245[%get3A_246] {strides = array<i32>} : memref<1024xf32, #tpu.memory_space<vmem>>, vector<16xf32>,
        %get3A_248 = vector.shape_cast %get3A_247 : vector<16xf32> to vector<16xf32>
        %gt3A_249 = arith.cmpf ogt, %get3A_248, %select_n3A_230 : vector<16xf32>
        %select_n3A_250 = arith.select %gt3A_249, %get3A_248, %select_n3A_230 : vector<16xi1>, vector<16xf32>
        %broadcast_in_dim3A_251 = vector.broadcast %add3A_236 : i32 to vector<16xi32>
        %select_n3A_252 = arith.select %gt3A_249, %broadcast_in_dim3A_251, %select_n3A_232 : vector<16xi1>, vector<16xi32>
        %mul3A_253 = arith.constant 16 : i32
        %mul3A_254 = arith.muli %scan3A_173, %mul3A_253 : i32
        %add3A_255 = arith.constant 4 : i32
        %add3A_256 = arith.addi %mul3A_254, %add3A_255 : i32
        %mul3A_257 = arith.constant 16 : i32
        %mul3A_258 = arith.muli %add3A_256, %mul3A_257 : i32
        %get3A_259 = arith.constant 0 : i32
        %get3A_260 = arith.constant 0 : i32
        %get3A_261 = tpu.memref_slice %arg5[%scan3A_81, %get3A_259, %get3A_260] : memref<2x32x1024xf32, #tpu.memory_space<vmem>> -> memref<1x32x1024xf32, #tpu.memory_space<vmem>>
        %get3A_262 = tpu.memref_squeeze %get3A_261 : memref<1x32x1024xf32, #tpu.memory_space<vmem>> -> memref<32x1024xf32, #tpu.memory_space<vmem>>
        %get3A_263 = arith.constant 0 : i32
        %get3A_264 = tpu.memref_slice %get3A_262[%scan3A_150, %get3A_263] : memref<32x1024xf32, #tpu.memory_space<vmem>> -> memref<1x1024xf32, #tpu.memory_space<vmem>>
        %get3A_265 = tpu.memref_squeeze %get3A_264 : memref<1x1024xf32, #tpu.memory_space<vmem>> -> memref<1024xf32, #tpu.memory_space<vmem>>
        %get3A_266 = arith.index_cast %mul3A_258 : i32 to index
        %get3A_267 = tpu.vector_load %get3A_265[%get3A_266] {strides = array<i32>} : memref<1024xf32, #tpu.memory_space<vmem>>, vector<16xf32>,
        %get3A_268 = vector.shape_cast %get3A_267 : vector<16xf32> to vector<16xf32>
        %gt3A_269 = arith.cmpf ogt, %get3A_268, %select_n3A_250 : vector<16xf32>
        %select_n3A_270 = arith.select %gt3A_269, %get3A_268, %select_n3A_250 : vector<16xi1>, vector<16xf32>
        %broadcast_in_dim3A_271 = vector.broadcast %add3A_256 : i32 to vector<16xi32>
        %select_n3A_272 = arith.select %gt3A_269, %broadcast_in_dim3A_271, %select_n3A_252 : vector<16xi1>, vector<16xi32>
        %mul3A_273 = arith.constant 16 : i32
        %mul3A_274 = arith.muli %scan3A_173, %mul3A_273 : i32
        %add3A_275 = arith.constant 5 : i32
        %add3A_276 = arith.addi %mul3A_274, %add3A_275 : i32
        %mul3A_277 = arith.constant 16 : i32
        %mul3A_278 = arith.muli %add3A_276, %mul3A_277 : i32
        %get3A_279 = arith.constant 0 : i32
        %get3A_280 = arith.constant 0 : i32
        %get3A_281 = tpu.memref_slice %arg5[%scan3A_81, %get3A_279, %get3A_280] : memref<2x32x1024xf32, #tpu.memory_space<vmem>> -> memref<1x32x1024xf32, #tpu.memory_space<vmem>>
        %get3A_282 = tpu.memref_squeeze %get3A_281 : memref<1x32x1024xf32, #tpu.memory_space<vmem>> -> memref<32x1024xf32, #tpu.memory_space<vmem>>
        %get3A_283 = arith.constant 0 : i32
        %get3A_284 = tpu.memref_slice %get3A_282[%scan3A_150, %get3A_283] : memref<32x1024xf32, #tpu.memory_space<vmem>> -> memref<1x1024xf32, #tpu.memory_space<vmem>>
        %get3A_285 = tpu.memref_squeeze %get3A_284 : memref<1x1024xf32, #tpu.memory_space<vmem>> -> memref<1024xf32, #tpu.memory_space<vmem>>
        %get3A_286 = arith.index_cast %mul3A_278 : i32 to index
        %get3A_287 = tpu.vector_load %get3A_285[%get3A_286] {strides = array<i32>} : memref<1024xf32, #tpu.memory_space<vmem>>, vector<16xf32>,
        %get3A_288 = vector.shape_cast %get3A_287 : vector<16xf32> to vector<16xf32>
        %gt3A_289 = arith.cmpf ogt, %get3A_288, %select_n3A_270 : vector<16xf32>
        %select_n3A_290 = arith.select %gt3A_289, %get3A_288, %select_n3A_270 : vector<16xi1>, vector<16xf32>
        %broadcast_in_dim3A_291 = vector.broadcast %add3A_276 : i32 to vector<16xi32>
        %select_n3A_292 = arith.select %gt3A_289, %broadcast_in_dim3A_291, %select_n3A_272 : vector<16xi1>, vector<16xi32>
        %mul3A_293 = arith.constant 16 : i32
        %mul3A_294 = arith.muli %scan3A_173, %mul3A_293 : i32
        %add3A_295 = arith.constant 6 : i32
        %add3A_296 = arith.addi %mul3A_294, %add3A_295 : i32
        %mul3A_297 = arith.constant 16 : i32
        %mul3A_298 = arith.muli %add3A_296, %mul3A_297 : i32
        %get3A_299 = arith.constant 0 : i32
        %get3A_300 = arith.constant 0 : i32
        %get3A_301 = tpu.memref_slice %arg5[%scan3A_81, %get3A_299, %get3A_300] : memref<2x32x1024xf32, #tpu.memory_space<vmem>> -> memref<1x32x1024xf32, #tpu.memory_space<vmem>>
        %get3A_302 = tpu.memref_squeeze %get3A_301 : memref<1x32x1024xf32, #tpu.memory_space<vmem>> -> memref<32x1024xf32, #tpu.memory_space<vmem>>
        %get3A_303 = arith.constant 0 : i32
        %get3A_304 = tpu.memref_slice %get3A_302[%scan3A_150, %get3A_303] : memref<32x1024xf32, #tpu.memory_space<vmem>> -> memref<1x1024xf32, #tpu.memory_space<vmem>>
        %get3A_305 = tpu.memref_squeeze %get3A_304 : memref<1x1024xf32, #tpu.memory_space<vmem>> -> memref<1024xf32, #tpu.memory_space<vmem>>
        %get3A_306 = arith.index_cast %mul3A_298 : i32 to index
        %get3A_307 = tpu.vector_load %get3A_305[%get3A_306] {strides = array<i32>} : memref<1024xf32, #tpu.memory_space<vmem>>, vector<16xf32>,
        %get3A_308 = vector.shape_cast %get3A_307 : vector<16xf32> to vector<16xf32>
        %gt3A_309 = arith.cmpf ogt, %get3A_308, %select_n3A_290 : vector<16xf32>
        %select_n3A_310 = arith.select %gt3A_309, %get3A_308, %select_n3A_290 : vector<16xi1>, vector<16xf32>
        %broadcast_in_dim3A_311 = vector.broadcast %add3A_296 : i32 to vector<16xi32>
        %select_n3A_312 = arith.select %gt3A_309, %broadcast_in_dim3A_311, %select_n3A_292 : vector<16xi1>, vector<16xi32>
        %mul3A_313 = arith.constant 16 : i32
        %mul3A_314 = arith.muli %scan3A_173, %mul3A_313 : i32
        %add3A_315 = arith.constant 7 : i32
        %add3A_316 = arith.addi %mul3A_314, %add3A_315 : i32
        %mul3A_317 = arith.constant 16 : i32
        %mul3A_318 = arith.muli %add3A_316, %mul3A_317 : i32
        %get3A_319 = arith.constant 0 : i32
        %get3A_320 = arith.constant 0 : i32
        %get3A_321 = tpu.memref_slice %arg5[%scan3A_81, %get3A_319, %get3A_320] : memref<2x32x1024xf32, #tpu.memory_space<vmem>> -> memref<1x32x1024xf32, #tpu.memory_space<vmem>>
        %get3A_322 = tpu.memref_squeeze %get3A_321 : memref<1x32x1024xf32, #tpu.memory_space<vmem>> -> memref<32x1024xf32, #tpu.memory_space<vmem>>
        %get3A_323 = arith.constant 0 : i32
        %get3A_324 = tpu.memref_slice %get3A_322[%scan3A_150, %get3A_323] : memref<32x1024xf32, #tpu.memory_space<vmem>> -> memref<1x1024xf32, #tpu.memory_space<vmem>>
        %get3A_325 = tpu.memref_squeeze %get3A_324 : memref<1x1024xf32, #tpu.memory_space<vmem>> -> memref<1024xf32, #tpu.memory_space<vmem>>
        %get3A_326 = arith.index_cast %mul3A_318 : i32 to index
        %get3A_327 = tpu.vector_load %get3A_325[%get3A_326] {strides = array<i32>} : memref<1024xf32, #tpu.memory_space<vmem>>, vector<16xf32>,
        %get3A_328 = vector.shape_cast %get3A_327 : vector<16xf32> to vector<16xf32>
        %gt3A_329 = arith.cmpf ogt, %get3A_328, %select_n3A_310 : vector<16xf32>
        %select_n3A_330 = arith.select %gt3A_329, %get3A_328, %select_n3A_310 : vector<16xi1>, vector<16xf32>
        %broadcast_in_dim3A_331 = vector.broadcast %add3A_316 : i32 to vector<16xi32>
        %select_n3A_332 = arith.select %gt3A_329, %broadcast_in_dim3A_331, %select_n3A_312 : vector<16xi1>, vector<16xi32>
        %mul3A_333 = arith.constant 16 : i32
        %mul3A_334 = arith.muli %scan3A_173, %mul3A_333 : i32
        %add3A_335 = arith.constant 8 : i32
        %add3A_336 = arith.addi %mul3A_334, %add3A_335 : i32
        %mul3A_337 = arith.constant 16 : i32
        %mul3A_338 = arith.muli %add3A_336, %mul3A_337 : i32
        %get3A_339 = arith.constant 0 : i32
        %get3A_340 = arith.constant 0 : i32
        %get3A_341 = tpu.memref_slice %arg5[%scan3A_81, %get3A_339, %get3A_340] : memref<2x32x1024xf32, #tpu.memory_space<vmem>> -> memref<1x32x1024xf32, #tpu.memory_space<vmem>>
        %get3A_342 = tpu.memref_squeeze %get3A_341 : memref<1x32x1024xf32, #tpu.memory_space<vmem>> -> memref<32x1024xf32, #tpu.memory_space<vmem>>
        %get3A_343 = arith.constant 0 : i32
        %get3A_344 = tpu.memref_slice %get3A_342[%scan3A_150, %get3A_343] : memref<32x1024xf32, #tpu.memory_space<vmem>> -> memref<1x1024xf32, #tpu.memory_space<vmem>>
        %get3A_345 = tpu.memref_squeeze %get3A_344 : memref<1x1024xf32, #tpu.memory_space<vmem>> -> memref<1024xf32, #tpu.memory_space<vmem>>
        %get3A_346 = arith.index_cast %mul3A_338 : i32 to index
        %get3A_347 = tpu.vector_load %get3A_345[%get3A_346] {strides = array<i32>} : memref<1024xf32, #tpu.memory_space<vmem>>, vector<16xf32>,
        %get3A_348 = vector.shape_cast %get3A_347 : vector<16xf32> to vector<16xf32>
        %gt3A_349 = arith.cmpf ogt, %get3A_348, %select_n3A_330 : vector<16xf32>
        %select_n3A_350 = arith.select %gt3A_349, %get3A_348, %select_n3A_330 : vector<16xi1>, vector<16xf32>
        %broadcast_in_dim3A_351 = vector.broadcast %add3A_336 : i32 to vector<16xi32>
        %select_n3A_352 = arith.select %gt3A_349, %broadcast_in_dim3A_351, %select_n3A_332 : vector<16xi1>, vector<16xi32>
        %mul3A_353 = arith.constant 16 : i32
        %mul3A_354 = arith.muli %scan3A_173, %mul3A_353 : i32
        %add3A_355 = arith.constant 9 : i32
        %add3A_356 = arith.addi %mul3A_354, %add3A_355 : i32
        %mul3A_357 = arith.constant 16 : i32
        %mul3A_358 = arith.muli %add3A_356, %mul3A_357 : i32
        %get3A_359 = arith.constant 0 : i32
        %get3A_360 = arith.constant 0 : i32
        %get3A_361 = tpu.memref_slice %arg5[%scan3A_81, %get3A_359, %get3A_360] : memref<2x32x1024xf32, #tpu.memory_space<vmem>> -> memref<1x32x1024xf32, #tpu.memory_space<vmem>>
        %get3A_362 = tpu.memref_squeeze %get3A_361 : memref<1x32x1024xf32, #tpu.memory_space<vmem>> -> memref<32x1024xf32, #tpu.memory_space<vmem>>
        %get3A_363 = arith.constant 0 : i32
        %get3A_364 = tpu.memref_slice %get3A_362[%scan3A_150, %get3A_363] : memref<32x1024xf32, #tpu.memory_space<vmem>> -> memref<1x1024xf32, #tpu.memory_space<vmem>>
        %get3A_365 = tpu.memref_squeeze %get3A_364 : memref<1x1024xf32, #tpu.memory_space<vmem>> -> memref<1024xf32, #tpu.memory_space<vmem>>
        %get3A_366 = arith.index_cast %mul3A_358 : i32 to index
        %get3A_367 = tpu.vector_load %get3A_365[%get3A_366] {strides = array<i32>} : memref<1024xf32, #tpu.memory_space<vmem>>, vector<16xf32>,
        %get3A_368 = vector.shape_cast %get3A_367 : vector<16xf32> to vector<16xf32>
        %gt3A_369 = arith.cmpf ogt, %get3A_368, %select_n3A_350 : vector<16xf32>
        %select_n3A_370 = arith.select %gt3A_369, %get3A_368, %select_n3A_350 : vector<16xi1>, vector<16xf32>
        %broadcast_in_dim3A_371 = vector.broadcast %add3A_356 : i32 to vector<16xi32>
        %select_n3A_372 = arith.select %gt3A_369, %broadcast_in_dim3A_371, %select_n3A_352 : vector<16xi1>, vector<16xi32>
        %mul3A_373 = arith.constant 16 : i32
        %mul3A_374 = arith.muli %scan3A_173, %mul3A_373 : i32
        %add3A_375 = arith.constant 10 : i32
        %add3A_376 = arith.addi %mul3A_374, %add3A_375 : i32
        %mul3A_377 = arith.constant 16 : i32
        %mul3A_378 = arith.muli %add3A_376, %mul3A_377 : i32
        %get3A_379 = arith.constant 0 : i32
        %get3A_380 = arith.constant 0 : i32
        %get3A_381 = tpu.memref_slice %arg5[%scan3A_81, %get3A_379, %get3A_380] : memref<2x32x1024xf32, #tpu.memory_space<vmem>> -> memref<1x32x1024xf32, #tpu.memory_space<vmem>>
        %get3A_382 = tpu.memref_squeeze %get3A_381 : memref<1x32x1024xf32, #tpu.memory_space<vmem>> -> memref<32x1024xf32, #tpu.memory_space<vmem>>
        %get3A_383 = arith.constant 0 : i32
        %get3A_384 = tpu.memref_slice %get3A_382[%scan3A_150, %get3A_383] : memref<32x1024xf32, #tpu.memory_space<vmem>> -> memref<1x1024xf32, #tpu.memory_space<vmem>>
        %get3A_385 = tpu.memref_squeeze %get3A_384 : memref<1x1024xf32, #tpu.memory_space<vmem>> -> memref<1024xf32, #tpu.memory_space<vmem>>
        %get3A_386 = arith.index_cast %mul3A_378 : i32 to index
        %get3A_387 = tpu.vector_load %get3A_385[%get3A_386] {strides = array<i32>} : memref<1024xf32, #tpu.memory_space<vmem>>, vector<16xf32>,
        %get3A_388 = vector.shape_cast %get3A_387 : vector<16xf32> to vector<16xf32>
        %gt3A_389 = arith.cmpf ogt, %get3A_388, %select_n3A_370 : vector<16xf32>
        %select_n3A_390 = arith.select %gt3A_389, %get3A_388, %select_n3A_370 : vector<16xi1>, vector<16xf32>
        %broadcast_in_dim3A_391 = vector.broadcast %add3A_376 : i32 to vector<16xi32>
        %select_n3A_392 = arith.select %gt3A_389, %broadcast_in_dim3A_391, %select_n3A_372 : vector<16xi1>, vector<16xi32>
        %mul3A_393 = arith.constant 16 : i32
        %mul3A_394 = arith.muli %scan3A_173, %mul3A_393 : i32
        %add3A_395 = arith.constant 11 : i32
        %add3A_396 = arith.addi %mul3A_394, %add3A_395 : i32
        %mul3A_397 = arith.constant 16 : i32
        %mul3A_398 = arith.muli %add3A_396, %mul3A_397 : i32
        %get3A_399 = arith.constant 0 : i32
        %get3A_400 = arith.constant 0 : i32
        %get3A_401 = tpu.memref_slice %arg5[%scan3A_81, %get3A_399, %get3A_400] : memref<2x32x1024xf32, #tpu.memory_space<vmem>> -> memref<1x32x1024xf32, #tpu.memory_space<vmem>>
        %get3A_402 = tpu.memref_squeeze %get3A_401 : memref<1x32x1024xf32, #tpu.memory_space<vmem>> -> memref<32x1024xf32, #tpu.memory_space<vmem>>
        %get3A_403 = arith.constant 0 : i32
        %get3A_404 = tpu.memref_slice %get3A_402[%scan3A_150, %get3A_403] : memref<32x1024xf32, #tpu.memory_space<vmem>> -> memref<1x1024xf32, #tpu.memory_space<vmem>>
        %get3A_405 = tpu.memref_squeeze %get3A_404 : memref<1x1024xf32, #tpu.memory_space<vmem>> -> memref<1024xf32, #tpu.memory_space<vmem>>
        %get3A_406 = arith.index_cast %mul3A_398 : i32 to index
        %get3A_407 = tpu.vector_load %get3A_405[%get3A_406] {strides = array<i32>} : memref<1024xf32, #tpu.memory_space<vmem>>, vector<16xf32>,
        %get3A_408 = vector.shape_cast %get3A_407 : vector<16xf32> to vector<16xf32>
        %gt3A_409 = arith.cmpf ogt, %get3A_408, %select_n3A_390 : vector<16xf32>
        %select_n3A_410 = arith.select %gt3A_409, %get3A_408, %select_n3A_390 : vector<16xi1>, vector<16xf32>
        %broadcast_in_dim3A_411 = vector.broadcast %add3A_396 : i32 to vector<16xi32>
        %select_n3A_412 = arith.select %gt3A_409, %broadcast_in_dim3A_411, %select_n3A_392 : vector<16xi1>, vector<16xi32>
        %mul3A_413 = arith.constant 16 : i32
        %mul3A_414 = arith.muli %scan3A_173, %mul3A_413 : i32
        %add3A_415 = arith.constant 12 : i32
        %add3A_416 = arith.addi %mul3A_414, %add3A_415 : i32
        %mul3A_417 = arith.constant 16 : i32
        %mul3A_418 = arith.muli %add3A_416, %mul3A_417 : i32
        %get3A_419 = arith.constant 0 : i32
        %get3A_420 = arith.constant 0 : i32
        %get3A_421 = tpu.memref_slice %arg5[%scan3A_81, %get3A_419, %get3A_420] : memref<2x32x1024xf32, #tpu.memory_space<vmem>> -> memref<1x32x1024xf32, #tpu.memory_space<vmem>>
        %get3A_422 = tpu.memref_squeeze %get3A_421 : memref<1x32x1024xf32, #tpu.memory_space<vmem>> -> memref<32x1024xf32, #tpu.memory_space<vmem>>
        %get3A_423 = arith.constant 0 : i32
        %get3A_424 = tpu.memref_slice %get3A_422[%scan3A_150, %get3A_423] : memref<32x1024xf32, #tpu.memory_space<vmem>> -> memref<1x1024xf32, #tpu.memory_space<vmem>>
        %get3A_425 = tpu.memref_squeeze %get3A_424 : memref<1x1024xf32, #tpu.memory_space<vmem>> -> memref<1024xf32, #tpu.memory_space<vmem>>
        %get3A_426 = arith.index_cast %mul3A_418 : i32 to index
        %get3A_427 = tpu.vector_load %get3A_425[%get3A_426] {strides = array<i32>} : memref<1024xf32, #tpu.memory_space<vmem>>, vector<16xf32>,
        %get3A_428 = vector.shape_cast %get3A_427 : vector<16xf32> to vector<16xf32>
        %gt3A_429 = arith.cmpf ogt, %get3A_428, %select_n3A_410 : vector<16xf32>
        %select_n3A_430 = arith.select %gt3A_429, %get3A_428, %select_n3A_410 : vector<16xi1>, vector<16xf32>
        %broadcast_in_dim3A_431 = vector.broadcast %add3A_416 : i32 to vector<16xi32>
        %select_n3A_432 = arith.select %gt3A_429, %broadcast_in_dim3A_431, %select_n3A_412 : vector<16xi1>, vector<16xi32>
        %mul3A_433 = arith.constant 16 : i32
        %mul3A_434 = arith.muli %scan3A_173, %mul3A_433 : i32
        %add3A_435 = arith.constant 13 : i32
        %add3A_436 = arith.addi %mul3A_434, %add3A_435 : i32
        %mul3A_437 = arith.constant 16 : i32
        %mul3A_438 = arith.muli %add3A_436, %mul3A_437 : i32
        %get3A_439 = arith.constant 0 : i32
        %get3A_440 = arith.constant 0 : i32
        %get3A_441 = tpu.memref_slice %arg5[%scan3A_81, %get3A_439, %get3A_440] : memref<2x32x1024xf32, #tpu.memory_space<vmem>> -> memref<1x32x1024xf32, #tpu.memory_space<vmem>>
        %get3A_442 = tpu.memref_squeeze %get3A_441 : memref<1x32x1024xf32, #tpu.memory_space<vmem>> -> memref<32x1024xf32, #tpu.memory_space<vmem>>
        %get3A_443 = arith.constant 0 : i32
        %get3A_444 = tpu.memref_slice %get3A_442[%scan3A_150, %get3A_443] : memref<32x1024xf32, #tpu.memory_space<vmem>> -> memref<1x1024xf32, #tpu.memory_space<vmem>>
        %get3A_445 = tpu.memref_squeeze %get3A_444 : memref<1x1024xf32, #tpu.memory_space<vmem>> -> memref<1024xf32, #tpu.memory_space<vmem>>
        %get3A_446 = arith.index_cast %mul3A_438 : i32 to index
        %get3A_447 = tpu.vector_load %get3A_445[%get3A_446] {strides = array<i32>} : memref<1024xf32, #tpu.memory_space<vmem>>, vector<16xf32>,
        %get3A_448 = vector.shape_cast %get3A_447 : vector<16xf32> to vector<16xf32>
        %gt3A_449 = arith.cmpf ogt, %get3A_448, %select_n3A_430 : vector<16xf32>
        %select_n3A_450 = arith.select %gt3A_449, %get3A_448, %select_n3A_430 : vector<16xi1>, vector<16xf32>
        %broadcast_in_dim3A_451 = vector.broadcast %add3A_436 : i32 to vector<16xi32>
        %select_n3A_452 = arith.select %gt3A_449, %broadcast_in_dim3A_451, %select_n3A_432 : vector<16xi1>, vector<16xi32>
        %mul3A_453 = arith.constant 16 : i32
        %mul3A_454 = arith.muli %scan3A_173, %mul3A_453 : i32
        %add3A_455 = arith.constant 14 : i32
        %add3A_456 = arith.addi %mul3A_454, %add3A_455 : i32
        %mul3A_457 = arith.constant 16 : i32
        %mul3A_458 = arith.muli %add3A_456, %mul3A_457 : i32
        %get3A_459 = arith.constant 0 : i32
        %get3A_460 = arith.constant 0 : i32
        %get3A_461 = tpu.memref_slice %arg5[%scan3A_81, %get3A_459, %get3A_460] : memref<2x32x1024xf32, #tpu.memory_space<vmem>> -> memref<1x32x1024xf32, #tpu.memory_space<vmem>>
        %get3A_462 = tpu.memref_squeeze %get3A_461 : memref<1x32x1024xf32, #tpu.memory_space<vmem>> -> memref<32x1024xf32, #tpu.memory_space<vmem>>
        %get3A_463 = arith.constant 0 : i32
        %get3A_464 = tpu.memref_slice %get3A_462[%scan3A_150, %get3A_463] : memref<32x1024xf32, #tpu.memory_space<vmem>> -> memref<1x1024xf32, #tpu.memory_space<vmem>>
        %get3A_465 = tpu.memref_squeeze %get3A_464 : memref<1x1024xf32, #tpu.memory_space<vmem>> -> memref<1024xf32, #tpu.memory_space<vmem>>
        %get3A_466 = arith.index_cast %mul3A_458 : i32 to index
        %get3A_467 = tpu.vector_load %get3A_465[%get3A_466] {strides = array<i32>} : memref<1024xf32, #tpu.memory_space<vmem>>, vector<16xf32>,
        %get3A_468 = vector.shape_cast %get3A_467 : vector<16xf32> to vector<16xf32>
        %gt3A_469 = arith.cmpf ogt, %get3A_468, %select_n3A_450 : vector<16xf32>
        %select_n3A_470 = arith.select %gt3A_469, %get3A_468, %select_n3A_450 : vector<16xi1>, vector<16xf32>
        %broadcast_in_dim3A_471 = vector.broadcast %add3A_456 : i32 to vector<16xi32>
        %select_n3A_472 = arith.select %gt3A_469, %broadcast_in_dim3A_471, %select_n3A_452 : vector<16xi1>, vector<16xi32>
        %mul3A_473 = arith.constant 16 : i32
        %mul3A_474 = arith.muli %scan3A_173, %mul3A_473 : i32
        %add3A_475 = arith.constant 15 : i32
        %add3A_476 = arith.addi %mul3A_474, %add3A_475 : i32
        %mul3A_477 = arith.constant 16 : i32
        %mul3A_478 = arith.muli %add3A_476, %mul3A_477 : i32
        %get3A_479 = arith.constant 0 : i32
        %get3A_480 = arith.constant 0 : i32
        %get3A_481 = tpu.memref_slice %arg5[%scan3A_81, %get3A_479, %get3A_480] : memref<2x32x1024xf32, #tpu.memory_space<vmem>> -> memref<1x32x1024xf32, #tpu.memory_space<vmem>>
        %get3A_482 = tpu.memref_squeeze %get3A_481 : memref<1x32x1024xf32, #tpu.memory_space<vmem>> -> memref<32x1024xf32, #tpu.memory_space<vmem>>
        %get3A_483 = arith.constant 0 : i32
        %get3A_484 = tpu.memref_slice %get3A_482[%scan3A_150, %get3A_483] : memref<32x1024xf32, #tpu.memory_space<vmem>> -> memref<1x1024xf32, #tpu.memory_space<vmem>>
        %get3A_485 = tpu.memref_squeeze %get3A_484 : memref<1x1024xf32, #tpu.memory_space<vmem>> -> memref<1024xf32, #tpu.memory_space<vmem>>
        %get3A_486 = arith.index_cast %mul3A_478 : i32 to index
        %get3A_487 = tpu.vector_load %get3A_485[%get3A_486] {strides = array<i32>} : memref<1024xf32, #tpu.memory_space<vmem>>, vector<16xf32>,
        %get3A_488 = vector.shape_cast %get3A_487 : vector<16xf32> to vector<16xf32>
        %gt3A_489 = arith.cmpf ogt, %get3A_488, %select_n3A_470 : vector<16xf32>
        %select_n3A_490 = arith.select %gt3A_489, %get3A_488, %select_n3A_470 : vector<16xi1>, vector<16xf32>
        %broadcast_in_dim3A_491 = vector.broadcast %add3A_476 : i32 to vector<16xi32>
        %select_n3A_492 = arith.select %gt3A_489, %broadcast_in_dim3A_491, %select_n3A_472 : vector<16xi1>, vector<16xi32>
        scf.yield %select_n3A_490, %select_n3A_492 : vector<16xf32>, vector<16xi32>
      }
      %scan3A_160 = arith.constant 4 : i32
      %add3A_161 = arith.constant 32 : i32
      %add3A_162 = arith.addi %add3A_161, %scan3A_150 : i32
      %mul3A_163 = arith.constant 16 : i32
      %mul3A_164 = arith.muli %add3A_162, %mul3A_163 : i32
      %swap3A = arith.index_cast %mul3A_164 : i32 to index
      %swap3A_165 = tpu.vector_load %arg6[%swap3A] {strides = array<i32>} : memref<2048xi32, #tpu.memory_space<vmem>>, vector<16xi32>,
      %swap3A_166 = vector.shape_cast %swap3A_165 : vector<16xi32> to vector<16xi32>
      %swap3A_167 = vector.shape_cast %scan3A_159#1 : vector<16xi32> to vector<16xi32>
      tpu.vector_store %arg6[%swap3A], %swap3A_167 {strides = array<i32>} : memref<2048xi32, #tpu.memory_space<vmem>>, vector<16xi32>,
      %swap3A_168 = arith.index_cast %mul3A_164 : i32 to index
      %swap3A_169 = tpu.vector_load %arg7[%swap3A_168] {strides = array<i32>} : memref<2048xf32, #tpu.memory_space<vmem>>, vector<16xf32>,
      %swap3A_170 = vector.shape_cast %swap3A_169 : vector<16xf32> to vector<16xf32>
      %swap3A_171 = vector.shape_cast %scan3A_159#0 : vector<16xf32> to vector<16xf32>
      tpu.vector_store %arg7[%swap3A_168], %swap3A_171 {strides = array<i32>} : memref<2048xf32, #tpu.memory_space<vmem>>, vector<16xf32>,
      %scan3A_172 = arith.constant 0 : i32
      scf.yield %scan3A_172 : i32
    }
    %scan3A_88 = arith.constant 32 : i32
    %dma_wait3A_89 = arith.constant 0 : i32
    %dma_wait3A_90 = arith.constant 0 : i32
    %dma_wait3A_91 = arith.constant 0 : i32
    %dma_wait3A_92 = tpu.memref_slice %arg5[%dma_wait3A_89, %dma_wait3A_90, %dma_wait3A_91] : memref<2x32x1024xf32, #tpu.memory_space<vmem>> -> memref<1x32x1024xf32, #tpu.memory_space<vmem>>
    %dma_wait3A_93 = tpu.memref_squeeze %dma_wait3A_92 : memref<1x32x1024xf32, #tpu.memory_space<vmem>> -> memref<32x1024xf32, #tpu.memory_space<vmem>>
    %dma_wait3A_94 = arith.constant 0 : i32
    %dma_wait3A_95 = tpu.memref_slice %arg2[%add3A_67, %dma_wait3A_94] : memref<8192x1024xf32, #tpu.memory_space<hbm>> -> memref<32x1024xf32, #tpu.memory_space<hbm>>
    %dma_wait3A_96 = arith.constant 0 : i32
    %dma_wait3A_97 = arith.constant 0 : i32
    %dma_wait3A_98 = tpu.memref_slice %arg5[%dma_wait3A_89, %dma_wait3A_96, %dma_wait3A_97] : memref<2x32x1024xf32, #tpu.memory_space<vmem>> -> memref<1x32x1024xf32, #tpu.memory_space<vmem>>
    %dma_wait3A_99 = tpu.memref_squeeze %dma_wait3A_98 : memref<1x32x1024xf32, #tpu.memory_space<vmem>> -> memref<32x1024xf32, #tpu.memory_space<vmem>>
    %dma_wait3A_100 = arith.constant 0 : i32
    %dma_wait3A_101 = tpu.memref_slice %arg2[%add3A_67, %dma_wait3A_100] : memref<8192x1024xf32, #tpu.memory_space<hbm>> -> memref<32x1024xf32, #tpu.memory_space<hbm>>
    tpu.wait_dma2 semaphore(%arg8 : memref<!tpu.dma_semaphore, #tpu.memory_space<semaphore_mem>>) src(%dma_wait3A_101 : memref<32x1024xf32, #tpu.memory_space<hbm>>) dst(%dma_wait3A_99 : memref<32x1024xf32, #tpu.memory_space<vmem>>)
    %add3A_102 = arith.constant 96 : i32
    %add3A_103 = arith.addi %add3A_4, %add3A_102 : i32
    %dma_start3A_104 = arith.constant 1 : i32
    %dma_start3A_105 = arith.constant 0 : i32
    %dma_start3A_106 = arith.constant 0 : i32
    %dma_start3A_107 = tpu.memref_slice %arg5[%dma_start3A_104, %dma_start3A_105, %dma_start3A_106] : memref<2x32x1024xf32, #tpu.memory_space<vmem>> -> memref<1x32x1024xf32, #tpu.memory_space<vmem>>
    %dma_start3A_108 = tpu.memref_squeeze %dma_start3A_107 : memref<1x32x1024xf32, #tpu.memory_space<vmem>> -> memref<32x1024xf32, #tpu.memory_space<vmem>>
    %dma_start3A_109 = arith.constant 0 : i32
    %dma_start3A_110 = tpu.memref_slice %arg2[%add3A_103, %dma_start3A_109] : memref<8192x1024xf32, #tpu.memory_space<hbm>> -> memref<32x1024xf32, #tpu.memory_space<hbm>>
    %dma_start3A_111 = arith.constant 0 : i32
    %dma_start3A_112 = arith.constant 0 : i32
    %dma_start3A_113 = tpu.memref_slice %arg5[%dma_start3A_104, %dma_start3A_111, %dma_start3A_112] : memref<2x32x1024xf32, #tpu.memory_space<vmem>> -> memref<1x32x1024xf32, #tpu.memory_space<vmem>>
    %dma_start3A_114 = tpu.memref_squeeze %dma_start3A_113 : memref<1x32x1024xf32, #tpu.memory_space<vmem>> -> memref<32x1024xf32, #tpu.memory_space<vmem>>
    %dma_start3A_115 = arith.constant 0 : i32
    %dma_start3A_116 = tpu.memref_slice %arg2[%add3A_103, %dma_start3A_115] : memref<8192x1024xf32, #tpu.memory_space<hbm>> -> memref<32x1024xf32, #tpu.memory_space<hbm>>
    tpu.enqueue_dma source(%dma_start3A_116 : memref<32x1024xf32, #tpu.memory_space<hbm>>) target(%dma_start3A_114 : memref<32x1024xf32, #tpu.memory_space<vmem>>) target_semaphore(%arg9 : memref<!tpu.dma_semaphore, #tpu.memory_space<semaphore_mem>>)
    %scan3A_117 = arith.constant 0 : i32
    %scan3A_118 = arith.constant 0 : i32
    %scan3A_119 = arith.constant 0 : i32
    %scan3A_120 = arith.constant 32 : i32
    %scan3A_121 = arith.addi %scan3A_119, %scan3A_120 : i32
    %scan3A_122 = arith.constant 1 : i32
    %scan3A_123 = scf.for %scan3A_150 = %scan3A_119 to %scan3A_121 step %scan3A_122 iter_args(%scan3A_151 = %scan3A_118) -> (i32)  : i32 {
      %broadcast_in_dim3A = arith.constant -3.000000e+38 : f32
      %broadcast_in_dim3A_152 = vector.broadcast %broadcast_in_dim3A : f32 to vector<16xf32>
      %broadcast_in_dim3A_153 = arith.constant 0 : i32
      %broadcast_in_dim3A_154 = vector.broadcast %broadcast_in_dim3A_153 : i32 to vector<16xi32>
      %scan3A_155 = arith.constant 0 : i32
      %scan3A_156 = arith.constant 4 : i32
      %scan3A_157 = arith.addi %scan3A_155, %scan3A_156 : i32
      %scan3A_158 = arith.constant 1 : i32
      %scan3A_159:2 = scf.for %scan3A_173 = %scan3A_155 to %scan3A_157 step %scan3A_158 iter_args(%scan3A_174 = %broadcast_in_dim3A_152, %scan3A_175 = %broadcast_in_dim3A_154) -> (vector<16xf32>, vector<16xi32>)  : i32 {
        %mul3A_176 = arith.constant 16 : i32
        %mul3A_177 = arith.muli %scan3A_173, %mul3A_176 : i32
        %add3A_178 = arith.constant 0 : i32
        %add3A_179 = arith.addi %mul3A_177, %add3A_178 : i32
        %mul3A_180 = arith.constant 16 : i32
        %mul3A_181 = arith.muli %add3A_179, %mul3A_180 : i32
        %get3A = arith.constant 0 : i32
        %get3A_182 = arith.constant 0 : i32
        %get3A_183 = tpu.memref_slice %arg5[%scan3A_117, %get3A, %get3A_182] : memref<2x32x1024xf32, #tpu.memory_space<vmem>> -> memref<1x32x1024xf32, #tpu.memory_space<vmem>>
        %get3A_184 = tpu.memref_squeeze %get3A_183 : memref<1x32x1024xf32, #tpu.memory_space<vmem>> -> memref<32x1024xf32, #tpu.memory_space<vmem>>
        %get3A_185 = arith.constant 0 : i32
        %get3A_186 = tpu.memref_slice %get3A_184[%scan3A_150, %get3A_185] : memref<32x1024xf32, #tpu.memory_space<vmem>> -> memref<1x1024xf32, #tpu.memory_space<vmem>>
        %get3A_187 = tpu.memref_squeeze %get3A_186 : memref<1x1024xf32, #tpu.memory_space<vmem>> -> memref<1024xf32, #tpu.memory_space<vmem>>
        %get3A_188 = arith.index_cast %mul3A_181 : i32 to index
        %get3A_189 = tpu.vector_load %get3A_187[%get3A_188] {strides = array<i32>} : memref<1024xf32, #tpu.memory_space<vmem>>, vector<16xf32>,
        %get3A_190 = vector.shape_cast %get3A_189 : vector<16xf32> to vector<16xf32>
        %gt3A = arith.cmpf ogt, %get3A_190, %scan3A_174 : vector<16xf32>
        %select_n3A = arith.select %gt3A, %get3A_190, %scan3A_174 : vector<16xi1>, vector<16xf32>
        %broadcast_in_dim3A_191 = vector.broadcast %add3A_179 : i32 to vector<16xi32>
        %select_n3A_192 = arith.select %gt3A, %broadcast_in_dim3A_191, %scan3A_175 : vector<16xi1>, vector<16xi32>
        %mul3A_193 = arith.constant 16 : i32
        %mul3A_194 = arith.muli %scan3A_173, %mul3A_193 : i32
        %add3A_195 = arith.constant 1 : i32
        %add3A_196 = arith.addi %mul3A_194, %add3A_195 : i32
        %mul3A_197 = arith.constant 16 : i32
        %mul3A_198 = arith.muli %add3A_196, %mul3A_197 : i32
        %get3A_199 = arith.constant 0 : i32
        %get3A_200 = arith.constant 0 : i32
        %get3A_201 = tpu.memref_slice %arg5[%scan3A_117, %get3A_199, %get3A_200] : memref<2x32x1024xf32, #tpu.memory_space<vmem>> -> memref<1x32x1024xf32, #tpu.memory_space<vmem>>
        %get3A_202 = tpu.memref_squeeze %get3A_201 : memref<1x32x1024xf32, #tpu.memory_space<vmem>> -> memref<32x1024xf32, #tpu.memory_space<vmem>>
        %get3A_203 = arith.constant 0 : i32
        %get3A_204 = tpu.memref_slice %get3A_202[%scan3A_150, %get3A_203] : memref<32x1024xf32, #tpu.memory_space<vmem>> -> memref<1x1024xf32, #tpu.memory_space<vmem>>
        %get3A_205 = tpu.memref_squeeze %get3A_204 : memref<1x1024xf32, #tpu.memory_space<vmem>> -> memref<1024xf32, #tpu.memory_space<vmem>>
        %get3A_206 = arith.index_cast %mul3A_198 : i32 to index
        %get3A_207 = tpu.vector_load %get3A_205[%get3A_206] {strides = array<i32>} : memref<1024xf32, #tpu.memory_space<vmem>>, vector<16xf32>,
        %get3A_208 = vector.shape_cast %get3A_207 : vector<16xf32> to vector<16xf32>
        %gt3A_209 = arith.cmpf ogt, %get3A_208, %select_n3A : vector<16xf32>
        %select_n3A_210 = arith.select %gt3A_209, %get3A_208, %select_n3A : vector<16xi1>, vector<16xf32>
        %broadcast_in_dim3A_211 = vector.broadcast %add3A_196 : i32 to vector<16xi32>
        %select_n3A_212 = arith.select %gt3A_209, %broadcast_in_dim3A_211, %select_n3A_192 : vector<16xi1>, vector<16xi32>
        %mul3A_213 = arith.constant 16 : i32
        %mul3A_214 = arith.muli %scan3A_173, %mul3A_213 : i32
        %add3A_215 = arith.constant 2 : i32
        %add3A_216 = arith.addi %mul3A_214, %add3A_215 : i32
        %mul3A_217 = arith.constant 16 : i32
        %mul3A_218 = arith.muli %add3A_216, %mul3A_217 : i32
        %get3A_219 = arith.constant 0 : i32
        %get3A_220 = arith.constant 0 : i32
        %get3A_221 = tpu.memref_slice %arg5[%scan3A_117, %get3A_219, %get3A_220] : memref<2x32x1024xf32, #tpu.memory_space<vmem>> -> memref<1x32x1024xf32, #tpu.memory_space<vmem>>
        %get3A_222 = tpu.memref_squeeze %get3A_221 : memref<1x32x1024xf32, #tpu.memory_space<vmem>> -> memref<32x1024xf32, #tpu.memory_space<vmem>>
        %get3A_223 = arith.constant 0 : i32
        %get3A_224 = tpu.memref_slice %get3A_222[%scan3A_150, %get3A_223] : memref<32x1024xf32, #tpu.memory_space<vmem>> -> memref<1x1024xf32, #tpu.memory_space<vmem>>
        %get3A_225 = tpu.memref_squeeze %get3A_224 : memref<1x1024xf32, #tpu.memory_space<vmem>> -> memref<1024xf32, #tpu.memory_space<vmem>>
        %get3A_226 = arith.index_cast %mul3A_218 : i32 to index
        %get3A_227 = tpu.vector_load %get3A_225[%get3A_226] {strides = array<i32>} : memref<1024xf32, #tpu.memory_space<vmem>>, vector<16xf32>,
        %get3A_228 = vector.shape_cast %get3A_227 : vector<16xf32> to vector<16xf32>
        %gt3A_229 = arith.cmpf ogt, %get3A_228, %select_n3A_210 : vector<16xf32>
        %select_n3A_230 = arith.select %gt3A_229, %get3A_228, %select_n3A_210 : vector<16xi1>, vector<16xf32>
        %broadcast_in_dim3A_231 = vector.broadcast %add3A_216 : i32 to vector<16xi32>
        %select_n3A_232 = arith.select %gt3A_229, %broadcast_in_dim3A_231, %select_n3A_212 : vector<16xi1>, vector<16xi32>
        %mul3A_233 = arith.constant 16 : i32
        %mul3A_234 = arith.muli %scan3A_173, %mul3A_233 : i32
        %add3A_235 = arith.constant 3 : i32
        %add3A_236 = arith.addi %mul3A_234, %add3A_235 : i32
        %mul3A_237 = arith.constant 16 : i32
        %mul3A_238 = arith.muli %add3A_236, %mul3A_237 : i32
        %get3A_239 = arith.constant 0 : i32
        %get3A_240 = arith.constant 0 : i32
        %get3A_241 = tpu.memref_slice %arg5[%scan3A_117, %get3A_239, %get3A_240] : memref<2x32x1024xf32, #tpu.memory_space<vmem>> -> memref<1x32x1024xf32, #tpu.memory_space<vmem>>
        %get3A_242 = tpu.memref_squeeze %get3A_241 : memref<1x32x1024xf32, #tpu.memory_space<vmem>> -> memref<32x1024xf32, #tpu.memory_space<vmem>>
        %get3A_243 = arith.constant 0 : i32
        %get3A_244 = tpu.memref_slice %get3A_242[%scan3A_150, %get3A_243] : memref<32x1024xf32, #tpu.memory_space<vmem>> -> memref<1x1024xf32, #tpu.memory_space<vmem>>
        %get3A_245 = tpu.memref_squeeze %get3A_244 : memref<1x1024xf32, #tpu.memory_space<vmem>> -> memref<1024xf32, #tpu.memory_space<vmem>>
        %get3A_246 = arith.index_cast %mul3A_238 : i32 to index
        %get3A_247 = tpu.vector_load %get3A_245[%get3A_246] {strides = array<i32>} : memref<1024xf32, #tpu.memory_space<vmem>>, vector<16xf32>,
        %get3A_248 = vector.shape_cast %get3A_247 : vector<16xf32> to vector<16xf32>
        %gt3A_249 = arith.cmpf ogt, %get3A_248, %select_n3A_230 : vector<16xf32>
        %select_n3A_250 = arith.select %gt3A_249, %get3A_248, %select_n3A_230 : vector<16xi1>, vector<16xf32>
        %broadcast_in_dim3A_251 = vector.broadcast %add3A_236 : i32 to vector<16xi32>
        %select_n3A_252 = arith.select %gt3A_249, %broadcast_in_dim3A_251, %select_n3A_232 : vector<16xi1>, vector<16xi32>
        %mul3A_253 = arith.constant 16 : i32
        %mul3A_254 = arith.muli %scan3A_173, %mul3A_253 : i32
        %add3A_255 = arith.constant 4 : i32
        %add3A_256 = arith.addi %mul3A_254, %add3A_255 : i32
        %mul3A_257 = arith.constant 16 : i32
        %mul3A_258 = arith.muli %add3A_256, %mul3A_257 : i32
        %get3A_259 = arith.constant 0 : i32
        %get3A_260 = arith.constant 0 : i32
        %get3A_261 = tpu.memref_slice %arg5[%scan3A_117, %get3A_259, %get3A_260] : memref<2x32x1024xf32, #tpu.memory_space<vmem>> -> memref<1x32x1024xf32, #tpu.memory_space<vmem>>
        %get3A_262 = tpu.memref_squeeze %get3A_261 : memref<1x32x1024xf32, #tpu.memory_space<vmem>> -> memref<32x1024xf32, #tpu.memory_space<vmem>>
        %get3A_263 = arith.constant 0 : i32
        %get3A_264 = tpu.memref_slice %get3A_262[%scan3A_150, %get3A_263] : memref<32x1024xf32, #tpu.memory_space<vmem>> -> memref<1x1024xf32, #tpu.memory_space<vmem>>
        %get3A_265 = tpu.memref_squeeze %get3A_264 : memref<1x1024xf32, #tpu.memory_space<vmem>> -> memref<1024xf32, #tpu.memory_space<vmem>>
        %get3A_266 = arith.index_cast %mul3A_258 : i32 to index
        %get3A_267 = tpu.vector_load %get3A_265[%get3A_266] {strides = array<i32>} : memref<1024xf32, #tpu.memory_space<vmem>>, vector<16xf32>,
        %get3A_268 = vector.shape_cast %get3A_267 : vector<16xf32> to vector<16xf32>
        %gt3A_269 = arith.cmpf ogt, %get3A_268, %select_n3A_250 : vector<16xf32>
        %select_n3A_270 = arith.select %gt3A_269, %get3A_268, %select_n3A_250 : vector<16xi1>, vector<16xf32>
        %broadcast_in_dim3A_271 = vector.broadcast %add3A_256 : i32 to vector<16xi32>
        %select_n3A_272 = arith.select %gt3A_269, %broadcast_in_dim3A_271, %select_n3A_252 : vector<16xi1>, vector<16xi32>
        %mul3A_273 = arith.constant 16 : i32
        %mul3A_274 = arith.muli %scan3A_173, %mul3A_273 : i32
        %add3A_275 = arith.constant 5 : i32
        %add3A_276 = arith.addi %mul3A_274, %add3A_275 : i32
        %mul3A_277 = arith.constant 16 : i32
        %mul3A_278 = arith.muli %add3A_276, %mul3A_277 : i32
        %get3A_279 = arith.constant 0 : i32
        %get3A_280 = arith.constant 0 : i32
        %get3A_281 = tpu.memref_slice %arg5[%scan3A_117, %get3A_279, %get3A_280] : memref<2x32x1024xf32, #tpu.memory_space<vmem>> -> memref<1x32x1024xf32, #tpu.memory_space<vmem>>
        %get3A_282 = tpu.memref_squeeze %get3A_281 : memref<1x32x1024xf32, #tpu.memory_space<vmem>> -> memref<32x1024xf32, #tpu.memory_space<vmem>>
        %get3A_283 = arith.constant 0 : i32
        %get3A_284 = tpu.memref_slice %get3A_282[%scan3A_150, %get3A_283] : memref<32x1024xf32, #tpu.memory_space<vmem>> -> memref<1x1024xf32, #tpu.memory_space<vmem>>
        %get3A_285 = tpu.memref_squeeze %get3A_284 : memref<1x1024xf32, #tpu.memory_space<vmem>> -> memref<1024xf32, #tpu.memory_space<vmem>>
        %get3A_286 = arith.index_cast %mul3A_278 : i32 to index
        %get3A_287 = tpu.vector_load %get3A_285[%get3A_286] {strides = array<i32>} : memref<1024xf32, #tpu.memory_space<vmem>>, vector<16xf32>,
        %get3A_288 = vector.shape_cast %get3A_287 : vector<16xf32> to vector<16xf32>
        %gt3A_289 = arith.cmpf ogt, %get3A_288, %select_n3A_270 : vector<16xf32>
        %select_n3A_290 = arith.select %gt3A_289, %get3A_288, %select_n3A_270 : vector<16xi1>, vector<16xf32>
        %broadcast_in_dim3A_291 = vector.broadcast %add3A_276 : i32 to vector<16xi32>
        %select_n3A_292 = arith.select %gt3A_289, %broadcast_in_dim3A_291, %select_n3A_272 : vector<16xi1>, vector<16xi32>
        %mul3A_293 = arith.constant 16 : i32
        %mul3A_294 = arith.muli %scan3A_173, %mul3A_293 : i32
        %add3A_295 = arith.constant 6 : i32
        %add3A_296 = arith.addi %mul3A_294, %add3A_295 : i32
        %mul3A_297 = arith.constant 16 : i32
        %mul3A_298 = arith.muli %add3A_296, %mul3A_297 : i32
        %get3A_299 = arith.constant 0 : i32
        %get3A_300 = arith.constant 0 : i32
        %get3A_301 = tpu.memref_slice %arg5[%scan3A_117, %get3A_299, %get3A_300] : memref<2x32x1024xf32, #tpu.memory_space<vmem>> -> memref<1x32x1024xf32, #tpu.memory_space<vmem>>
        %get3A_302 = tpu.memref_squeeze %get3A_301 : memref<1x32x1024xf32, #tpu.memory_space<vmem>> -> memref<32x1024xf32, #tpu.memory_space<vmem>>
        %get3A_303 = arith.constant 0 : i32
        %get3A_304 = tpu.memref_slice %get3A_302[%scan3A_150, %get3A_303] : memref<32x1024xf32, #tpu.memory_space<vmem>> -> memref<1x1024xf32, #tpu.memory_space<vmem>>
        %get3A_305 = tpu.memref_squeeze %get3A_304 : memref<1x1024xf32, #tpu.memory_space<vmem>> -> memref<1024xf32, #tpu.memory_space<vmem>>
        %get3A_306 = arith.index_cast %mul3A_298 : i32 to index
        %get3A_307 = tpu.vector_load %get3A_305[%get3A_306] {strides = array<i32>} : memref<1024xf32, #tpu.memory_space<vmem>>, vector<16xf32>,
        %get3A_308 = vector.shape_cast %get3A_307 : vector<16xf32> to vector<16xf32>
        %gt3A_309 = arith.cmpf ogt, %get3A_308, %select_n3A_290 : vector<16xf32>
        %select_n3A_310 = arith.select %gt3A_309, %get3A_308, %select_n3A_290 : vector<16xi1>, vector<16xf32>
        %broadcast_in_dim3A_311 = vector.broadcast %add3A_296 : i32 to vector<16xi32>
        %select_n3A_312 = arith.select %gt3A_309, %broadcast_in_dim3A_311, %select_n3A_292 : vector<16xi1>, vector<16xi32>
        %mul3A_313 = arith.constant 16 : i32
        %mul3A_314 = arith.muli %scan3A_173, %mul3A_313 : i32
        %add3A_315 = arith.constant 7 : i32
        %add3A_316 = arith.addi %mul3A_314, %add3A_315 : i32
        %mul3A_317 = arith.constant 16 : i32
        %mul3A_318 = arith.muli %add3A_316, %mul3A_317 : i32
        %get3A_319 = arith.constant 0 : i32
        %get3A_320 = arith.constant 0 : i32
        %get3A_321 = tpu.memref_slice %arg5[%scan3A_117, %get3A_319, %get3A_320] : memref<2x32x1024xf32, #tpu.memory_space<vmem>> -> memref<1x32x1024xf32, #tpu.memory_space<vmem>>
        %get3A_322 = tpu.memref_squeeze %get3A_321 : memref<1x32x1024xf32, #tpu.memory_space<vmem>> -> memref<32x1024xf32, #tpu.memory_space<vmem>>
        %get3A_323 = arith.constant 0 : i32
        %get3A_324 = tpu.memref_slice %get3A_322[%scan3A_150, %get3A_323] : memref<32x1024xf32, #tpu.memory_space<vmem>> -> memref<1x1024xf32, #tpu.memory_space<vmem>>
        %get3A_325 = tpu.memref_squeeze %get3A_324 : memref<1x1024xf32, #tpu.memory_space<vmem>> -> memref<1024xf32, #tpu.memory_space<vmem>>
        %get3A_326 = arith.index_cast %mul3A_318 : i32 to index
        %get3A_327 = tpu.vector_load %get3A_325[%get3A_326] {strides = array<i32>} : memref<1024xf32, #tpu.memory_space<vmem>>, vector<16xf32>,
        %get3A_328 = vector.shape_cast %get3A_327 : vector<16xf32> to vector<16xf32>
        %gt3A_329 = arith.cmpf ogt, %get3A_328, %select_n3A_310 : vector<16xf32>
        %select_n3A_330 = arith.select %gt3A_329, %get3A_328, %select_n3A_310 : vector<16xi1>, vector<16xf32>
        %broadcast_in_dim3A_331 = vector.broadcast %add3A_316 : i32 to vector<16xi32>
        %select_n3A_332 = arith.select %gt3A_329, %broadcast_in_dim3A_331, %select_n3A_312 : vector<16xi1>, vector<16xi32>
        %mul3A_333 = arith.constant 16 : i32
        %mul3A_334 = arith.muli %scan3A_173, %mul3A_333 : i32
        %add3A_335 = arith.constant 8 : i32
        %add3A_336 = arith.addi %mul3A_334, %add3A_335 : i32
        %mul3A_337 = arith.constant 16 : i32
        %mul3A_338 = arith.muli %add3A_336, %mul3A_337 : i32
        %get3A_339 = arith.constant 0 : i32
        %get3A_340 = arith.constant 0 : i32
        %get3A_341 = tpu.memref_slice %arg5[%scan3A_117, %get3A_339, %get3A_340] : memref<2x32x1024xf32, #tpu.memory_space<vmem>> -> memref<1x32x1024xf32, #tpu.memory_space<vmem>>
        %get3A_342 = tpu.memref_squeeze %get3A_341 : memref<1x32x1024xf32, #tpu.memory_space<vmem>> -> memref<32x1024xf32, #tpu.memory_space<vmem>>
        %get3A_343 = arith.constant 0 : i32
        %get3A_344 = tpu.memref_slice %get3A_342[%scan3A_150, %get3A_343] : memref<32x1024xf32, #tpu.memory_space<vmem>> -> memref<1x1024xf32, #tpu.memory_space<vmem>>
        %get3A_345 = tpu.memref_squeeze %get3A_344 : memref<1x1024xf32, #tpu.memory_space<vmem>> -> memref<1024xf32, #tpu.memory_space<vmem>>
        %get3A_346 = arith.index_cast %mul3A_338 : i32 to index
        %get3A_347 = tpu.vector_load %get3A_345[%get3A_346] {strides = array<i32>} : memref<1024xf32, #tpu.memory_space<vmem>>, vector<16xf32>,
        %get3A_348 = vector.shape_cast %get3A_347 : vector<16xf32> to vector<16xf32>
        %gt3A_349 = arith.cmpf ogt, %get3A_348, %select_n3A_330 : vector<16xf32>
        %select_n3A_350 = arith.select %gt3A_349, %get3A_348, %select_n3A_330 : vector<16xi1>, vector<16xf32>
        %broadcast_in_dim3A_351 = vector.broadcast %add3A_336 : i32 to vector<16xi32>
        %select_n3A_352 = arith.select %gt3A_349, %broadcast_in_dim3A_351, %select_n3A_332 : vector<16xi1>, vector<16xi32>
        %mul3A_353 = arith.constant 16 : i32
        %mul3A_354 = arith.muli %scan3A_173, %mul3A_353 : i32
        %add3A_355 = arith.constant 9 : i32
        %add3A_356 = arith.addi %mul3A_354, %add3A_355 : i32
        %mul3A_357 = arith.constant 16 : i32
        %mul3A_358 = arith.muli %add3A_356, %mul3A_357 : i32
        %get3A_359 = arith.constant 0 : i32
        %get3A_360 = arith.constant 0 : i32
        %get3A_361 = tpu.memref_slice %arg5[%scan3A_117, %get3A_359, %get3A_360] : memref<2x32x1024xf32, #tpu.memory_space<vmem>> -> memref<1x32x1024xf32, #tpu.memory_space<vmem>>
        %get3A_362 = tpu.memref_squeeze %get3A_361 : memref<1x32x1024xf32, #tpu.memory_space<vmem>> -> memref<32x1024xf32, #tpu.memory_space<vmem>>
        %get3A_363 = arith.constant 0 : i32
        %get3A_364 = tpu.memref_slice %get3A_362[%scan3A_150, %get3A_363] : memref<32x1024xf32, #tpu.memory_space<vmem>> -> memref<1x1024xf32, #tpu.memory_space<vmem>>
        %get3A_365 = tpu.memref_squeeze %get3A_364 : memref<1x1024xf32, #tpu.memory_space<vmem>> -> memref<1024xf32, #tpu.memory_space<vmem>>
        %get3A_366 = arith.index_cast %mul3A_358 : i32 to index
        %get3A_367 = tpu.vector_load %get3A_365[%get3A_366] {strides = array<i32>} : memref<1024xf32, #tpu.memory_space<vmem>>, vector<16xf32>,
        %get3A_368 = vector.shape_cast %get3A_367 : vector<16xf32> to vector<16xf32>
        %gt3A_369 = arith.cmpf ogt, %get3A_368, %select_n3A_350 : vector<16xf32>
        %select_n3A_370 = arith.select %gt3A_369, %get3A_368, %select_n3A_350 : vector<16xi1>, vector<16xf32>
        %broadcast_in_dim3A_371 = vector.broadcast %add3A_356 : i32 to vector<16xi32>
        %select_n3A_372 = arith.select %gt3A_369, %broadcast_in_dim3A_371, %select_n3A_352 : vector<16xi1>, vector<16xi32>
        %mul3A_373 = arith.constant 16 : i32
        %mul3A_374 = arith.muli %scan3A_173, %mul3A_373 : i32
        %add3A_375 = arith.constant 10 : i32
        %add3A_376 = arith.addi %mul3A_374, %add3A_375 : i32
        %mul3A_377 = arith.constant 16 : i32
        %mul3A_378 = arith.muli %add3A_376, %mul3A_377 : i32
        %get3A_379 = arith.constant 0 : i32
        %get3A_380 = arith.constant 0 : i32
        %get3A_381 = tpu.memref_slice %arg5[%scan3A_117, %get3A_379, %get3A_380] : memref<2x32x1024xf32, #tpu.memory_space<vmem>> -> memref<1x32x1024xf32, #tpu.memory_space<vmem>>
        %get3A_382 = tpu.memref_squeeze %get3A_381 : memref<1x32x1024xf32, #tpu.memory_space<vmem>> -> memref<32x1024xf32, #tpu.memory_space<vmem>>
        %get3A_383 = arith.constant 0 : i32
        %get3A_384 = tpu.memref_slice %get3A_382[%scan3A_150, %get3A_383] : memref<32x1024xf32, #tpu.memory_space<vmem>> -> memref<1x1024xf32, #tpu.memory_space<vmem>>
        %get3A_385 = tpu.memref_squeeze %get3A_384 : memref<1x1024xf32, #tpu.memory_space<vmem>> -> memref<1024xf32, #tpu.memory_space<vmem>>
        %get3A_386 = arith.index_cast %mul3A_378 : i32 to index
        %get3A_387 = tpu.vector_load %get3A_385[%get3A_386] {strides = array<i32>} : memref<1024xf32, #tpu.memory_space<vmem>>, vector<16xf32>,
        %get3A_388 = vector.shape_cast %get3A_387 : vector<16xf32> to vector<16xf32>
        %gt3A_389 = arith.cmpf ogt, %get3A_388, %select_n3A_370 : vector<16xf32>
        %select_n3A_390 = arith.select %gt3A_389, %get3A_388, %select_n3A_370 : vector<16xi1>, vector<16xf32>
        %broadcast_in_dim3A_391 = vector.broadcast %add3A_376 : i32 to vector<16xi32>
        %select_n3A_392 = arith.select %gt3A_389, %broadcast_in_dim3A_391, %select_n3A_372 : vector<16xi1>, vector<16xi32>
        %mul3A_393 = arith.constant 16 : i32
        %mul3A_394 = arith.muli %scan3A_173, %mul3A_393 : i32
        %add3A_395 = arith.constant 11 : i32
        %add3A_396 = arith.addi %mul3A_394, %add3A_395 : i32
        %mul3A_397 = arith.constant 16 : i32
        %mul3A_398 = arith.muli %add3A_396, %mul3A_397 : i32
        %get3A_399 = arith.constant 0 : i32
        %get3A_400 = arith.constant 0 : i32
        %get3A_401 = tpu.memref_slice %arg5[%scan3A_117, %get3A_399, %get3A_400] : memref<2x32x1024xf32, #tpu.memory_space<vmem>> -> memref<1x32x1024xf32, #tpu.memory_space<vmem>>
        %get3A_402 = tpu.memref_squeeze %get3A_401 : memref<1x32x1024xf32, #tpu.memory_space<vmem>> -> memref<32x1024xf32, #tpu.memory_space<vmem>>
        %get3A_403 = arith.constant 0 : i32
        %get3A_404 = tpu.memref_slice %get3A_402[%scan3A_150, %get3A_403] : memref<32x1024xf32, #tpu.memory_space<vmem>> -> memref<1x1024xf32, #tpu.memory_space<vmem>>
        %get3A_405 = tpu.memref_squeeze %get3A_404 : memref<1x1024xf32, #tpu.memory_space<vmem>> -> memref<1024xf32, #tpu.memory_space<vmem>>
        %get3A_406 = arith.index_cast %mul3A_398 : i32 to index
        %get3A_407 = tpu.vector_load %get3A_405[%get3A_406] {strides = array<i32>} : memref<1024xf32, #tpu.memory_space<vmem>>, vector<16xf32>,
        %get3A_408 = vector.shape_cast %get3A_407 : vector<16xf32> to vector<16xf32>
        %gt3A_409 = arith.cmpf ogt, %get3A_408, %select_n3A_390 : vector<16xf32>
        %select_n3A_410 = arith.select %gt3A_409, %get3A_408, %select_n3A_390 : vector<16xi1>, vector<16xf32>
        %broadcast_in_dim3A_411 = vector.broadcast %add3A_396 : i32 to vector<16xi32>
        %select_n3A_412 = arith.select %gt3A_409, %broadcast_in_dim3A_411, %select_n3A_392 : vector<16xi1>, vector<16xi32>
        %mul3A_413 = arith.constant 16 : i32
        %mul3A_414 = arith.muli %scan3A_173, %mul3A_413 : i32
        %add3A_415 = arith.constant 12 : i32
        %add3A_416 = arith.addi %mul3A_414, %add3A_415 : i32
        %mul3A_417 = arith.constant 16 : i32
        %mul3A_418 = arith.muli %add3A_416, %mul3A_417 : i32
        %get3A_419 = arith.constant 0 : i32
        %get3A_420 = arith.constant 0 : i32
        %get3A_421 = tpu.memref_slice %arg5[%scan3A_117, %get3A_419, %get3A_420] : memref<2x32x1024xf32, #tpu.memory_space<vmem>> -> memref<1x32x1024xf32, #tpu.memory_space<vmem>>
        %get3A_422 = tpu.memref_squeeze %get3A_421 : memref<1x32x1024xf32, #tpu.memory_space<vmem>> -> memref<32x1024xf32, #tpu.memory_space<vmem>>
        %get3A_423 = arith.constant 0 : i32
        %get3A_424 = tpu.memref_slice %get3A_422[%scan3A_150, %get3A_423] : memref<32x1024xf32, #tpu.memory_space<vmem>> -> memref<1x1024xf32, #tpu.memory_space<vmem>>
        %get3A_425 = tpu.memref_squeeze %get3A_424 : memref<1x1024xf32, #tpu.memory_space<vmem>> -> memref<1024xf32, #tpu.memory_space<vmem>>
        %get3A_426 = arith.index_cast %mul3A_418 : i32 to index
        %get3A_427 = tpu.vector_load %get3A_425[%get3A_426] {strides = array<i32>} : memref<1024xf32, #tpu.memory_space<vmem>>, vector<16xf32>,
        %get3A_428 = vector.shape_cast %get3A_427 : vector<16xf32> to vector<16xf32>
        %gt3A_429 = arith.cmpf ogt, %get3A_428, %select_n3A_410 : vector<16xf32>
        %select_n3A_430 = arith.select %gt3A_429, %get3A_428, %select_n3A_410 : vector<16xi1>, vector<16xf32>
        %broadcast_in_dim3A_431 = vector.broadcast %add3A_416 : i32 to vector<16xi32>
        %select_n3A_432 = arith.select %gt3A_429, %broadcast_in_dim3A_431, %select_n3A_412 : vector<16xi1>, vector<16xi32>
        %mul3A_433 = arith.constant 16 : i32
        %mul3A_434 = arith.muli %scan3A_173, %mul3A_433 : i32
        %add3A_435 = arith.constant 13 : i32
        %add3A_436 = arith.addi %mul3A_434, %add3A_435 : i32
        %mul3A_437 = arith.constant 16 : i32
        %mul3A_438 = arith.muli %add3A_436, %mul3A_437 : i32
        %get3A_439 = arith.constant 0 : i32
        %get3A_440 = arith.constant 0 : i32
        %get3A_441 = tpu.memref_slice %arg5[%scan3A_117, %get3A_439, %get3A_440] : memref<2x32x1024xf32, #tpu.memory_space<vmem>> -> memref<1x32x1024xf32, #tpu.memory_space<vmem>>
        %get3A_442 = tpu.memref_squeeze %get3A_441 : memref<1x32x1024xf32, #tpu.memory_space<vmem>> -> memref<32x1024xf32, #tpu.memory_space<vmem>>
        %get3A_443 = arith.constant 0 : i32
        %get3A_444 = tpu.memref_slice %get3A_442[%scan3A_150, %get3A_443] : memref<32x1024xf32, #tpu.memory_space<vmem>> -> memref<1x1024xf32, #tpu.memory_space<vmem>>
        %get3A_445 = tpu.memref_squeeze %get3A_444 : memref<1x1024xf32, #tpu.memory_space<vmem>> -> memref<1024xf32, #tpu.memory_space<vmem>>
        %get3A_446 = arith.index_cast %mul3A_438 : i32 to index
        %get3A_447 = tpu.vector_load %get3A_445[%get3A_446] {strides = array<i32>} : memref<1024xf32, #tpu.memory_space<vmem>>, vector<16xf32>,
        %get3A_448 = vector.shape_cast %get3A_447 : vector<16xf32> to vector<16xf32>
        %gt3A_449 = arith.cmpf ogt, %get3A_448, %select_n3A_430 : vector<16xf32>
        %select_n3A_450 = arith.select %gt3A_449, %get3A_448, %select_n3A_430 : vector<16xi1>, vector<16xf32>
        %broadcast_in_dim3A_451 = vector.broadcast %add3A_436 : i32 to vector<16xi32>
        %select_n3A_452 = arith.select %gt3A_449, %broadcast_in_dim3A_451, %select_n3A_432 : vector<16xi1>, vector<16xi32>
        %mul3A_453 = arith.constant 16 : i32
        %mul3A_454 = arith.muli %scan3A_173, %mul3A_453 : i32
        %add3A_455 = arith.constant 14 : i32
        %add3A_456 = arith.addi %mul3A_454, %add3A_455 : i32
        %mul3A_457 = arith.constant 16 : i32
        %mul3A_458 = arith.muli %add3A_456, %mul3A_457 : i32
        %get3A_459 = arith.constant 0 : i32
        %get3A_460 = arith.constant 0 : i32
        %get3A_461 = tpu.memref_slice %arg5[%scan3A_117, %get3A_459, %get3A_460] : memref<2x32x1024xf32, #tpu.memory_space<vmem>> -> memref<1x32x1024xf32, #tpu.memory_space<vmem>>
        %get3A_462 = tpu.memref_squeeze %get3A_461 : memref<1x32x1024xf32, #tpu.memory_space<vmem>> -> memref<32x1024xf32, #tpu.memory_space<vmem>>
        %get3A_463 = arith.constant 0 : i32
        %get3A_464 = tpu.memref_slice %get3A_462[%scan3A_150, %get3A_463] : memref<32x1024xf32, #tpu.memory_space<vmem>> -> memref<1x1024xf32, #tpu.memory_space<vmem>>
        %get3A_465 = tpu.memref_squeeze %get3A_464 : memref<1x1024xf32, #tpu.memory_space<vmem>> -> memref<1024xf32, #tpu.memory_space<vmem>>
        %get3A_466 = arith.index_cast %mul3A_458 : i32 to index
        %get3A_467 = tpu.vector_load %get3A_465[%get3A_466] {strides = array<i32>} : memref<1024xf32, #tpu.memory_space<vmem>>, vector<16xf32>,
        %get3A_468 = vector.shape_cast %get3A_467 : vector<16xf32> to vector<16xf32>
        %gt3A_469 = arith.cmpf ogt, %get3A_468, %select_n3A_450 : vector<16xf32>
        %select_n3A_470 = arith.select %gt3A_469, %get3A_468, %select_n3A_450 : vector<16xi1>, vector<16xf32>
        %broadcast_in_dim3A_471 = vector.broadcast %add3A_456 : i32 to vector<16xi32>
        %select_n3A_472 = arith.select %gt3A_469, %broadcast_in_dim3A_471, %select_n3A_452 : vector<16xi1>, vector<16xi32>
        %mul3A_473 = arith.constant 16 : i32
        %mul3A_474 = arith.muli %scan3A_173, %mul3A_473 : i32
        %add3A_475 = arith.constant 15 : i32
        %add3A_476 = arith.addi %mul3A_474, %add3A_475 : i32
        %mul3A_477 = arith.constant 16 : i32
        %mul3A_478 = arith.muli %add3A_476, %mul3A_477 : i32
        %get3A_479 = arith.constant 0 : i32
        %get3A_480 = arith.constant 0 : i32
        %get3A_481 = tpu.memref_slice %arg5[%scan3A_117, %get3A_479, %get3A_480] : memref<2x32x1024xf32, #tpu.memory_space<vmem>> -> memref<1x32x1024xf32, #tpu.memory_space<vmem>>
        %get3A_482 = tpu.memref_squeeze %get3A_481 : memref<1x32x1024xf32, #tpu.memory_space<vmem>> -> memref<32x1024xf32, #tpu.memory_space<vmem>>
        %get3A_483 = arith.constant 0 : i32
        %get3A_484 = tpu.memref_slice %get3A_482[%scan3A_150, %get3A_483] : memref<32x1024xf32, #tpu.memory_space<vmem>> -> memref<1x1024xf32, #tpu.memory_space<vmem>>
        %get3A_485 = tpu.memref_squeeze %get3A_484 : memref<1x1024xf32, #tpu.memory_space<vmem>> -> memref<1024xf32, #tpu.memory_space<vmem>>
        %get3A_486 = arith.index_cast %mul3A_478 : i32 to index
        %get3A_487 = tpu.vector_load %get3A_485[%get3A_486] {strides = array<i32>} : memref<1024xf32, #tpu.memory_space<vmem>>, vector<16xf32>,
        %get3A_488 = vector.shape_cast %get3A_487 : vector<16xf32> to vector<16xf32>
        %gt3A_489 = arith.cmpf ogt, %get3A_488, %select_n3A_470 : vector<16xf32>
        %select_n3A_490 = arith.select %gt3A_489, %get3A_488, %select_n3A_470 : vector<16xi1>, vector<16xf32>
        %broadcast_in_dim3A_491 = vector.broadcast %add3A_476 : i32 to vector<16xi32>
        %select_n3A_492 = arith.select %gt3A_489, %broadcast_in_dim3A_491, %select_n3A_472 : vector<16xi1>, vector<16xi32>
        scf.yield %select_n3A_490, %select_n3A_492 : vector<16xf32>, vector<16xi32>
      }
      %scan3A_160 = arith.constant 4 : i32
      %add3A_161 = arith.constant 64 : i32
      %add3A_162 = arith.addi %add3A_161, %scan3A_150 : i32
      %mul3A_163 = arith.constant 16 : i32
      %mul3A_164 = arith.muli %add3A_162, %mul3A_163 : i32
      %swap3A = arith.index_cast %mul3A_164 : i32 to index
      %swap3A_165 = tpu.vector_load %arg6[%swap3A] {strides = array<i32>} : memref<2048xi32, #tpu.memory_space<vmem>>, vector<16xi32>,
      %swap3A_166 = vector.shape_cast %swap3A_165 : vector<16xi32> to vector<16xi32>
      %swap3A_167 = vector.shape_cast %scan3A_159#1 : vector<16xi32> to vector<16xi32>
      tpu.vector_store %arg6[%swap3A], %swap3A_167 {strides = array<i32>} : memref<2048xi32, #tpu.memory_space<vmem>>, vector<16xi32>,
      %swap3A_168 = arith.index_cast %mul3A_164 : i32 to index
      %swap3A_169 = tpu.vector_load %arg7[%swap3A_168] {strides = array<i32>} : memref<2048xf32, #tpu.memory_space<vmem>>, vector<16xf32>,
      %swap3A_170 = vector.shape_cast %swap3A_169 : vector<16xf32> to vector<16xf32>
      %swap3A_171 = vector.shape_cast %scan3A_159#0 : vector<16xf32> to vector<16xf32>
      tpu.vector_store %arg7[%swap3A_168], %swap3A_171 {strides = array<i32>} : memref<2048xf32, #tpu.memory_space<vmem>>, vector<16xf32>,
      %scan3A_172 = arith.constant 0 : i32
      scf.yield %scan3A_172 : i32
    }
    %scan3A_124 = arith.constant 32 : i32
    %dma_wait3A_125 = arith.constant 1 : i32
    %dma_wait3A_126 = arith.constant 0 : i32
    %dma_wait3A_127 = arith.constant 0 : i32
    %dma_wait3A_128 = tpu.memref_slice %arg5[%dma_wait3A_125, %dma_wait3A_126, %dma_wait3A_127] : memref<2x32x1024xf32, #tpu.memory_space<vmem>> -> memref<1x32x1024xf32, #tpu.memory_space<vmem>>
    %dma_wait3A_129 = tpu.memref_squeeze %dma_wait3A_128 : memref<1x32x1024xf32, #tpu.memory_space<vmem>> -> memref<32x1024xf32, #tpu.memory_space<vmem>>
    %dma_wait3A_130 = arith.constant 0 : i32
    %dma_wait3A_131 = tpu.memref_slice %arg2[%add3A_103, %dma_wait3A_130] : memref<8192x1024xf32, #tpu.memory_space<hbm>> -> memref<32x1024xf32, #tpu.memory_space<hbm>>
    %dma_wait3A_132 = arith.constant 0 : i32
    %dma_wait3A_133 = arith.constant 0 : i32
    %dma_wait3A_134 = tpu.memref_slice %arg5[%dma_wait3A_125, %dma_wait3A_132, %dma_wait3A_133] : memref<2x32x1024xf32, #tpu.memory_space<vmem>> -> memref<1x32x1024xf32, #tpu.memory_space<vmem>>
    %dma_wait3A_135 = tpu.memref_squeeze %dma_wait3A_134 : memref<1x32x1024xf32, #tpu.memory_space<vmem>> -> memref<32x1024xf32, #tpu.memory_space<vmem>>
    %dma_wait3A_136 = arith.constant 0 : i32
    %dma_wait3A_137 = tpu.memref_slice %arg2[%add3A_103, %dma_wait3A_136] : memref<8192x1024xf32, #tpu.memory_space<hbm>> -> memref<32x1024xf32, #tpu.memory_space<hbm>>
    tpu.wait_dma2 semaphore(%arg9 : memref<!tpu.dma_semaphore, #tpu.memory_space<semaphore_mem>>) src(%dma_wait3A_137 : memref<32x1024xf32, #tpu.memory_space<hbm>>) dst(%dma_wait3A_135 : memref<32x1024xf32, #tpu.memory_space<vmem>>)
    %scan3A_138 = arith.constant 1 : i32
    %scan3A_139 = arith.constant 0 : i32
    %scan3A_140 = arith.constant 0 : i32
    %scan3A_141 = arith.constant 32 : i32
    %scan3A_142 = arith.addi %scan3A_140, %scan3A_141 : i32
    %scan3A_143 = arith.constant 1 : i32
    %scan3A_144 = scf.for %scan3A_150 = %scan3A_140 to %scan3A_142 step %scan3A_143 iter_args(%scan3A_151 = %scan3A_139) -> (i32)  : i32 {
      %broadcast_in_dim3A = arith.constant -3.000000e+38 : f32
      %broadcast_in_dim3A_152 = vector.broadcast %broadcast_in_dim3A : f32 to vector<16xf32>
      %broadcast_in_dim3A_153 = arith.constant 0 : i32
      %broadcast_in_dim3A_154 = vector.broadcast %broadcast_in_dim3A_153 : i32 to vector<16xi32>
      %scan3A_155 = arith.constant 0 : i32
      %scan3A_156 = arith.constant 4 : i32
      %scan3A_157 = arith.addi %scan3A_155, %scan3A_156 : i32
      %scan3A_158 = arith.constant 1 : i32
      %scan3A_159:2 = scf.for %scan3A_173 = %scan3A_155 to %scan3A_157 step %scan3A_158 iter_args(%scan3A_174 = %broadcast_in_dim3A_152, %scan3A_175 = %broadcast_in_dim3A_154) -> (vector<16xf32>, vector<16xi32>)  : i32 {
        %mul3A_176 = arith.constant 16 : i32
        %mul3A_177 = arith.muli %scan3A_173, %mul3A_176 : i32
        %add3A_178 = arith.constant 0 : i32
        %add3A_179 = arith.addi %mul3A_177, %add3A_178 : i32
        %mul3A_180 = arith.constant 16 : i32
        %mul3A_181 = arith.muli %add3A_179, %mul3A_180 : i32
        %get3A = arith.constant 0 : i32
        %get3A_182 = arith.constant 0 : i32
        %get3A_183 = tpu.memref_slice %arg5[%scan3A_138, %get3A, %get3A_182] : memref<2x32x1024xf32, #tpu.memory_space<vmem>> -> memref<1x32x1024xf32, #tpu.memory_space<vmem>>
        %get3A_184 = tpu.memref_squeeze %get3A_183 : memref<1x32x1024xf32, #tpu.memory_space<vmem>> -> memref<32x1024xf32, #tpu.memory_space<vmem>>
        %get3A_185 = arith.constant 0 : i32
        %get3A_186 = tpu.memref_slice %get3A_184[%scan3A_150, %get3A_185] : memref<32x1024xf32, #tpu.memory_space<vmem>> -> memref<1x1024xf32, #tpu.memory_space<vmem>>
        %get3A_187 = tpu.memref_squeeze %get3A_186 : memref<1x1024xf32, #tpu.memory_space<vmem>> -> memref<1024xf32, #tpu.memory_space<vmem>>
        %get3A_188 = arith.index_cast %mul3A_181 : i32 to index
        %get3A_189 = tpu.vector_load %get3A_187[%get3A_188] {strides = array<i32>} : memref<1024xf32, #tpu.memory_space<vmem>>, vector<16xf32>,
        %get3A_190 = vector.shape_cast %get3A_189 : vector<16xf32> to vector<16xf32>
        %gt3A = arith.cmpf ogt, %get3A_190, %scan3A_174 : vector<16xf32>
        %select_n3A = arith.select %gt3A, %get3A_190, %scan3A_174 : vector<16xi1>, vector<16xf32>
        %broadcast_in_dim3A_191 = vector.broadcast %add3A_179 : i32 to vector<16xi32>
        %select_n3A_192 = arith.select %gt3A, %broadcast_in_dim3A_191, %scan3A_175 : vector<16xi1>, vector<16xi32>
        %mul3A_193 = arith.constant 16 : i32
        %mul3A_194 = arith.muli %scan3A_173, %mul3A_193 : i32
        %add3A_195 = arith.constant 1 : i32
        %add3A_196 = arith.addi %mul3A_194, %add3A_195 : i32
        %mul3A_197 = arith.constant 16 : i32
        %mul3A_198 = arith.muli %add3A_196, %mul3A_197 : i32
        %get3A_199 = arith.constant 0 : i32
        %get3A_200 = arith.constant 0 : i32
        %get3A_201 = tpu.memref_slice %arg5[%scan3A_138, %get3A_199, %get3A_200] : memref<2x32x1024xf32, #tpu.memory_space<vmem>> -> memref<1x32x1024xf32, #tpu.memory_space<vmem>>
        %get3A_202 = tpu.memref_squeeze %get3A_201 : memref<1x32x1024xf32, #tpu.memory_space<vmem>> -> memref<32x1024xf32, #tpu.memory_space<vmem>>
        %get3A_203 = arith.constant 0 : i32
        %get3A_204 = tpu.memref_slice %get3A_202[%scan3A_150, %get3A_203] : memref<32x1024xf32, #tpu.memory_space<vmem>> -> memref<1x1024xf32, #tpu.memory_space<vmem>>
        %get3A_205 = tpu.memref_squeeze %get3A_204 : memref<1x1024xf32, #tpu.memory_space<vmem>> -> memref<1024xf32, #tpu.memory_space<vmem>>
        %get3A_206 = arith.index_cast %mul3A_198 : i32 to index
        %get3A_207 = tpu.vector_load %get3A_205[%get3A_206] {strides = array<i32>} : memref<1024xf32, #tpu.memory_space<vmem>>, vector<16xf32>,
        %get3A_208 = vector.shape_cast %get3A_207 : vector<16xf32> to vector<16xf32>
        %gt3A_209 = arith.cmpf ogt, %get3A_208, %select_n3A : vector<16xf32>
        %select_n3A_210 = arith.select %gt3A_209, %get3A_208, %select_n3A : vector<16xi1>, vector<16xf32>
        %broadcast_in_dim3A_211 = vector.broadcast %add3A_196 : i32 to vector<16xi32>
        %select_n3A_212 = arith.select %gt3A_209, %broadcast_in_dim3A_211, %select_n3A_192 : vector<16xi1>, vector<16xi32>
        %mul3A_213 = arith.constant 16 : i32
        %mul3A_214 = arith.muli %scan3A_173, %mul3A_213 : i32
        %add3A_215 = arith.constant 2 : i32
        %add3A_216 = arith.addi %mul3A_214, %add3A_215 : i32
        %mul3A_217 = arith.constant 16 : i32
        %mul3A_218 = arith.muli %add3A_216, %mul3A_217 : i32
        %get3A_219 = arith.constant 0 : i32
        %get3A_220 = arith.constant 0 : i32
        %get3A_221 = tpu.memref_slice %arg5[%scan3A_138, %get3A_219, %get3A_220] : memref<2x32x1024xf32, #tpu.memory_space<vmem>> -> memref<1x32x1024xf32, #tpu.memory_space<vmem>>
        %get3A_222 = tpu.memref_squeeze %get3A_221 : memref<1x32x1024xf32, #tpu.memory_space<vmem>> -> memref<32x1024xf32, #tpu.memory_space<vmem>>
        %get3A_223 = arith.constant 0 : i32
        %get3A_224 = tpu.memref_slice %get3A_222[%scan3A_150, %get3A_223] : memref<32x1024xf32, #tpu.memory_space<vmem>> -> memref<1x1024xf32, #tpu.memory_space<vmem>>
        %get3A_225 = tpu.memref_squeeze %get3A_224 : memref<1x1024xf32, #tpu.memory_space<vmem>> -> memref<1024xf32, #tpu.memory_space<vmem>>
        %get3A_226 = arith.index_cast %mul3A_218 : i32 to index
        %get3A_227 = tpu.vector_load %get3A_225[%get3A_226] {strides = array<i32>} : memref<1024xf32, #tpu.memory_space<vmem>>, vector<16xf32>,
        %get3A_228 = vector.shape_cast %get3A_227 : vector<16xf32> to vector<16xf32>
        %gt3A_229 = arith.cmpf ogt, %get3A_228, %select_n3A_210 : vector<16xf32>
        %select_n3A_230 = arith.select %gt3A_229, %get3A_228, %select_n3A_210 : vector<16xi1>, vector<16xf32>
        %broadcast_in_dim3A_231 = vector.broadcast %add3A_216 : i32 to vector<16xi32>
        %select_n3A_232 = arith.select %gt3A_229, %broadcast_in_dim3A_231, %select_n3A_212 : vector<16xi1>, vector<16xi32>
        %mul3A_233 = arith.constant 16 : i32
        %mul3A_234 = arith.muli %scan3A_173, %mul3A_233 : i32
        %add3A_235 = arith.constant 3 : i32
        %add3A_236 = arith.addi %mul3A_234, %add3A_235 : i32
        %mul3A_237 = arith.constant 16 : i32
        %mul3A_238 = arith.muli %add3A_236, %mul3A_237 : i32
        %get3A_239 = arith.constant 0 : i32
        %get3A_240 = arith.constant 0 : i32
        %get3A_241 = tpu.memref_slice %arg5[%scan3A_138, %get3A_239, %get3A_240] : memref<2x32x1024xf32, #tpu.memory_space<vmem>> -> memref<1x32x1024xf32, #tpu.memory_space<vmem>>
        %get3A_242 = tpu.memref_squeeze %get3A_241 : memref<1x32x1024xf32, #tpu.memory_space<vmem>> -> memref<32x1024xf32, #tpu.memory_space<vmem>>
        %get3A_243 = arith.constant 0 : i32
        %get3A_244 = tpu.memref_slice %get3A_242[%scan3A_150, %get3A_243] : memref<32x1024xf32, #tpu.memory_space<vmem>> -> memref<1x1024xf32, #tpu.memory_space<vmem>>
        %get3A_245 = tpu.memref_squeeze %get3A_244 : memref<1x1024xf32, #tpu.memory_space<vmem>> -> memref<1024xf32, #tpu.memory_space<vmem>>
        %get3A_246 = arith.index_cast %mul3A_238 : i32 to index
        %get3A_247 = tpu.vector_load %get3A_245[%get3A_246] {strides = array<i32>} : memref<1024xf32, #tpu.memory_space<vmem>>, vector<16xf32>,
        %get3A_248 = vector.shape_cast %get3A_247 : vector<16xf32> to vector<16xf32>
        %gt3A_249 = arith.cmpf ogt, %get3A_248, %select_n3A_230 : vector<16xf32>
        %select_n3A_250 = arith.select %gt3A_249, %get3A_248, %select_n3A_230 : vector<16xi1>, vector<16xf32>
        %broadcast_in_dim3A_251 = vector.broadcast %add3A_236 : i32 to vector<16xi32>
        %select_n3A_252 = arith.select %gt3A_249, %broadcast_in_dim3A_251, %select_n3A_232 : vector<16xi1>, vector<16xi32>
        %mul3A_253 = arith.constant 16 : i32
        %mul3A_254 = arith.muli %scan3A_173, %mul3A_253 : i32
        %add3A_255 = arith.constant 4 : i32
        %add3A_256 = arith.addi %mul3A_254, %add3A_255 : i32
        %mul3A_257 = arith.constant 16 : i32
        %mul3A_258 = arith.muli %add3A_256, %mul3A_257 : i32
        %get3A_259 = arith.constant 0 : i32
        %get3A_260 = arith.constant 0 : i32
        %get3A_261 = tpu.memref_slice %arg5[%scan3A_138, %get3A_259, %get3A_260] : memref<2x32x1024xf32, #tpu.memory_space<vmem>> -> memref<1x32x1024xf32, #tpu.memory_space<vmem>>
        %get3A_262 = tpu.memref_squeeze %get3A_261 : memref<1x32x1024xf32, #tpu.memory_space<vmem>> -> memref<32x1024xf32, #tpu.memory_space<vmem>>
        %get3A_263 = arith.constant 0 : i32
        %get3A_264 = tpu.memref_slice %get3A_262[%scan3A_150, %get3A_263] : memref<32x1024xf32, #tpu.memory_space<vmem>> -> memref<1x1024xf32, #tpu.memory_space<vmem>>
        %get3A_265 = tpu.memref_squeeze %get3A_264 : memref<1x1024xf32, #tpu.memory_space<vmem>> -> memref<1024xf32, #tpu.memory_space<vmem>>
        %get3A_266 = arith.index_cast %mul3A_258 : i32 to index
        %get3A_267 = tpu.vector_load %get3A_265[%get3A_266] {strides = array<i32>} : memref<1024xf32, #tpu.memory_space<vmem>>, vector<16xf32>,
        %get3A_268 = vector.shape_cast %get3A_267 : vector<16xf32> to vector<16xf32>
        %gt3A_269 = arith.cmpf ogt, %get3A_268, %select_n3A_250 : vector<16xf32>
        %select_n3A_270 = arith.select %gt3A_269, %get3A_268, %select_n3A_250 : vector<16xi1>, vector<16xf32>
        %broadcast_in_dim3A_271 = vector.broadcast %add3A_256 : i32 to vector<16xi32>
        %select_n3A_272 = arith.select %gt3A_269, %broadcast_in_dim3A_271, %select_n3A_252 : vector<16xi1>, vector<16xi32>
        %mul3A_273 = arith.constant 16 : i32
        %mul3A_274 = arith.muli %scan3A_173, %mul3A_273 : i32
        %add3A_275 = arith.constant 5 : i32
        %add3A_276 = arith.addi %mul3A_274, %add3A_275 : i32
        %mul3A_277 = arith.constant 16 : i32
        %mul3A_278 = arith.muli %add3A_276, %mul3A_277 : i32
        %get3A_279 = arith.constant 0 : i32
        %get3A_280 = arith.constant 0 : i32
        %get3A_281 = tpu.memref_slice %arg5[%scan3A_138, %get3A_279, %get3A_280] : memref<2x32x1024xf32, #tpu.memory_space<vmem>> -> memref<1x32x1024xf32, #tpu.memory_space<vmem>>
        %get3A_282 = tpu.memref_squeeze %get3A_281 : memref<1x32x1024xf32, #tpu.memory_space<vmem>> -> memref<32x1024xf32, #tpu.memory_space<vmem>>
        %get3A_283 = arith.constant 0 : i32
        %get3A_284 = tpu.memref_slice %get3A_282[%scan3A_150, %get3A_283] : memref<32x1024xf32, #tpu.memory_space<vmem>> -> memref<1x1024xf32, #tpu.memory_space<vmem>>
        %get3A_285 = tpu.memref_squeeze %get3A_284 : memref<1x1024xf32, #tpu.memory_space<vmem>> -> memref<1024xf32, #tpu.memory_space<vmem>>
        %get3A_286 = arith.index_cast %mul3A_278 : i32 to index
        %get3A_287 = tpu.vector_load %get3A_285[%get3A_286] {strides = array<i32>} : memref<1024xf32, #tpu.memory_space<vmem>>, vector<16xf32>,
        %get3A_288 = vector.shape_cast %get3A_287 : vector<16xf32> to vector<16xf32>
        %gt3A_289 = arith.cmpf ogt, %get3A_288, %select_n3A_270 : vector<16xf32>
        %select_n3A_290 = arith.select %gt3A_289, %get3A_288, %select_n3A_270 : vector<16xi1>, vector<16xf32>
        %broadcast_in_dim3A_291 = vector.broadcast %add3A_276 : i32 to vector<16xi32>
        %select_n3A_292 = arith.select %gt3A_289, %broadcast_in_dim3A_291, %select_n3A_272 : vector<16xi1>, vector<16xi32>
        %mul3A_293 = arith.constant 16 : i32
        %mul3A_294 = arith.muli %scan3A_173, %mul3A_293 : i32
        %add3A_295 = arith.constant 6 : i32
        %add3A_296 = arith.addi %mul3A_294, %add3A_295 : i32
        %mul3A_297 = arith.constant 16 : i32
        %mul3A_298 = arith.muli %add3A_296, %mul3A_297 : i32
        %get3A_299 = arith.constant 0 : i32
        %get3A_300 = arith.constant 0 : i32
        %get3A_301 = tpu.memref_slice %arg5[%scan3A_138, %get3A_299, %get3A_300] : memref<2x32x1024xf32, #tpu.memory_space<vmem>> -> memref<1x32x1024xf32, #tpu.memory_space<vmem>>
        %get3A_302 = tpu.memref_squeeze %get3A_301 : memref<1x32x1024xf32, #tpu.memory_space<vmem>> -> memref<32x1024xf32, #tpu.memory_space<vmem>>
        %get3A_303 = arith.constant 0 : i32
        %get3A_304 = tpu.memref_slice %get3A_302[%scan3A_150, %get3A_303] : memref<32x1024xf32, #tpu.memory_space<vmem>> -> memref<1x1024xf32, #tpu.memory_space<vmem>>
        %get3A_305 = tpu.memref_squeeze %get3A_304 : memref<1x1024xf32, #tpu.memory_space<vmem>> -> memref<1024xf32, #tpu.memory_space<vmem>>
        %get3A_306 = arith.index_cast %mul3A_298 : i32 to index
        %get3A_307 = tpu.vector_load %get3A_305[%get3A_306] {strides = array<i32>} : memref<1024xf32, #tpu.memory_space<vmem>>, vector<16xf32>,
        %get3A_308 = vector.shape_cast %get3A_307 : vector<16xf32> to vector<16xf32>
        %gt3A_309 = arith.cmpf ogt, %get3A_308, %select_n3A_290 : vector<16xf32>
        %select_n3A_310 = arith.select %gt3A_309, %get3A_308, %select_n3A_290 : vector<16xi1>, vector<16xf32>
        %broadcast_in_dim3A_311 = vector.broadcast %add3A_296 : i32 to vector<16xi32>
        %select_n3A_312 = arith.select %gt3A_309, %broadcast_in_dim3A_311, %select_n3A_292 : vector<16xi1>, vector<16xi32>
        %mul3A_313 = arith.constant 16 : i32
        %mul3A_314 = arith.muli %scan3A_173, %mul3A_313 : i32
        %add3A_315 = arith.constant 7 : i32
        %add3A_316 = arith.addi %mul3A_314, %add3A_315 : i32
        %mul3A_317 = arith.constant 16 : i32
        %mul3A_318 = arith.muli %add3A_316, %mul3A_317 : i32
        %get3A_319 = arith.constant 0 : i32
        %get3A_320 = arith.constant 0 : i32
        %get3A_321 = tpu.memref_slice %arg5[%scan3A_138, %get3A_319, %get3A_320] : memref<2x32x1024xf32, #tpu.memory_space<vmem>> -> memref<1x32x1024xf32, #tpu.memory_space<vmem>>
        %get3A_322 = tpu.memref_squeeze %get3A_321 : memref<1x32x1024xf32, #tpu.memory_space<vmem>> -> memref<32x1024xf32, #tpu.memory_space<vmem>>
        %get3A_323 = arith.constant 0 : i32
        %get3A_324 = tpu.memref_slice %get3A_322[%scan3A_150, %get3A_323] : memref<32x1024xf32, #tpu.memory_space<vmem>> -> memref<1x1024xf32, #tpu.memory_space<vmem>>
        %get3A_325 = tpu.memref_squeeze %get3A_324 : memref<1x1024xf32, #tpu.memory_space<vmem>> -> memref<1024xf32, #tpu.memory_space<vmem>>
        %get3A_326 = arith.index_cast %mul3A_318 : i32 to index
        %get3A_327 = tpu.vector_load %get3A_325[%get3A_326] {strides = array<i32>} : memref<1024xf32, #tpu.memory_space<vmem>>, vector<16xf32>,
        %get3A_328 = vector.shape_cast %get3A_327 : vector<16xf32> to vector<16xf32>
        %gt3A_329 = arith.cmpf ogt, %get3A_328, %select_n3A_310 : vector<16xf32>
        %select_n3A_330 = arith.select %gt3A_329, %get3A_328, %select_n3A_310 : vector<16xi1>, vector<16xf32>
        %broadcast_in_dim3A_331 = vector.broadcast %add3A_316 : i32 to vector<16xi32>
        %select_n3A_332 = arith.select %gt3A_329, %broadcast_in_dim3A_331, %select_n3A_312 : vector<16xi1>, vector<16xi32>
        %mul3A_333 = arith.constant 16 : i32
        %mul3A_334 = arith.muli %scan3A_173, %mul3A_333 : i32
        %add3A_335 = arith.constant 8 : i32
        %add3A_336 = arith.addi %mul3A_334, %add3A_335 : i32
        %mul3A_337 = arith.constant 16 : i32
        %mul3A_338 = arith.muli %add3A_336, %mul3A_337 : i32
        %get3A_339 = arith.constant 0 : i32
        %get3A_340 = arith.constant 0 : i32
        %get3A_341 = tpu.memref_slice %arg5[%scan3A_138, %get3A_339, %get3A_340] : memref<2x32x1024xf32, #tpu.memory_space<vmem>> -> memref<1x32x1024xf32, #tpu.memory_space<vmem>>
        %get3A_342 = tpu.memref_squeeze %get3A_341 : memref<1x32x1024xf32, #tpu.memory_space<vmem>> -> memref<32x1024xf32, #tpu.memory_space<vmem>>
        %get3A_343 = arith.constant 0 : i32
        %get3A_344 = tpu.memref_slice %get3A_342[%scan3A_150, %get3A_343] : memref<32x1024xf32, #tpu.memory_space<vmem>> -> memref<1x1024xf32, #tpu.memory_space<vmem>>
        %get3A_345 = tpu.memref_squeeze %get3A_344 : memref<1x1024xf32, #tpu.memory_space<vmem>> -> memref<1024xf32, #tpu.memory_space<vmem>>
        %get3A_346 = arith.index_cast %mul3A_338 : i32 to index
        %get3A_347 = tpu.vector_load %get3A_345[%get3A_346] {strides = array<i32>} : memref<1024xf32, #tpu.memory_space<vmem>>, vector<16xf32>,
        %get3A_348 = vector.shape_cast %get3A_347 : vector<16xf32> to vector<16xf32>
        %gt3A_349 = arith.cmpf ogt, %get3A_348, %select_n3A_330 : vector<16xf32>
        %select_n3A_350 = arith.select %gt3A_349, %get3A_348, %select_n3A_330 : vector<16xi1>, vector<16xf32>
        %broadcast_in_dim3A_351 = vector.broadcast %add3A_336 : i32 to vector<16xi32>
        %select_n3A_352 = arith.select %gt3A_349, %broadcast_in_dim3A_351, %select_n3A_332 : vector<16xi1>, vector<16xi32>
        %mul3A_353 = arith.constant 16 : i32
        %mul3A_354 = arith.muli %scan3A_173, %mul3A_353 : i32
        %add3A_355 = arith.constant 9 : i32
        %add3A_356 = arith.addi %mul3A_354, %add3A_355 : i32
        %mul3A_357 = arith.constant 16 : i32
        %mul3A_358 = arith.muli %add3A_356, %mul3A_357 : i32
        %get3A_359 = arith.constant 0 : i32
        %get3A_360 = arith.constant 0 : i32
        %get3A_361 = tpu.memref_slice %arg5[%scan3A_138, %get3A_359, %get3A_360] : memref<2x32x1024xf32, #tpu.memory_space<vmem>> -> memref<1x32x1024xf32, #tpu.memory_space<vmem>>
        %get3A_362 = tpu.memref_squeeze %get3A_361 : memref<1x32x1024xf32, #tpu.memory_space<vmem>> -> memref<32x1024xf32, #tpu.memory_space<vmem>>
        %get3A_363 = arith.constant 0 : i32
        %get3A_364 = tpu.memref_slice %get3A_362[%scan3A_150, %get3A_363] : memref<32x1024xf32, #tpu.memory_space<vmem>> -> memref<1x1024xf32, #tpu.memory_space<vmem>>
        %get3A_365 = tpu.memref_squeeze %get3A_364 : memref<1x1024xf32, #tpu.memory_space<vmem>> -> memref<1024xf32, #tpu.memory_space<vmem>>
        %get3A_366 = arith.index_cast %mul3A_358 : i32 to index
        %get3A_367 = tpu.vector_load %get3A_365[%get3A_366] {strides = array<i32>} : memref<1024xf32, #tpu.memory_space<vmem>>, vector<16xf32>,
        %get3A_368 = vector.shape_cast %get3A_367 : vector<16xf32> to vector<16xf32>
        %gt3A_369 = arith.cmpf ogt, %get3A_368, %select_n3A_350 : vector<16xf32>
        %select_n3A_370 = arith.select %gt3A_369, %get3A_368, %select_n3A_350 : vector<16xi1>, vector<16xf32>
        %broadcast_in_dim3A_371 = vector.broadcast %add3A_356 : i32 to vector<16xi32>
        %select_n3A_372 = arith.select %gt3A_369, %broadcast_in_dim3A_371, %select_n3A_352 : vector<16xi1>, vector<16xi32>
        %mul3A_373 = arith.constant 16 : i32
        %mul3A_374 = arith.muli %scan3A_173, %mul3A_373 : i32
        %add3A_375 = arith.constant 10 : i32
        %add3A_376 = arith.addi %mul3A_374, %add3A_375 : i32
        %mul3A_377 = arith.constant 16 : i32
        %mul3A_378 = arith.muli %add3A_376, %mul3A_377 : i32
        %get3A_379 = arith.constant 0 : i32
        %get3A_380 = arith.constant 0 : i32
        %get3A_381 = tpu.memref_slice %arg5[%scan3A_138, %get3A_379, %get3A_380] : memref<2x32x1024xf32, #tpu.memory_space<vmem>> -> memref<1x32x1024xf32, #tpu.memory_space<vmem>>
        %get3A_382 = tpu.memref_squeeze %get3A_381 : memref<1x32x1024xf32, #tpu.memory_space<vmem>> -> memref<32x1024xf32, #tpu.memory_space<vmem>>
        %get3A_383 = arith.constant 0 : i32
        %get3A_384 = tpu.memref_slice %get3A_382[%scan3A_150, %get3A_383] : memref<32x1024xf32, #tpu.memory_space<vmem>> -> memref<1x1024xf32, #tpu.memory_space<vmem>>
        %get3A_385 = tpu.memref_squeeze %get3A_384 : memref<1x1024xf32, #tpu.memory_space<vmem>> -> memref<1024xf32, #tpu.memory_space<vmem>>
        %get3A_386 = arith.index_cast %mul3A_378 : i32 to index
        %get3A_387 = tpu.vector_load %get3A_385[%get3A_386] {strides = array<i32>} : memref<1024xf32, #tpu.memory_space<vmem>>, vector<16xf32>,
        %get3A_388 = vector.shape_cast %get3A_387 : vector<16xf32> to vector<16xf32>
        %gt3A_389 = arith.cmpf ogt, %get3A_388, %select_n3A_370 : vector<16xf32>
        %select_n3A_390 = arith.select %gt3A_389, %get3A_388, %select_n3A_370 : vector<16xi1>, vector<16xf32>
        %broadcast_in_dim3A_391 = vector.broadcast %add3A_376 : i32 to vector<16xi32>
        %select_n3A_392 = arith.select %gt3A_389, %broadcast_in_dim3A_391, %select_n3A_372 : vector<16xi1>, vector<16xi32>
        %mul3A_393 = arith.constant 16 : i32
        %mul3A_394 = arith.muli %scan3A_173, %mul3A_393 : i32
        %add3A_395 = arith.constant 11 : i32
        %add3A_396 = arith.addi %mul3A_394, %add3A_395 : i32
        %mul3A_397 = arith.constant 16 : i32
        %mul3A_398 = arith.muli %add3A_396, %mul3A_397 : i32
        %get3A_399 = arith.constant 0 : i32
        %get3A_400 = arith.constant 0 : i32
        %get3A_401 = tpu.memref_slice %arg5[%scan3A_138, %get3A_399, %get3A_400] : memref<2x32x1024xf32, #tpu.memory_space<vmem>> -> memref<1x32x1024xf32, #tpu.memory_space<vmem>>
        %get3A_402 = tpu.memref_squeeze %get3A_401 : memref<1x32x1024xf32, #tpu.memory_space<vmem>> -> memref<32x1024xf32, #tpu.memory_space<vmem>>
        %get3A_403 = arith.constant 0 : i32
        %get3A_404 = tpu.memref_slice %get3A_402[%scan3A_150, %get3A_403] : memref<32x1024xf32, #tpu.memory_space<vmem>> -> memref<1x1024xf32, #tpu.memory_space<vmem>>
        %get3A_405 = tpu.memref_squeeze %get3A_404 : memref<1x1024xf32, #tpu.memory_space<vmem>> -> memref<1024xf32, #tpu.memory_space<vmem>>
        %get3A_406 = arith.index_cast %mul3A_398 : i32 to index
        %get3A_407 = tpu.vector_load %get3A_405[%get3A_406] {strides = array<i32>} : memref<1024xf32, #tpu.memory_space<vmem>>, vector<16xf32>,
        %get3A_408 = vector.shape_cast %get3A_407 : vector<16xf32> to vector<16xf32>
        %gt3A_409 = arith.cmpf ogt, %get3A_408, %select_n3A_390 : vector<16xf32>
        %select_n3A_410 = arith.select %gt3A_409, %get3A_408, %select_n3A_390 : vector<16xi1>, vector<16xf32>
        %broadcast_in_dim3A_411 = vector.broadcast %add3A_396 : i32 to vector<16xi32>
        %select_n3A_412 = arith.select %gt3A_409, %broadcast_in_dim3A_411, %select_n3A_392 : vector<16xi1>, vector<16xi32>
        %mul3A_413 = arith.constant 16 : i32
        %mul3A_414 = arith.muli %scan3A_173, %mul3A_413 : i32
        %add3A_415 = arith.constant 12 : i32
        %add3A_416 = arith.addi %mul3A_414, %add3A_415 : i32
        %mul3A_417 = arith.constant 16 : i32
        %mul3A_418 = arith.muli %add3A_416, %mul3A_417 : i32
        %get3A_419 = arith.constant 0 : i32
        %get3A_420 = arith.constant 0 : i32
        %get3A_421 = tpu.memref_slice %arg5[%scan3A_138, %get3A_419, %get3A_420] : memref<2x32x1024xf32, #tpu.memory_space<vmem>> -> memref<1x32x1024xf32, #tpu.memory_space<vmem>>
        %get3A_422 = tpu.memref_squeeze %get3A_421 : memref<1x32x1024xf32, #tpu.memory_space<vmem>> -> memref<32x1024xf32, #tpu.memory_space<vmem>>
        %get3A_423 = arith.constant 0 : i32
        %get3A_424 = tpu.memref_slice %get3A_422[%scan3A_150, %get3A_423] : memref<32x1024xf32, #tpu.memory_space<vmem>> -> memref<1x1024xf32, #tpu.memory_space<vmem>>
        %get3A_425 = tpu.memref_squeeze %get3A_424 : memref<1x1024xf32, #tpu.memory_space<vmem>> -> memref<1024xf32, #tpu.memory_space<vmem>>
        %get3A_426 = arith.index_cast %mul3A_418 : i32 to index
        %get3A_427 = tpu.vector_load %get3A_425[%get3A_426] {strides = array<i32>} : memref<1024xf32, #tpu.memory_space<vmem>>, vector<16xf32>,
        %get3A_428 = vector.shape_cast %get3A_427 : vector<16xf32> to vector<16xf32>
        %gt3A_429 = arith.cmpf ogt, %get3A_428, %select_n3A_410 : vector<16xf32>
        %select_n3A_430 = arith.select %gt3A_429, %get3A_428, %select_n3A_410 : vector<16xi1>, vector<16xf32>
        %broadcast_in_dim3A_431 = vector.broadcast %add3A_416 : i32 to vector<16xi32>
        %select_n3A_432 = arith.select %gt3A_429, %broadcast_in_dim3A_431, %select_n3A_412 : vector<16xi1>, vector<16xi32>
        %mul3A_433 = arith.constant 16 : i32
        %mul3A_434 = arith.muli %scan3A_173, %mul3A_433 : i32
        %add3A_435 = arith.constant 13 : i32
        %add3A_436 = arith.addi %mul3A_434, %add3A_435 : i32
        %mul3A_437 = arith.constant 16 : i32
        %mul3A_438 = arith.muli %add3A_436, %mul3A_437 : i32
        %get3A_439 = arith.constant 0 : i32
        %get3A_440 = arith.constant 0 : i32
        %get3A_441 = tpu.memref_slice %arg5[%scan3A_138, %get3A_439, %get3A_440] : memref<2x32x1024xf32, #tpu.memory_space<vmem>> -> memref<1x32x1024xf32, #tpu.memory_space<vmem>>
        %get3A_442 = tpu.memref_squeeze %get3A_441 : memref<1x32x1024xf32, #tpu.memory_space<vmem>> -> memref<32x1024xf32, #tpu.memory_space<vmem>>
        %get3A_443 = arith.constant 0 : i32
        %get3A_444 = tpu.memref_slice %get3A_442[%scan3A_150, %get3A_443] : memref<32x1024xf32, #tpu.memory_space<vmem>> -> memref<1x1024xf32, #tpu.memory_space<vmem>>
        %get3A_445 = tpu.memref_squeeze %get3A_444 : memref<1x1024xf32, #tpu.memory_space<vmem>> -> memref<1024xf32, #tpu.memory_space<vmem>>
        %get3A_446 = arith.index_cast %mul3A_438 : i32 to index
        %get3A_447 = tpu.vector_load %get3A_445[%get3A_446] {strides = array<i32>} : memref<1024xf32, #tpu.memory_space<vmem>>, vector<16xf32>,
        %get3A_448 = vector.shape_cast %get3A_447 : vector<16xf32> to vector<16xf32>
        %gt3A_449 = arith.cmpf ogt, %get3A_448, %select_n3A_430 : vector<16xf32>
        %select_n3A_450 = arith.select %gt3A_449, %get3A_448, %select_n3A_430 : vector<16xi1>, vector<16xf32>
        %broadcast_in_dim3A_451 = vector.broadcast %add3A_436 : i32 to vector<16xi32>
        %select_n3A_452 = arith.select %gt3A_449, %broadcast_in_dim3A_451, %select_n3A_432 : vector<16xi1>, vector<16xi32>
        %mul3A_453 = arith.constant 16 : i32
        %mul3A_454 = arith.muli %scan3A_173, %mul3A_453 : i32
        %add3A_455 = arith.constant 14 : i32
        %add3A_456 = arith.addi %mul3A_454, %add3A_455 : i32
        %mul3A_457 = arith.constant 16 : i32
        %mul3A_458 = arith.muli %add3A_456, %mul3A_457 : i32
        %get3A_459 = arith.constant 0 : i32
        %get3A_460 = arith.constant 0 : i32
        %get3A_461 = tpu.memref_slice %arg5[%scan3A_138, %get3A_459, %get3A_460] : memref<2x32x1024xf32, #tpu.memory_space<vmem>> -> memref<1x32x1024xf32, #tpu.memory_space<vmem>>
        %get3A_462 = tpu.memref_squeeze %get3A_461 : memref<1x32x1024xf32, #tpu.memory_space<vmem>> -> memref<32x1024xf32, #tpu.memory_space<vmem>>
        %get3A_463 = arith.constant 0 : i32
        %get3A_464 = tpu.memref_slice %get3A_462[%scan3A_150, %get3A_463] : memref<32x1024xf32, #tpu.memory_space<vmem>> -> memref<1x1024xf32, #tpu.memory_space<vmem>>
        %get3A_465 = tpu.memref_squeeze %get3A_464 : memref<1x1024xf32, #tpu.memory_space<vmem>> -> memref<1024xf32, #tpu.memory_space<vmem>>
        %get3A_466 = arith.index_cast %mul3A_458 : i32 to index
        %get3A_467 = tpu.vector_load %get3A_465[%get3A_466] {strides = array<i32>} : memref<1024xf32, #tpu.memory_space<vmem>>, vector<16xf32>,
        %get3A_468 = vector.shape_cast %get3A_467 : vector<16xf32> to vector<16xf32>
        %gt3A_469 = arith.cmpf ogt, %get3A_468, %select_n3A_450 : vector<16xf32>
        %select_n3A_470 = arith.select %gt3A_469, %get3A_468, %select_n3A_450 : vector<16xi1>, vector<16xf32>
        %broadcast_in_dim3A_471 = vector.broadcast %add3A_456 : i32 to vector<16xi32>
        %select_n3A_472 = arith.select %gt3A_469, %broadcast_in_dim3A_471, %select_n3A_452 : vector<16xi1>, vector<16xi32>
        %mul3A_473 = arith.constant 16 : i32
        %mul3A_474 = arith.muli %scan3A_173, %mul3A_473 : i32
        %add3A_475 = arith.constant 15 : i32
        %add3A_476 = arith.addi %mul3A_474, %add3A_475 : i32
        %mul3A_477 = arith.constant 16 : i32
        %mul3A_478 = arith.muli %add3A_476, %mul3A_477 : i32
        %get3A_479 = arith.constant 0 : i32
        %get3A_480 = arith.constant 0 : i32
        %get3A_481 = tpu.memref_slice %arg5[%scan3A_138, %get3A_479, %get3A_480] : memref<2x32x1024xf32, #tpu.memory_space<vmem>> -> memref<1x32x1024xf32, #tpu.memory_space<vmem>>
        %get3A_482 = tpu.memref_squeeze %get3A_481 : memref<1x32x1024xf32, #tpu.memory_space<vmem>> -> memref<32x1024xf32, #tpu.memory_space<vmem>>
        %get3A_483 = arith.constant 0 : i32
        %get3A_484 = tpu.memref_slice %get3A_482[%scan3A_150, %get3A_483] : memref<32x1024xf32, #tpu.memory_space<vmem>> -> memref<1x1024xf32, #tpu.memory_space<vmem>>
        %get3A_485 = tpu.memref_squeeze %get3A_484 : memref<1x1024xf32, #tpu.memory_space<vmem>> -> memref<1024xf32, #tpu.memory_space<vmem>>
        %get3A_486 = arith.index_cast %mul3A_478 : i32 to index
        %get3A_487 = tpu.vector_load %get3A_485[%get3A_486] {strides = array<i32>} : memref<1024xf32, #tpu.memory_space<vmem>>, vector<16xf32>,
        %get3A_488 = vector.shape_cast %get3A_487 : vector<16xf32> to vector<16xf32>
        %gt3A_489 = arith.cmpf ogt, %get3A_488, %select_n3A_470 : vector<16xf32>
        %select_n3A_490 = arith.select %gt3A_489, %get3A_488, %select_n3A_470 : vector<16xi1>, vector<16xf32>
        %broadcast_in_dim3A_491 = vector.broadcast %add3A_476 : i32 to vector<16xi32>
        %select_n3A_492 = arith.select %gt3A_489, %broadcast_in_dim3A_491, %select_n3A_472 : vector<16xi1>, vector<16xi32>
        scf.yield %select_n3A_490, %select_n3A_492 : vector<16xf32>, vector<16xi32>
      }
      %scan3A_160 = arith.constant 4 : i32
      %add3A_161 = arith.constant 96 : i32
      %add3A_162 = arith.addi %add3A_161, %scan3A_150 : i32
      %mul3A_163 = arith.constant 16 : i32
      %mul3A_164 = arith.muli %add3A_162, %mul3A_163 : i32
      %swap3A = arith.index_cast %mul3A_164 : i32 to index
      %swap3A_165 = tpu.vector_load %arg6[%swap3A] {strides = array<i32>} : memref<2048xi32, #tpu.memory_space<vmem>>, vector<16xi32>,
      %swap3A_166 = vector.shape_cast %swap3A_165 : vector<16xi32> to vector<16xi32>
      %swap3A_167 = vector.shape_cast %scan3A_159#1 : vector<16xi32> to vector<16xi32>
      tpu.vector_store %arg6[%swap3A], %swap3A_167 {strides = array<i32>} : memref<2048xi32, #tpu.memory_space<vmem>>, vector<16xi32>,
      %swap3A_168 = arith.index_cast %mul3A_164 : i32 to index
      %swap3A_169 = tpu.vector_load %arg7[%swap3A_168] {strides = array<i32>} : memref<2048xf32, #tpu.memory_space<vmem>>, vector<16xf32>,
      %swap3A_170 = vector.shape_cast %swap3A_169 : vector<16xf32> to vector<16xf32>
      %swap3A_171 = vector.shape_cast %scan3A_159#0 : vector<16xf32> to vector<16xf32>
      tpu.vector_store %arg7[%swap3A_168], %swap3A_171 {strides = array<i32>} : memref<2048xf32, #tpu.memory_space<vmem>>, vector<16xf32>,
      %scan3A_172 = arith.constant 0 : i32
      scf.yield %scan3A_172 : i32
    }
    %scan3A_145 = arith.constant 32 : i32
    %mul3A_146 = arith.constant 16 : i32
    %mul3A_147 = arith.muli %mul3A_2, %mul3A_146 : i32
    "tpu.region"() ({
      %run_scoped3A = tpu.sem_alloc : memref<!tpu.dma_semaphore, #tpu.memory_space<semaphore_mem>>
      %dma_start3A_150 = tpu.memref_slice %arg3[%mul3A_147] : memref<65536xi32, #tpu.memory_space<hbm>> -> memref<2048xi32, #tpu.memory_space<hbm>>
      %dma_start3A_151 = tpu.memref_slice %arg3[%mul3A_147] : memref<65536xi32, #tpu.memory_space<hbm>> -> memref<2048xi32, #tpu.memory_space<hbm>>
      tpu.enqueue_dma source(%arg6 : memref<2048xi32, #tpu.memory_space<vmem>>) target(%dma_start3A_151 : memref<2048xi32, #tpu.memory_space<hbm>>) target_semaphore(%run_scoped3A : memref<!tpu.dma_semaphore, #tpu.memory_space<semaphore_mem>>)
      %dma_wait3A_152 = tpu.memref_slice %arg3[%mul3A_147] : memref<65536xi32, #tpu.memory_space<hbm>> -> memref<2048xi32, #tpu.memory_space<hbm>>
      %dma_wait3A_153 = tpu.memref_slice %arg3[%mul3A_147] : memref<65536xi32, #tpu.memory_space<hbm>> -> memref<2048xi32, #tpu.memory_space<hbm>>
      tpu.wait_dma2 semaphore(%run_scoped3A : memref<!tpu.dma_semaphore, #tpu.memory_space<semaphore_mem>>) src(%arg6 : memref<2048xi32, #tpu.memory_space<vmem>>) dst(%dma_wait3A_153 : memref<2048xi32, #tpu.memory_space<hbm>>)
      tpu.yield
    }) : () -> ()
    %mul3A_148 = arith.constant 16 : i32
    %mul3A_149 = arith.muli %mul3A_2, %mul3A_148 : i32
    "tpu.region"() ({
      %run_scoped3A = tpu.sem_alloc : memref<!tpu.dma_semaphore, #tpu.memory_space<semaphore_mem>>
      %dma_start3A_150 = tpu.memref_slice %arg4[%mul3A_149] : memref<65536xf32, #tpu.memory_space<hbm>> -> memref<2048xf32, #tpu.memory_space<hbm>>
      %dma_start3A_151 = tpu.memref_slice %arg4[%mul3A_149] : memref<65536xf32, #tpu.memory_space<hbm>> -> memref<2048xf32, #tpu.memory_space<hbm>>
      tpu.enqueue_dma source(%arg7 : memref<2048xf32, #tpu.memory_space<vmem>>) target(%dma_start3A_151 : memref<2048xf32, #tpu.memory_space<hbm>>) target_semaphore(%run_scoped3A : memref<!tpu.dma_semaphore, #tpu.memory_space<semaphore_mem>>)
      %dma_wait3A_152 = tpu.memref_slice %arg4[%mul3A_149] : memref<65536xf32, #tpu.memory_space<hbm>> -> memref<2048xf32, #tpu.memory_space<hbm>>
      %dma_wait3A_153 = tpu.memref_slice %arg4[%mul3A_149] : memref<65536xf32, #tpu.memory_space<hbm>> -> memref<2048xf32, #tpu.memory_space<hbm>>
      tpu.wait_dma2 semaphore(%run_scoped3A : memref<!tpu.dma_semaphore, #tpu.memory_space<semaphore_mem>>) src(%arg7 : memref<2048xf32, #tpu.memory_space<vmem>>) dst(%dma_wait3A_153 : memref<2048xf32, #tpu.memory_space<hbm>>)
      tpu.yield
    }) : () -> ()
    return
  }
}

module attributes {stable_mosaic.version = 14 : i64} {
  func.func @_tc_main_kernel(%arg0: i32, %arg1: memref<1x256x1024xf32, #tpu.memory_space<vmem>>, %arg2: memref<1x1x256xi32, #tpu.memory_space<vmem>>, %arg3: memref<1x1x1xf32, #tpu.memory_space<vmem>>) attributes {dimension_semantics = [#tpu.dimension_semantics<arbitrary>], iteration_bounds = array<i64: 16>, scalar_prefetch = 0 : i64, scratch_operands = 0 : i64, tpu.core_type = #tpu.core_type<tc>, window_params = [{transform_indices = @transform_0, window_bounds = array<i64: 1, 256, 1024>}, {transform_indices = @transform_1, window_bounds = array<i64: 1, 1, 256>}, {transform_indices = @transform_2, window_bounds = array<i64: 1, 1, 1>}]} {
    %get3A = arith.constant 0 : index
    %get3A_0 = arith.constant 0 : index
    %get3A_1 = arith.constant 0 : index
    %get3A_2 = vector.load %arg1[%get3A, %get3A_0, %get3A_1] : memref<1x256x1024xf32, #tpu.memory_space<vmem>>, vector<1x256x1024xf32>
    %get3A_3 = vector.shape_cast %get3A_2 : vector<1x256x1024xf32> to vector<256x1024xf32>
    %reduce_max3A = arith.constant dense<0xFF800000> : vector<256xf32>
    %reduce_max3A_4 = vector.multi_reduction <maximumf>, %get3A_3, %reduce_max3A [1] : vector<256x1024xf32> to vector<256xf32>
    %broadcast_in_dim3A = vector.shape_cast %reduce_max3A_4 : vector<256xf32> to vector<256x1xf32>
    %iota3A = tpu.iota {dimensions = array<i32: 1>} : vector<256x1024xi32>
    %eq3A = vector.broadcast %broadcast_in_dim3A : vector<256x1xf32> to vector<256x1024xf32>
    %eq3A_5 = arith.cmpf oeq, %get3A_3, %eq3A : vector<256x1024xf32>
    %jit3A = arith.constant 1024 : i32
    %broadcast_in_dim3A_6 = vector.broadcast %jit3A : i32 to vector<256x1024xi32>
    %select_n3A = arith.select %eq3A_5, %iota3A, %broadcast_in_dim3A_6 : vector<256x1024xi1>, vector<256x1024xi32>
    %reduce_min3A = arith.constant dense<2147483647> : vector<256xi32>
    %reduce_min3A_7 = vector.multi_reduction <minsi>, %select_n3A, %reduce_min3A [1] : vector<256x1024xi32> to vector<256xi32>
    %broadcast_in_dim3A_8 = vector.shape_cast %reduce_min3A_7 : vector<256xi32> to vector<256x1xi32>
    %add3A = arith.constant 1.000000e-07 : f32
    %add3A_9 = vector.broadcast %add3A : f32 to vector<256x1xf32>
    %add3A_10 = arith.addf %broadcast_in_dim3A, %add3A_9 : vector<256x1xf32>
    %log3A = math.log %add3A_10 : vector<256x1xf32>
    %reduce_sum3A = vector.shape_cast %log3A : vector<256x1xf32> to vector<1x256x1xf32>
    %reduce_sum3A_11 = arith.constant dense<0.000000e+00> : vector<1xf32>
    %reduce_sum3A_12 = vector.multi_reduction <add>, %reduce_sum3A, %reduce_sum3A_11 [1, 2] : vector<1x256x1xf32> to vector<1xf32>
    %reduce_sum3A_13 = vector.shape_cast %reduce_sum3A_12 : vector<1xf32> to vector<1x1x1xf32>
    %reduce_sum3A_14 = vector.extract %reduce_sum3A_13[0, 0, 0] : f32 from vector<1x1x1xf32>
    %reshape3A = vector.broadcast %reduce_sum3A_14 : f32 to vector<1x1xf32>
    %swap3A = arith.constant 0 : index
    %swap3A_15 = arith.constant 0 : index
    %swap3A_16 = arith.constant 0 : index
    %swap3A_17 = vector.load %arg3[%swap3A, %swap3A_15, %swap3A_16] : memref<1x1x1xf32, #tpu.memory_space<vmem>>, vector<1x1x1xf32>
    %swap3A_18 = vector.shape_cast %swap3A_17 : vector<1x1x1xf32> to vector<1x1xf32>
    %swap3A_19 = vector.shape_cast %reshape3A : vector<1x1xf32> to vector<1x1x1xf32>
    tpu.vector_store %arg3[%swap3A, %swap3A_15, %swap3A_16], %swap3A_19 {strides = array<i32>} : memref<1x1x1xf32, #tpu.memory_space<vmem>>, vector<1x1x1xf32>,
    %broadcast_in_dim3A_20 = arith.constant -1 : i32
    %broadcast_in_dim3A_21 = vector.broadcast %broadcast_in_dim3A_20 : i32 to vector<1x1xi32>
    %slice3A = vector.extract_strided_slice %broadcast_in_dim3A_8 {offsets = [0, 0], sizes = [255, 1], strides = [1, 1]} : vector<256x1xi32> to vector<255x1xi32>
    %concatenate3A = tpu.concatenate %broadcast_in_dim3A_21, %slice3A in 0 : vector<1x1xi32>, vector<255x1xi32> -> vector<256x1xi32>
    %ne3A = arith.cmpi ne, %broadcast_in_dim3A_8, %concatenate3A : vector<256x1xi32>
    %ne3A_22 = arith.constant 1023 : i32
    %ne3A_23 = vector.broadcast %ne3A_22 : i32 to vector<256x1xi32>
    %ne3A_24 = arith.cmpi ne, %broadcast_in_dim3A_8, %ne3A_23 : vector<256x1xi32>
    %and3A = arith.andi %ne3A, %ne3A_24 : vector<256x1xi1>
    %convert_element_type3A = arith.extui %and3A : vector<256x1xi1> to vector<256x1xi32>
    %convert_element_type3A_25 = arith.sitofp %convert_element_type3A : vector<256x1xi32> to vector<256x1xf32>
    %broadcast_in_dim3A_26 = arith.constant 0.000000e+00 : f32
    %broadcast_in_dim3A_27 = vector.broadcast %broadcast_in_dim3A_26 : f32 to vector<1x1xf32>
    %slice3A_28 = vector.extract_strided_slice %convert_element_type3A_25 {offsets = [0, 0], sizes = [255, 1], strides = [1, 1]} : vector<256x1xf32> to vector<255x1xf32>
    %concatenate3A_29 = tpu.concatenate %broadcast_in_dim3A_27, %slice3A_28 in 0 : vector<1x1xf32>, vector<255x1xf32> -> vector<256x1xf32>
    %add3A_30 = arith.addf %convert_element_type3A_25, %concatenate3A_29 : vector<256x1xf32>
    %broadcast_in_dim3A_31 = arith.constant 0.000000e+00 : f32
    %broadcast_in_dim3A_32 = vector.broadcast %broadcast_in_dim3A_31 : f32 to vector<2x1xf32>
    %slice3A_33 = vector.extract_strided_slice %add3A_30 {offsets = [0, 0], sizes = [254, 1], strides = [1, 1]} : vector<256x1xf32> to vector<254x1xf32>
    %concatenate3A_34 = tpu.concatenate %broadcast_in_dim3A_32, %slice3A_33 in 0 : vector<2x1xf32>, vector<254x1xf32> -> vector<256x1xf32>
    %add3A_35 = arith.addf %add3A_30, %concatenate3A_34 : vector<256x1xf32>
    %broadcast_in_dim3A_36 = arith.constant 0.000000e+00 : f32
    %broadcast_in_dim3A_37 = vector.broadcast %broadcast_in_dim3A_36 : f32 to vector<4x1xf32>
    %slice3A_38 = vector.extract_strided_slice %add3A_35 {offsets = [0, 0], sizes = [252, 1], strides = [1, 1]} : vector<256x1xf32> to vector<252x1xf32>
    %concatenate3A_39 = tpu.concatenate %broadcast_in_dim3A_37, %slice3A_38 in 0 : vector<4x1xf32>, vector<252x1xf32> -> vector<256x1xf32>
    %add3A_40 = arith.addf %add3A_35, %concatenate3A_39 : vector<256x1xf32>
    %broadcast_in_dim3A_41 = arith.constant 0.000000e+00 : f32
    %broadcast_in_dim3A_42 = vector.broadcast %broadcast_in_dim3A_41 : f32 to vector<8x1xf32>
    %slice3A_43 = vector.extract_strided_slice %add3A_40 {offsets = [0, 0], sizes = [248, 1], strides = [1, 1]} : vector<256x1xf32> to vector<248x1xf32>
    %concatenate3A_44 = tpu.concatenate %broadcast_in_dim3A_42, %slice3A_43 in 0 : vector<8x1xf32>, vector<248x1xf32> -> vector<256x1xf32>
    %add3A_45 = arith.addf %add3A_40, %concatenate3A_44 : vector<256x1xf32>
    %broadcast_in_dim3A_46 = arith.constant 0.000000e+00 : f32
    %broadcast_in_dim3A_47 = vector.broadcast %broadcast_in_dim3A_46 : f32 to vector<16x1xf32>
    %slice3A_48 = vector.extract_strided_slice %add3A_45 {offsets = [0, 0], sizes = [240, 1], strides = [1, 1]} : vector<256x1xf32> to vector<240x1xf32>
    %concatenate3A_49 = tpu.concatenate %broadcast_in_dim3A_47, %slice3A_48 in 0 : vector<16x1xf32>, vector<240x1xf32> -> vector<256x1xf32>
    %add3A_50 = arith.addf %add3A_45, %concatenate3A_49 : vector<256x1xf32>
    %broadcast_in_dim3A_51 = arith.constant 0.000000e+00 : f32
    %broadcast_in_dim3A_52 = vector.broadcast %broadcast_in_dim3A_51 : f32 to vector<32x1xf32>
    %slice3A_53 = vector.extract_strided_slice %add3A_50 {offsets = [0, 0], sizes = [224, 1], strides = [1, 1]} : vector<256x1xf32> to vector<224x1xf32>
    %concatenate3A_54 = tpu.concatenate %broadcast_in_dim3A_52, %slice3A_53 in 0 : vector<32x1xf32>, vector<224x1xf32> -> vector<256x1xf32>
    %add3A_55 = arith.addf %add3A_50, %concatenate3A_54 : vector<256x1xf32>
    %broadcast_in_dim3A_56 = arith.constant 0.000000e+00 : f32
    %broadcast_in_dim3A_57 = vector.broadcast %broadcast_in_dim3A_56 : f32 to vector<64x1xf32>
    %slice3A_58 = vector.extract_strided_slice %add3A_55 {offsets = [0, 0], sizes = [192, 1], strides = [1, 1]} : vector<256x1xf32> to vector<192x1xf32>
    %concatenate3A_59 = tpu.concatenate %broadcast_in_dim3A_57, %slice3A_58 in 0 : vector<64x1xf32>, vector<192x1xf32> -> vector<256x1xf32>
    %add3A_60 = arith.addf %add3A_55, %concatenate3A_59 : vector<256x1xf32>
    %broadcast_in_dim3A_61 = arith.constant 0.000000e+00 : f32
    %broadcast_in_dim3A_62 = vector.broadcast %broadcast_in_dim3A_61 : f32 to vector<128x1xf32>
    %slice3A_63 = vector.extract_strided_slice %add3A_60 {offsets = [0, 0], sizes = [128, 1], strides = [1, 1]} : vector<256x1xf32> to vector<128x1xf32>
    %concatenate3A_64 = tpu.concatenate %broadcast_in_dim3A_62, %slice3A_63 in 0 : vector<128x1xf32>, vector<128x1xf32> -> vector<256x1xf32>
    %add3A_65 = arith.addf %add3A_60, %concatenate3A_64 : vector<256x1xf32>
    %sub3A = arith.constant 1.000000e+00 : f32
    %sub3A_66 = vector.broadcast %sub3A : f32 to vector<256x1xf32>
    %sub3A_67 = arith.subf %add3A_65, %sub3A_66 : vector<256x1xf32>
    %convert_element_type3A_68 = arith.fptosi %sub3A_67 : vector<256x1xf32> to vector<256x1xi32>
    %iota3A_69 = tpu.iota {dimensions = array<i32: 1>} : vector<256x256xi32>
    %eq3A_70 = vector.broadcast %convert_element_type3A_68 : vector<256x1xi32> to vector<256x256xi32>
    %eq3A_71 = arith.cmpi eq, %eq3A_70, %iota3A_69 : vector<256x256xi32>
    %and3A_72 = vector.broadcast %and3A : vector<256x1xi1> to vector<256x256xi1>
    %and3A_73 = arith.andi %eq3A_71, %and3A_72 : vector<256x256xi1>
    %convert_element_type3A_74 = arith.extui %and3A_73 : vector<256x256xi1> to vector<256x256xi32>
    %convert_element_type3A_75 = arith.sitofp %convert_element_type3A_74 : vector<256x256xi32> to vector<256x256xf32>
    %add3A_76 = arith.constant 1 : i32
    %add3A_77 = vector.broadcast %add3A_76 : i32 to vector<256x1xi32>
    %add3A_78 = arith.addi %broadcast_in_dim3A_8, %add3A_77 : vector<256x1xi32>
    %convert_element_type3A_79 = arith.sitofp %add3A_78 : vector<256x1xi32> to vector<256x1xf32>
    %mul3A = vector.broadcast %convert_element_type3A_79 : vector<256x1xf32> to vector<256x256xf32>
    %mul3A_80 = arith.mulf %convert_element_type3A_75, %mul3A : vector<256x256xf32>
    %reduce_sum3A_81 = arith.constant dense<0.000000e+00> : vector<256xf32>
    %reduce_sum3A_82 = vector.multi_reduction <add>, %mul3A_80, %reduce_sum3A_81 [0] : vector<256x256xf32> to vector<256xf32>
    %broadcast_in_dim3A_83 = vector.shape_cast %reduce_sum3A_82 : vector<256xf32> to vector<1x256xf32>
    %sub3A_84 = arith.constant 1.000000e+00 : f32
    %sub3A_85 = vector.broadcast %sub3A_84 : f32 to vector<1x256xf32>
    %sub3A_86 = arith.subf %broadcast_in_dim3A_83, %sub3A_85 : vector<1x256xf32>
    %convert_element_type3A_87 = arith.fptosi %sub3A_86 : vector<1x256xf32> to vector<1x256xi32>
    %swap3A_88 = arith.constant 0 : index
    %swap3A_89 = arith.constant 0 : index
    %swap3A_90 = arith.constant 0 : index
    %swap3A_91 = vector.load %arg2[%swap3A_88, %swap3A_89, %swap3A_90] : memref<1x1x256xi32, #tpu.memory_space<vmem>>, vector<1x1x256xi32>
    %swap3A_92 = vector.shape_cast %swap3A_91 : vector<1x1x256xi32> to vector<1x256xi32>
    %swap3A_93 = vector.shape_cast %convert_element_type3A_87 : vector<1x256xi32> to vector<1x1x256xi32>
    tpu.vector_store %arg2[%swap3A_88, %swap3A_89, %swap3A_90], %swap3A_93 {strides = array<i32>} : memref<1x1x256xi32, #tpu.memory_space<vmem>>, vector<1x1x256xi32>,
    return
  }
  func.func @transform_0(%arg0: i32) -> (i32, i32, i32) {
    %add3A = arith.constant 16 : i32
    %add3A_0 = arith.addi %arg0, %add3A : i32
    %c0_i32 = arith.constant 0 : i32
    %c0_i32_1 = arith.constant 0 : i32
    %c0_i32_2 = arith.constant 0 : i32
    return %add3A_0, %c0_i32, %c0_i32_1 : i32, i32, i32
  }
  func.func @transform_1(%arg0: i32) -> (i32, i32, i32) {
    %c0_i32 = arith.constant 0 : i32
    %c0_i32_0 = arith.constant 0 : i32
    %c0_i32_1 = arith.constant 0 : i32
    return %arg0, %c0_i32, %c0_i32_0 : i32, i32, i32
  }
  func.func @transform_2(%arg0: i32) -> (i32, i32, i32) {
    %c0_i32 = arith.constant 0 : i32
    %c0_i32_0 = arith.constant 0 : i32
    %c0_i32_1 = arith.constant 0 : i32
    return %arg0, %c0_i32, %c0_i32_0 : i32, i32, i32
  }
}

module attributes {stable_mosaic.version = 14 : i64} {
  func.func @_tc_post_kernel(%arg0: i32, %arg1: memref<1x256x16xi32, #tpu.memory_space<vmem>>, %arg2: memref<1x256x16xf32, #tpu.memory_space<vmem>>, %arg3: memref<1x1x256xi32, #tpu.memory_space<vmem>>, %arg4: memref<1x1x1xf32, #tpu.memory_space<vmem>>) attributes {dimension_semantics = [#tpu.dimension_semantics<arbitrary>], iteration_bounds = array<i64: 16>, scalar_prefetch = 0 : i64, scratch_operands = 0 : i64, tpu.core_type = #tpu.core_type<tc>, window_params = [{transform_indices = @transform_0, window_bounds = array<i64: 1, 256, 16>}, {transform_indices = @transform_1, window_bounds = array<i64: 1, 256, 16>}, {transform_indices = @transform_2, window_bounds = array<i64: 1, 1, 256>}, {transform_indices = @transform_3, window_bounds = array<i64: 1, 1, 1>}]} {
    %get3A = arith.constant 0 : index
    %get3A_0 = arith.constant 0 : index
    %get3A_1 = arith.constant 0 : index
    %get3A_2 = vector.load %arg1[%get3A, %get3A_0, %get3A_1] : memref<1x256x16xi32, #tpu.memory_space<vmem>>, vector<1x256x16xi32>
    %get3A_3 = vector.shape_cast %get3A_2 : vector<1x256x16xi32> to vector<256x16xi32>
    %get3A_4 = arith.constant 0 : index
    %get3A_5 = arith.constant 0 : index
    %get3A_6 = arith.constant 0 : index
    %get3A_7 = vector.load %arg2[%get3A_4, %get3A_5, %get3A_6] : memref<1x256x16xf32, #tpu.memory_space<vmem>>, vector<1x256x16xf32>
    %get3A_8 = vector.shape_cast %get3A_7 : vector<1x256x16xf32> to vector<256x16xf32>
    %reduce_max3A = arith.constant dense<0xFF800000> : vector<256xf32>
    %reduce_max3A_9 = vector.multi_reduction <maximumf>, %get3A_8, %reduce_max3A [1] : vector<256x16xf32> to vector<256xf32>
    %broadcast_in_dim3A = vector.shape_cast %reduce_max3A_9 : vector<256xf32> to vector<256x1xf32>
    %iota3A = tpu.iota {dimensions = array<i32: 1>} : vector<256x16xi32>
    %mul3A = arith.constant 16 : i32
    %mul3A_10 = vector.broadcast %mul3A : i32 to vector<256x16xi32>
    %mul3A_11 = arith.muli %get3A_3, %mul3A_10 : vector<256x16xi32>
    %add3A = arith.addi %mul3A_11, %iota3A : vector<256x16xi32>
    %eq3A = vector.broadcast %broadcast_in_dim3A : vector<256x1xf32> to vector<256x16xf32>
    %eq3A_12 = arith.cmpf oeq, %get3A_8, %eq3A : vector<256x16xf32>
    %jit3A = arith.constant 1024 : i32
    %broadcast_in_dim3A_13 = vector.broadcast %jit3A : i32 to vector<256x16xi32>
    %select_n3A = arith.select %eq3A_12, %add3A, %broadcast_in_dim3A_13 : vector<256x16xi1>, vector<256x16xi32>
    %reduce_min3A = arith.constant dense<2147483647> : vector<256xi32>
    %reduce_min3A_14 = vector.multi_reduction <minsi>, %select_n3A, %reduce_min3A [1] : vector<256x16xi32> to vector<256xi32>
    %broadcast_in_dim3A_15 = vector.shape_cast %reduce_min3A_14 : vector<256xi32> to vector<256x1xi32>
    %add3A_16 = arith.constant 1.000000e-07 : f32
    %add3A_17 = vector.broadcast %add3A_16 : f32 to vector<256x1xf32>
    %add3A_18 = arith.addf %broadcast_in_dim3A, %add3A_17 : vector<256x1xf32>
    %log3A = math.log %add3A_18 : vector<256x1xf32>
    %reduce_sum3A = vector.shape_cast %log3A : vector<256x1xf32> to vector<1x256x1xf32>
    %reduce_sum3A_19 = arith.constant dense<0.000000e+00> : vector<1xf32>
    %reduce_sum3A_20 = vector.multi_reduction <add>, %reduce_sum3A, %reduce_sum3A_19 [1, 2] : vector<1x256x1xf32> to vector<1xf32>
    %reduce_sum3A_21 = vector.shape_cast %reduce_sum3A_20 : vector<1xf32> to vector<1x1x1xf32>
    %reduce_sum3A_22 = vector.extract %reduce_sum3A_21[0, 0, 0] : f32 from vector<1x1x1xf32>
    %reshape3A = vector.broadcast %reduce_sum3A_22 : f32 to vector<1x1xf32>
    %swap3A = arith.constant 0 : index
    %swap3A_23 = arith.constant 0 : index
    %swap3A_24 = arith.constant 0 : index
    %swap3A_25 = vector.load %arg4[%swap3A, %swap3A_23, %swap3A_24] : memref<1x1x1xf32, #tpu.memory_space<vmem>>, vector<1x1x1xf32>
    %swap3A_26 = vector.shape_cast %swap3A_25 : vector<1x1x1xf32> to vector<1x1xf32>
    %swap3A_27 = vector.shape_cast %reshape3A : vector<1x1xf32> to vector<1x1x1xf32>
    tpu.vector_store %arg4[%swap3A, %swap3A_23, %swap3A_24], %swap3A_27 {strides = array<i32>} : memref<1x1x1xf32, #tpu.memory_space<vmem>>, vector<1x1x1xf32>,
    %broadcast_in_dim3A_28 = arith.constant -1 : i32
    %broadcast_in_dim3A_29 = vector.broadcast %broadcast_in_dim3A_28 : i32 to vector<1x1xi32>
    %slice3A = vector.extract_strided_slice %broadcast_in_dim3A_15 {offsets = [0, 0], sizes = [255, 1], strides = [1, 1]} : vector<256x1xi32> to vector<255x1xi32>
    %concatenate3A = tpu.concatenate %broadcast_in_dim3A_29, %slice3A in 0 : vector<1x1xi32>, vector<255x1xi32> -> vector<256x1xi32>
    %ne3A = arith.cmpi ne, %broadcast_in_dim3A_15, %concatenate3A : vector<256x1xi32>
    %ne3A_30 = arith.constant 1023 : i32
    %ne3A_31 = vector.broadcast %ne3A_30 : i32 to vector<256x1xi32>
    %ne3A_32 = arith.cmpi ne, %broadcast_in_dim3A_15, %ne3A_31 : vector<256x1xi32>
    %and3A = arith.andi %ne3A, %ne3A_32 : vector<256x1xi1>
    %convert_element_type3A = arith.extui %and3A : vector<256x1xi1> to vector<256x1xi32>
    %convert_element_type3A_33 = arith.sitofp %convert_element_type3A : vector<256x1xi32> to vector<256x1xf32>
    %broadcast_in_dim3A_34 = arith.constant 0.000000e+00 : f32
    %broadcast_in_dim3A_35 = vector.broadcast %broadcast_in_dim3A_34 : f32 to vector<1x1xf32>
    %slice3A_36 = vector.extract_strided_slice %convert_element_type3A_33 {offsets = [0, 0], sizes = [255, 1], strides = [1, 1]} : vector<256x1xf32> to vector<255x1xf32>
    %concatenate3A_37 = tpu.concatenate %broadcast_in_dim3A_35, %slice3A_36 in 0 : vector<1x1xf32>, vector<255x1xf32> -> vector<256x1xf32>
    %add3A_38 = arith.addf %convert_element_type3A_33, %concatenate3A_37 : vector<256x1xf32>
    %broadcast_in_dim3A_39 = arith.constant 0.000000e+00 : f32
    %broadcast_in_dim3A_40 = vector.broadcast %broadcast_in_dim3A_39 : f32 to vector<2x1xf32>
    %slice3A_41 = vector.extract_strided_slice %add3A_38 {offsets = [0, 0], sizes = [254, 1], strides = [1, 1]} : vector<256x1xf32> to vector<254x1xf32>
    %concatenate3A_42 = tpu.concatenate %broadcast_in_dim3A_40, %slice3A_41 in 0 : vector<2x1xf32>, vector<254x1xf32> -> vector<256x1xf32>
    %add3A_43 = arith.addf %add3A_38, %concatenate3A_42 : vector<256x1xf32>
    %broadcast_in_dim3A_44 = arith.constant 0.000000e+00 : f32
    %broadcast_in_dim3A_45 = vector.broadcast %broadcast_in_dim3A_44 : f32 to vector<4x1xf32>
    %slice3A_46 = vector.extract_strided_slice %add3A_43 {offsets = [0, 0], sizes = [252, 1], strides = [1, 1]} : vector<256x1xf32> to vector<252x1xf32>
    %concatenate3A_47 = tpu.concatenate %broadcast_in_dim3A_45, %slice3A_46 in 0 : vector<4x1xf32>, vector<252x1xf32> -> vector<256x1xf32>
    %add3A_48 = arith.addf %add3A_43, %concatenate3A_47 : vector<256x1xf32>
    %broadcast_in_dim3A_49 = arith.constant 0.000000e+00 : f32
    %broadcast_in_dim3A_50 = vector.broadcast %broadcast_in_dim3A_49 : f32 to vector<8x1xf32>
    %slice3A_51 = vector.extract_strided_slice %add3A_48 {offsets = [0, 0], sizes = [248, 1], strides = [1, 1]} : vector<256x1xf32> to vector<248x1xf32>
    %concatenate3A_52 = tpu.concatenate %broadcast_in_dim3A_50, %slice3A_51 in 0 : vector<8x1xf32>, vector<248x1xf32> -> vector<256x1xf32>
    %add3A_53 = arith.addf %add3A_48, %concatenate3A_52 : vector<256x1xf32>
    %broadcast_in_dim3A_54 = arith.constant 0.000000e+00 : f32
    %broadcast_in_dim3A_55 = vector.broadcast %broadcast_in_dim3A_54 : f32 to vector<16x1xf32>
    %slice3A_56 = vector.extract_strided_slice %add3A_53 {offsets = [0, 0], sizes = [240, 1], strides = [1, 1]} : vector<256x1xf32> to vector<240x1xf32>
    %concatenate3A_57 = tpu.concatenate %broadcast_in_dim3A_55, %slice3A_56 in 0 : vector<16x1xf32>, vector<240x1xf32> -> vector<256x1xf32>
    %add3A_58 = arith.addf %add3A_53, %concatenate3A_57 : vector<256x1xf32>
    %broadcast_in_dim3A_59 = arith.constant 0.000000e+00 : f32
    %broadcast_in_dim3A_60 = vector.broadcast %broadcast_in_dim3A_59 : f32 to vector<32x1xf32>
    %slice3A_61 = vector.extract_strided_slice %add3A_58 {offsets = [0, 0], sizes = [224, 1], strides = [1, 1]} : vector<256x1xf32> to vector<224x1xf32>
    %concatenate3A_62 = tpu.concatenate %broadcast_in_dim3A_60, %slice3A_61 in 0 : vector<32x1xf32>, vector<224x1xf32> -> vector<256x1xf32>
    %add3A_63 = arith.addf %add3A_58, %concatenate3A_62 : vector<256x1xf32>
    %broadcast_in_dim3A_64 = arith.constant 0.000000e+00 : f32
    %broadcast_in_dim3A_65 = vector.broadcast %broadcast_in_dim3A_64 : f32 to vector<64x1xf32>
    %slice3A_66 = vector.extract_strided_slice %add3A_63 {offsets = [0, 0], sizes = [192, 1], strides = [1, 1]} : vector<256x1xf32> to vector<192x1xf32>
    %concatenate3A_67 = tpu.concatenate %broadcast_in_dim3A_65, %slice3A_66 in 0 : vector<64x1xf32>, vector<192x1xf32> -> vector<256x1xf32>
    %add3A_68 = arith.addf %add3A_63, %concatenate3A_67 : vector<256x1xf32>
    %broadcast_in_dim3A_69 = arith.constant 0.000000e+00 : f32
    %broadcast_in_dim3A_70 = vector.broadcast %broadcast_in_dim3A_69 : f32 to vector<128x1xf32>
    %slice3A_71 = vector.extract_strided_slice %add3A_68 {offsets = [0, 0], sizes = [128, 1], strides = [1, 1]} : vector<256x1xf32> to vector<128x1xf32>
    %concatenate3A_72 = tpu.concatenate %broadcast_in_dim3A_70, %slice3A_71 in 0 : vector<128x1xf32>, vector<128x1xf32> -> vector<256x1xf32>
    %add3A_73 = arith.addf %add3A_68, %concatenate3A_72 : vector<256x1xf32>
    %sub3A = arith.constant 1.000000e+00 : f32
    %sub3A_74 = vector.broadcast %sub3A : f32 to vector<256x1xf32>
    %sub3A_75 = arith.subf %add3A_73, %sub3A_74 : vector<256x1xf32>
    %convert_element_type3A_76 = arith.fptosi %sub3A_75 : vector<256x1xf32> to vector<256x1xi32>
    %iota3A_77 = tpu.iota {dimensions = array<i32: 1>} : vector<256x256xi32>
    %eq3A_78 = vector.broadcast %convert_element_type3A_76 : vector<256x1xi32> to vector<256x256xi32>
    %eq3A_79 = arith.cmpi eq, %eq3A_78, %iota3A_77 : vector<256x256xi32>
    %and3A_80 = vector.broadcast %and3A : vector<256x1xi1> to vector<256x256xi1>
    %and3A_81 = arith.andi %eq3A_79, %and3A_80 : vector<256x256xi1>
    %convert_element_type3A_82 = arith.extui %and3A_81 : vector<256x256xi1> to vector<256x256xi32>
    %convert_element_type3A_83 = arith.sitofp %convert_element_type3A_82 : vector<256x256xi32> to vector<256x256xf32>
    %add3A_84 = arith.constant 1 : i32
    %add3A_85 = vector.broadcast %add3A_84 : i32 to vector<256x1xi32>
    %add3A_86 = arith.addi %broadcast_in_dim3A_15, %add3A_85 : vector<256x1xi32>
    %convert_element_type3A_87 = arith.sitofp %add3A_86 : vector<256x1xi32> to vector<256x1xf32>
    %mul3A_88 = vector.broadcast %convert_element_type3A_87 : vector<256x1xf32> to vector<256x256xf32>
    %mul3A_89 = arith.mulf %convert_element_type3A_83, %mul3A_88 : vector<256x256xf32>
    %reduce_sum3A_90 = arith.constant dense<0.000000e+00> : vector<256xf32>
    %reduce_sum3A_91 = vector.multi_reduction <add>, %mul3A_89, %reduce_sum3A_90 [0] : vector<256x256xf32> to vector<256xf32>
    %broadcast_in_dim3A_92 = vector.shape_cast %reduce_sum3A_91 : vector<256xf32> to vector<1x256xf32>
    %sub3A_93 = arith.constant 1.000000e+00 : f32
    %sub3A_94 = vector.broadcast %sub3A_93 : f32 to vector<1x256xf32>
    %sub3A_95 = arith.subf %broadcast_in_dim3A_92, %sub3A_94 : vector<1x256xf32>
    %convert_element_type3A_96 = arith.fptosi %sub3A_95 : vector<1x256xf32> to vector<1x256xi32>
    %swap3A_97 = arith.constant 0 : index
    %swap3A_98 = arith.constant 0 : index
    %swap3A_99 = arith.constant 0 : index
    %swap3A_100 = vector.load %arg3[%swap3A_97, %swap3A_98, %swap3A_99] : memref<1x1x256xi32, #tpu.memory_space<vmem>>, vector<1x1x256xi32>
    %swap3A_101 = vector.shape_cast %swap3A_100 : vector<1x1x256xi32> to vector<1x256xi32>
    %swap3A_102 = vector.shape_cast %convert_element_type3A_96 : vector<1x256xi32> to vector<1x1x256xi32>
    tpu.vector_store %arg3[%swap3A_97, %swap3A_98, %swap3A_99], %swap3A_102 {strides = array<i32>} : memref<1x1x256xi32, #tpu.memory_space<vmem>>, vector<1x1x256xi32>,
    return
  }
  func.func @transform_0(%arg0: i32) -> (i32, i32, i32) {
    %c0_i32 = arith.constant 0 : i32
    %c0_i32_0 = arith.constant 0 : i32
    %c0_i32_1 = arith.constant 0 : i32
    return %arg0, %c0_i32, %c0_i32_0 : i32, i32, i32
  }
  func.func @transform_1(%arg0: i32) -> (i32, i32, i32) {
    %c0_i32 = arith.constant 0 : i32
    %c0_i32_0 = arith.constant 0 : i32
    %c0_i32_1 = arith.constant 0 : i32
    return %arg0, %c0_i32, %c0_i32_0 : i32, i32, i32
  }
  func.func @transform_2(%arg0: i32) -> (i32, i32, i32) {
    %c0_i32 = arith.constant 0 : i32
    %c0_i32_0 = arith.constant 0 : i32
    %c0_i32_1 = arith.constant 0 : i32
    return %arg0, %c0_i32, %c0_i32_0 : i32, i32, i32
  }
  func.func @transform_3(%arg0: i32) -> (i32, i32, i32) {
    %c0_i32 = arith.constant 0 : i32
    %c0_i32_0 = arith.constant 0 : i32
    %c0_i32_1 = arith.constant 0 : i32
    return %arg0, %c0_i32, %c0_i32_0 : i32, i32, i32
  }
}

</mosaic_0001>

<sc_bundles>
// kernel: kernel.5.cloned.1.call-start
scs
__scs_entry_jumppad:
0x0: {  	(pc) =	sbr.rel $0x88, $3  }
0x1: {  	(tag) =	ssettag $0x0;
	lr =	simm.s32 $0x1  }
0x2: {  	[smem:$0x3FA0] =	sst lr;
	_ =	strace $0xD0000000  }
0x3: {  	_ = 	snop  }
0x4: {  	_ = 	snop  }
0x5: {  	_ = 	snop  }
0x6: {  	_ = 	snop  }
0x7: {  	_ = 	snop  }
__scs_overlays_trampoline_lowered:
0x8: {  	[smem:$0x3FAF] =	sst s0  }
0x9: {  	[smem:$0x3FB0] =	sst s1  }
0xa: {  	[smem:$0x3FB1] =	sst s2  }
0xb: {  	[smem:$0x3FB2] =	sst s3  }
0xc: {  	[smem:$0x3FB3] =	sst s4  }
0xd: {  	[smem:$0x3FB4] =	sst s5  }
0xe: {  	[smem:$0x3FB5] =	sst s6  }
0xf: {  	[smem:$0x3FB6] =	sst s7  }
0x10: {  	[smem:$0x3FB7] =	sst s8  }
0x11: {  	[smem:$0x3FB8] =	sst s9;
	s0 =	simm.s32 @!p0 $0x0  }
0x12: {  	s1 =	sld [smem:$0x3F9E];
	s0 =	simm.s32 @p0 $0x1  }
0x13: {  	[smem:$0x3FB9] =	sst s0;
	s0 =	simm.s32 @!p1 $0x0  }
0x14: {  	s2 =	sld [smem:$0x3F9D];
	s0 =	simm.s32 @p1 $0x1  }
0x15: {  	[smem:$0x3FBA] =	sst s0;
	s0 =	simm.s32 @!p2 $0x0  }
0x16: {  	s3 =	sld [smem:$0x3FDB];
	s0 =	simm.s32 @p2 $0x1  }
0x17: {  	s4 =	simm.s32 $0x1BF5;
	[smem:$0x3FBC] =	sst s0  }
0x18: {  	s0 =	sld [smem:$0x3F9F];
	_ =	swait.ge [sflag:s4], $0x0  }
0x19: {  	s7 =	sld [smem:$0x3FA0]  }
0x1a: {  	s8 =	sadd.s32 $0xFFFFE003, lr  }
0x1b: {  	s9 =	sadd.s32 $0xFFFFFEF7, lr;
	s5 =	simm.s32 $0xFFFFFFFF;
	p2 =	slt.u32 s8, $0xFFFFF086  }
0x1c: {  	p1 =	slt.u32 s9, $0xF7A;
	s5 =	simm.s32 @!p2 $0x0  }
0x1d: {  	s5 =	simm.s32 @p1 $0x1;
	p0 =	seq.s32 s7, s2  }
0x1e: {  	s7 =	smul.u32 @!p0 $0xF7A, s2;
	p2 =	seq.s32 @!p0 s5, $0x0  }
0x1f: {  	s9 =	smul.u32 $0xF7A, s1;
	s8 =	simm.s32 @!p0 $0x1BF5;
	p2 =	por !p2, p0  }
0x20: {  	[sflag:s8] =	ssyncset.s32 @!p0 $0xFFFFF086;
	s6 =	sadd.s32 @!p0 s3, s7;
	s7 =	simm.s32 @!p0 $0x108  }
0x21: {  	s3 =	sadd.s32 s3, s9;
	s6 =	sadd.s32 @!p0 $0x88, s6;
	s7 =	simm.s32 @p2 $0x1082  }
0x22: {  	[simem:s7], [sflag:s8] =	dma.local @!p0 [hbm:s6], $0xF7A  }
0x23: {  	s9 =	sor.u32 $0xD0000000, s2;
	s6 =	simm.s32 $0x108;
	_ =	swait.ge @!p0 [sflag:s8], $0x0  }
0x24: {  	s3 =	sadd.s32 $0x88, s3;
	s6 =	simm.s32 @!p1 $0x1082;
	[sflag:s4] =	ssyncset.s32 $0xFFFFF086  }
0x25: {  	[simem:s6], [sflag:s4] =	dma.local [hbm:s3], $0xF7A  }
0x26: {  	[smem:$0x3FA0] =	sst s1;
	(tag) =	ssettag s2;
	_ =	strace s9  }
0x27: {  	s1 =	sld [smem:$0x3FB0]  }
0x28: {  	s2 =	sld [smem:$0x3FB1]  }
0x29: {  	s4 =	sld [smem:$0x3FB3]  }
0x2a: {  	p0 =	seq.s32 s5, $0x0;
	s5 =	sld [smem:$0x3FB4]  }
0x2b: {  	s6 =	sld [smem:$0x3FB5]  }
0x2c: {  	s7 =	sld [smem:$0x3FB6]  }
0x2d: {  	s3 =	simm.s32 $0x108;
	s8 =	sld [smem:$0x3FB7]  }
0x2e: {  	s3 =	simm.s32 @!p0 $0x1082;
	s9 =	sld [smem:$0x3FB8]  }
0x2f: {  	lr =	sadd.s32 s0, s3;
	s0 =	sld [smem:$0x3FAF]  }
0x30: {  	s3 =	sld [smem:$0x3FB2]  }
0x31: {  	[smem:$0x3FBB] =	sst s10  }
0x32: {  	s10 =	sld [smem:$0x3FB9];
	_ =	sdelay $0x3  }
0x33: {  	p0 =	seq.s32 s10, $0x1;
	s10 =	sld [smem:$0x3FBB];
	_ =	sdelay $0x3  }
0x34: {  	[smem:$0x3FBB] =	sst s10  }
0x35: {  	s10 =	sld [smem:$0x3FBA];
	_ =	sdelay $0x3  }
0x36: {  	p1 =	seq.s32 s10, $0x1;
	s10 =	sld [smem:$0x3FBB];
	_ =	sdelay $0x3  }
0x37: {  	[smem:$0x3FBB] =	sst s10  }
0x38: {  	s10 =	sld [smem:$0x3FBC]  }
0x39: {  	_ = 	snop;
	(pc) =	sbr.ind lr, $3  }
0x3a: {  	_ = 	snop  }
0x3b: {  	_ = 	snop  }
0x3c: {  	p2 =	seq.s32 s10, $0x1;
	s10 =	sld [smem:$0x3FBB]  }
0x3d: {  	_ =	shalt  }
0x3e: {  	_ =	shalt  }
0x3f: {  	_ =	shalt  }
0x40: {  	_ =	shalt  }
0x41: {  	_ =	shalt  }
0x42: {  	_ =	shalt  }
0x43: {  	_ =	shalt  }
0x44: {  	_ =	shalt  }
0x45: {  	_ =	shalt  }
0x46: {  	_ =	shalt  }
0x47: {  	_ =	shalt  }
0x48: {  	_ =	shalt  }
0x49: {  	_ =	shalt  }
0x4a: {  	_ =	shalt  }
0x4b: {  	_ =	shalt  }
0x4c: {  	_ =	shalt  }
0x4d: {  	_ =	shalt  }
0x4e: {  	_ =	shalt  }
0x4f: {  	_ =	shalt  }
0x50: {  	_ =	shalt  }
0x51: {  	_ =	shalt  }
0x52: {  	_ =	shalt  }
0x53: {  	_ =	shalt  }
0x54: {  	_ =	shalt  }
0x55: {  	_ =	shalt  }
0x56: {  	_ =	shalt  }
0x57: {  	_ =	shalt  }
0x58: {  	_ =	shalt  }
0x59: {  	_ =	shalt  }
0x5a: {  	_ =	shalt  }
0x5b: {  	_ =	shalt  }
0x5c: {  	_ =	shalt  }
0x5d: {  	_ =	shalt  }
0x5e: {  	_ =	shalt  }
0x5f: {  	_ =	shalt  }
0x60: {  	_ =	shalt  }
0x61: {  	_ =	shalt  }
0x62: {  	_ =	shalt  }
0x63: {  	_ =	shalt  }
0x64: {  	_ =	shalt  }
0x65: {  	_ =	shalt  }
0x66: {  	_ =	shalt  }
0x67: {  	_ =	shalt  }
0x68: {  	_ =	shalt  }
0x69: {  	_ =	shalt  }
0x6a: {  	_ =	shalt  }
0x6b: {  	_ =	shalt  }
0x6c: {  	_ =	shalt  }
0x6d: {  	_ =	shalt  }
0x6e: {  	_ =	shalt  }
0x6f: {  	_ =	shalt  }
0x70: {  	_ =	shalt  }
0x71: {  	_ =	shalt  }
0x72: {  	_ =	shalt  }
0x73: {  	_ =	shalt  }
0x74: {  	_ =	shalt  }
0x75: {  	_ =	shalt  }
0x76: {  	_ =	shalt  }
0x77: {  	_ =	shalt  }
0x78: {  	_ =	shalt  }
0x79: {  	_ =	shalt  }
0x7a: {  	_ =	shalt  }
0x7b: {  	_ =	shalt  }
0x7c: {  	_ =	shalt  }
0x7d: {  	_ =	shalt  }
0x7e: {  	_ =	shalt  }
0x7f: {  	_ =	shalt  }
0x80: {  	_ =	shalt  }
0x81: {  	_ =	shalt  }
0x82: {  	_ =	shalt  }
0x83: {  	_ =	shalt  }
0x84: {  	_ =	shalt  }
0x85: {  	_ =	shalt  }
0x86: {  	_ =	shalt  }
0x87: {  	_ =	shalt  }
.Lfunc_end0:
.L_simem_size_0:
called_computation_lowered:
.L_overlay_start_0:
0x88: {  	s2 =	sld [smem:$0x3FD9]  }
0x89: {  	s3 =	sld [smem:$0x3FFE];
	_ =	sdelay $0x1  }
0x8a: {  	s1 =	srdreg.scid  }
0x8b: {  	s0 =	sand.u32 $0x1, s1  }
0x8c: {  	s17 =	sshll.u32 s0, $0xA;
	s2 =	sadd.s32 s3, s2  }
0x8d: {  	s2 =	sadd.s32 s2, s17  }
0x8e: {  	[smem:$0x3FC7] =	sst s2  }
0x8f: {  	_ = 	snop  }
0x90: {  	s2 =	sld [smem:$0x3FC9];
	(tm) =	ssettm $0x1  }
0x91: {  	s18 =	sld [smem:$0x3FFB];
	_ =	sdelay $0x3  }
0x92: {  	_ =	strace s18  }
0x93: {  	s3 =	sld [smem:$0x3FFC];
	_ =	sdelay $0x3  }
0x94: {  	_ =	strace s3  }
0x95: {  	s3 =	sld [smem:$0x3FFD];
	_ =	sdelay $0x3  }
0x96: {  	_ =	strace s3  }
0x97: {  	_ =	strace $0x8FFFFFFF  }
0x98: {  	s19 =	sld [smem:$0x3FDB];
	_ =	sdelay $0x1  }
0x99: {  	s4 =	simm.s32 $_scs_section_size  }
0x9a: {  	s5 =	simm.s32 $_size__tile_overlayer_lowered;
	s6 =	simm.s32 $_tile_overlayer_lowered  }
0x9b: {  	s22 =	simm.s32 $0x1BFF;
	s21 =	sshll.u32 s6, $0x1;
	s3 =	sadd.s32 s4, s19  }
0x9c: {  	s7 =	simm.s32 $0x0;
	s20 =	sshll.u32 s5, $0x1;
	s5 =	sadd.s32 s21, s3  }
0x9d: {  	[timem:s7], [sflag:s22] =	dma.local [hbm:s5], s20  }
0x9e: {  	_ =	swait.ge [sflag:s22], s20  }
0x9f: {  	s4 =	ssub.s32 $0x0, s20;
	[sflag:s22] =	ssyncset.done $0x0  }
0xa0: {  	[sflag:s22] =	ssyncadd.s32 s4;
	_ =	sdelay $0x1  }
0xa1: {  	s23 =	simm.s32 $0x1B8B  }
0xa2: {  	_ =	swait.ge [sflag:s23], $0x1  }
0xa3: {  	[sflag:s23] =	ssyncset.done $0x0  }
0xa4: {  	s25 =	simm.s32 $0x1B8E;
	s24 =	sld [smem:$0x3FFE];
	[sflag:s23] =	ssyncadd.s32 $0xFFFFFFFF  }
0xa5: {  	s26 =	simm.s32 $execute0_lowered;
	[smem:$0x3FD2] =	sst s25  }
0xa6: {  	s5 =	sshll.u32 s26, $0x1;
	_ =	strace $0x80000046;
	[dreg:$0x1] =	wrdreg $0xFFFFFFFF  }
0xa7: {  	s28 =	simm.s32 $_size_execute0_lowered;
	s3 =	sadd.s32 s3, s5;
	[dreg:$0x0] =	wrdreg $0x0  }
0xa8: {  	s5 =	sshll.u32 s28, $0x1;
	[dreg:$0x2] =	wrdreg s3  }
0xa9: {  	[dreg:$0x3] =	wrdreg s5  }
0xaa: {  	[dreg:$0x4] =	wrdreg $0xC0  }
0xab: {  	_ =	task [dreg:s7], $0x5FFFF  }
0xac: {  	[dreg:$0x1] =	wrdreg $0xFFFFFFFF  }
0xad: {  	[dreg:$0x0] =	wrdreg $0x60  }
0xae: {  	[dreg:$0x2] =	wrdreg s2  }
0xaf: {  	[dreg:$0x3] =	wrdreg s24  }
0xb0: {  	[dreg:$0x4] =	wrdreg $0x9  }
0xb1: {  	_ =	task.clear_ibuf [dreg:s7], $0x5FFFF;
	_ =	strace $0x90000046  }
0xb2: {  	s29 =	simm.s32 $0x9;
	_ =	strace $0x80000048  }
0xb3: {  	_ =	swait.ge [sflag:s29], $0x1  }
0xb4: {  	[sflag:s29] =	ssyncadd.s32 $0xFFFFFFFF  }
0xb5: {  	_ =	strace $0x90000048  }
0xb6: {  	_ =	sfence  }
0xb7: {  	s30 =	sld [smem:$0x0];
	_ =	sdelay $0x2  }
0xb8: {  	s31 =	sshll.u32 s1, $0xD;
	s1 =	sshrl.u32 s1, $0x2  }
0xb9: {  	s3 =	sand.u32 $0x4000, s31;
	s1 =	sadd.s32 s1, s30  }
0xba: {  	s0 =	sor.u32 s3, s0;
	s1 =	sshll.u32 s1, $0x11  }
0xbb: {  	s0 =	sor.u32 s1, s0  }
0xbc: {  	s0 =	sadd.s32 $0x8F2B, s0  }
0xbd: {  	[sflag:s0] =	ssyncadd.remote.s32 $0x1  }
0xbe: {  	_ =	sfence.sel $0xFFFF  }
0xbf: {  	[dreg:$0x0] =	wrdreg $0xFFFFFFFF;
	(pc) =	sbr.abs _section_cstart, $3  }
0xc0: {  	[dreg:$0x1] =	wrdreg $0xFFFFFFFF  }
0xc1: {  	_ =	task.clear_ibuf [dreg:s7], $0x2FFFF;
	_ =	strace $0x9FFFFFFF  }
0xc2: {  	(tm) =	ssettm $0x7FFFFFFF  }
0xc3: {  	_ =	shalt  }
tec
execute0_lowered:
.L_overlay_start_1:
0x0: {  	(tag) =	ssettag $0x1  }
0x1: {  	s3 =	rddreg [dreg:$0x0]  }
0x2: {  	s4 =	rddreg [dreg:$0x1]  }
0x3: {  	s0 =	rddreg [dreg:$0x2];
	s5 =	srdreg.scid  }
0x4: {  	s1 =	stileid.u32;
	s2 =	simm.s32 $0x0;
	s11 =	simm.s32 $0x8000  }
0x5: {  	s12 =	simm.s32 $0x2;
	s13 =	simm.s32 $0x10000;
	s14 =	simm.s32 $0x3  }
0x6: {  	s15 =	simm.s32 $0x10800;
	s5 =	sand.u32 $0x1, s5;
	s6 =	sshll.u32 s1, $0x1  }
0x7: {  	s16 =	simm.s32 $0x0;
	[smem:$0x7FF] =	sst s2;
	s6 =	sor.u32 s5, s6  }
0x8: {  	_ =	strace $0x80000047;
	s5 =	ssub.s32 $0x2, s5;
	s7 =	sshll.u32 s6, $0xE  }
0x9: {  	s6 =	sshll.u32 s6, $0x8;
	s8 =	sshrl.u32 s5, $0x1;
	s3 =	sadd.s32 s3, s7  }
0xa: {  	s9 =	sadd.s32 s6, s4;
	s10 =	ssub.s32 s5, s8;
	s4 =	sadd.s32 $0x1000, s3  }
0xb: {  	s5 =	sadd.s32 $0x2000, s3;
	s6 =	sadd.s32 $0x3000, s3;
	s7 =	sadd.s32 $0x600, s9  }
0xc: {  	s8 =	sadd.s32 $0x2600, s9;
	s9 =	smax.u32 s10, $0x1;
	s10 =	simm.s32 $0x1  }
.LBB2_1:
0xd: {  	[tilespmem:s2], [sflag:$0x1] =	stream.linear.gather [hbm4b:s3+s2], $0x8000, $0x38;
	[tilespmem:$0x11000] =	vst v63  }
0xe: {  	_ =	swait.ge [sflag:s10], $0x8000  }
0xf: {  	s17 =	simm.s32 $0x0;
	[sflag:s10] =	ssyncset.done $0x0  }
0x10: {  	s18 =	simm.s32 $0x0;
	s19 =	simm.s32 $0x0;
	[sflag:s10] =	ssyncadd.s32 $0xFFFF8000  }
0x11: {  	[tilespmem:s11], [sflag:$0x2] =	stream.linear.gather [hbm4b:s4+s2], $0x8000, $0x38;
	[tilespmem:$0x11000] =	vst v63  }
.LBB2_2:
0x12: {  	s20 =	sshll.u32 s18, $0x2;
	s21 =	sand.u32 $0x7, s17  }
0x13: {  	s20 =	sand.u32 $0xFFFF8000, s20;
	s21 =	sshll.u32 s21, $0x9  }
0x14: {  	s20 =	sor.u32 s21, s20  }
0x15: {  	s20 =	sshrl.u32 s20, $0x2  }
0x16: {  	s20 =	sor.u32 $0x400, s20  }
0x17: {  	v0 =	vld [tilespmem:s20+$0xFFFFFC00];
	_ =	sdelay $0x1  }
0x18: {  	v1 =	vld [tilespmem:s20+$0xFFFFFC10];
	_ =	sdelay $0x1  }
0x19: {  	v2 =	vimm.f32 $-3.000000010e+38;
	v3 =	vld [tilespmem:s20+$0xFFFFFC20]  }
0x1a: {  	vm0 =	vgt.f32 v0, v2  }
0x1b: {  	v0 =	vsel vm0, v0, v2;
	v2 =	vld [tilespmem:s20+$0xFFFFFC30]  }
0x1c: {  	vm1 =	vgt.f32 v1, v0  }
0x1d: {  	v0 =	vsel vm1, v1, v0;
	v1 =	vld [tilespmem:s20+$0xFFFFFC40]  }
0x1e: {  	vm2 =	vgt.f32 v3, v0  }
0x1f: {  	v0 =	vsel vm2, v3, v0;
	v3 =	vld [tilespmem:s20+$0xFFFFFC50]  }
0x20: {  	vm3 =	vgt.f32 v2, v0  }
0x21: {  	v0 =	vsel vm3, v2, v0;
	v2 =	vld [tilespmem:s20+$0xFFFFFC60]  }
0x22: {  	vm4 =	vgt.f32 v1, v0  }
0x23: {  	v0 =	vsel vm4, v1, v0;
	v1 =	vld [tilespmem:s20+$0xFFFFFC70]  }
0x24: {  	vm5 =	vgt.f32 v3, v0  }
0x25: {  	v0 =	vsel vm5, v3, v0;
	v3 =	vld [tilespmem:s20+$0x0]  }
0x26: {  	v4 =	vimm.s32 $0x0;
	s28 =	simm.s32 $0x0;
	vm6 =	vgt.f32 v2, v0  }
0x27: {  	s29 =	simm.s32 $0x1;
	v4 =	vsel vm0, s28, v4;
	v0 =	vsel vm6, v2, v0;
	v2 =	vld [tilespmem:s20+$0x10]  }
0x28: {  	s30 =	simm.s32 $0x2;
	v4 =	vsel vm1, s29, v4;
	vm9 =	vgt.f32 v1, v0  }
0x29: {  	s31 =	simm.s32 $0x3;
	v4 =	vsel vm2, s30, v4;
	v0 =	vsel vm9, v1, v0;
	v1 =	vld [tilespmem:s20+$0x20]  }
0x2a: {  	s22 =	simm.s32 $0x4;
	v4 =	vsel vm3, s31, v4;
	vm10 =	vgt.f32 v3, v0  }
0x2b: {  	s23 =	simm.s32 $0x5;
	v4 =	vsel vm4, s22, v4;
	v0 =	vsel vm10, v3, v0;
	v3 =	vld [tilespmem:s20+$0x30]  }
0x2c: {  	s24 =	simm.s32 $0x6;
	v4 =	vsel vm5, s23, v4;
	vm11 =	vgt.f32 v2, v0  }
0x2d: {  	s25 =	simm.s32 $0x7;
	v4 =	vsel vm6, s24, v4;
	v0 =	vsel vm11, v2, v0  }
0x2e: {  	s26 =	simm.s32 $0x8;
	v4 =	vsel vm9, s25, v4;
	v2 =	vld [tilespmem:s20+$0x40];
	vm12 =	vgt.f32 v1, v0  }
0x2f: {  	s28 =	simm.s32 $0x9;
	v4 =	vsel vm10, s26, v4;
	v0 =	vsel vm12, v1, v0  }
0x30: {  	s29 =	simm.s32 $0xA;
	v4 =	vsel vm11, s28, v4;
	v1 =	vld [tilespmem:s20+$0x50];
	vm13 =	vgt.f32 v3, v0  }
0x31: {  	s30 =	simm.s32 $0xB;
	v3 =	vsel vm13, v3, v0;
	v0 =	vsel vm12, s29, v4  }
0x32: {  	v4 =	vsel vm13, s30, v0;
	v0 =	vld [tilespmem:s20+$0x60]  }
0x33: {  	vm14 =	vgt.f32 v2, v3  }
0x34: {  	s31 =	simm.s32 $0xC;
	v5 =	vsel vm14, v2, v3;
	v2 =	vld [tilespmem:s20+$0x70]  }
0x35: {  	s21 =	sadd.s32 $0x800, s20;
	s24 =	simm.s32 $0xD;
	v6 =	vsel vm14, s31, v4;
	vm15 =	vgt.f32 v1, v5  }
0x36: {  	s22 =	simm.s32 $0xF;
	s23 =	simm.s32 $0x2F;
	s20 =	simm.s32 $0x1F;
	v3 =	vld [tilespmem:s21+$0xFFFFFC00];
	v4 =	vsel vm15, v1, v5;
	v1 =	vsel vm15, s24, v6  }
.LBB2_3:
0x37: {  	p0 =	sne.s32 s23, $0x3F;
	s24 =	sadd.s32 $0xFFFFFFFF, s22;
	vm0 =	vgt.f32 v0, v4  }
0x38: {  	v5 =	vld [tilespmem:s21+$0xFFFFFC10];
	v0 =	vsel vm0, v0, v4;
	v1 =	vsel vm0, s24, v1  }
0x39: {  	vm0 =	vgt.f32 v2, v0  }
0x3a: {  	v4 =	vld [tilespmem:s21+$0xFFFFFC20];
	v0 =	vsel vm0, v2, v0;
	v1 =	vsel vm0, s22, v1;
	s22 =	smov.u32 s20;
	s20 =	smov.u32 s23  }
0x3b: {  	s24 =	sadd.s32 $0xFFFFFFF1, s22;
	vm0 =	vgt.f32 v3, v0  }
0x3c: {  	v0 =	vsel vm0, v3, v0;
	v1 =	vsel vm0, s24, v1;
	v2 =	vld [tilespmem:s21+$0xFFFFFC30]  }
0x3d: {  	s24 =	sadd.s32 $0xFFFFFFF2, s22;
	vm0 =	vgt.f32 v5, v0  }
0x3e: {  	v0 =	vsel vm0, v5, v0;
	v1 =	vsel vm0, s24, v1;
	v3 =	vld [tilespmem:s21+$0xFFFFFC40]  }
0x3f: {  	s24 =	sadd.s32 $0xFFFFFFF3, s22;
	vm0 =	vgt.f32 v4, v0  }
0x40: {  	v0 =	vsel vm0, v4, v0;
	v1 =	vsel vm0, s24, v1;
	v4 =	vld [tilespmem:s21+$0xFFFFFC50]  }
0x41: {  	s24 =	sadd.s32 $0xFFFFFFF4, s22;
	vm0 =	vgt.f32 v2, v0  }
0x42: {  	v0 =	vsel vm0, v2, v0;
	v1 =	vsel vm0, s24, v1;
	v2 =	vld [tilespmem:s21+$0xFFFFFC60]  }
0x43: {  	s24 =	sadd.s32 $0xFFFFFFF5, s22;
	vm0 =	vgt.f32 v3, v0  }
0x44: {  	v0 =	vsel vm0, v3, v0;
	v1 =	vsel vm0, s24, v1;
	v3 =	vld [tilespmem:s21+$0xFFFFFC70]  }
0x45: {  	s24 =	sadd.s32 $0xFFFFFFF6, s22;
	vm0 =	vgt.f32 v4, v0  }
0x46: {  	v0 =	vsel vm0, v4, v0;
	v1 =	vsel vm0, s24, v1;
	v4 =	vld [tilespmem:s21+$0x0]  }
0x47: {  	s24 =	sadd.s32 $0xFFFFFFF7, s22;
	vm0 =	vgt.f32 v2, v0  }
0x48: {  	v0 =	vsel vm0, v2, v0;
	v1 =	vsel vm0, s24, v1;
	v2 =	vld [tilespmem:s21+$0x10]  }
0x49: {  	s24 =	sadd.s32 $0xFFFFFFF8, s22;
	vm0 =	vgt.f32 v3, v0  }
0x4a: {  	v0 =	vsel vm0, v3, v0;
	v1 =	vsel vm0, s24, v1;
	v3 =	vld [tilespmem:s21+$0x20]  }
0x4b: {  	s24 =	sadd.s32 $0xFFFFFFF9, s22;
	vm0 =	vgt.f32 v4, v0  }
0x4c: {  	v0 =	vsel vm0, v4, v0;
	v1 =	vsel vm0, s24, v1;
	v4 =	vld [tilespmem:s21+$0x30]  }
0x4d: {  	s24 =	sadd.s32 $0xFFFFFFFA, s22;
	vm0 =	vgt.f32 v2, v0  }
0x4e: {  	v0 =	vsel vm0, v2, v0;
	v1 =	vsel vm0, s24, v1;
	v2 =	vld [tilespmem:s21+$0x40]  }
0x4f: {  	s24 =	sadd.s32 $0xFFFFFFFB, s22;
	vm0 =	vgt.f32 v3, v0  }
0x50: {  	v0 =	vsel vm0, v3, v0;
	v1 =	vsel vm0, s24, v1;
	v5 =	vld [tilespmem:s21+$0x50]  }
0x51: {  	s24 =	sadd.s32 $0xFFFFFFFC, s22;
	vm0 =	vgt.f32 v4, v0  }
.Ltmp0:
0x52: {  	v3 =	vsel vm0, v4, v0;
	v1 =	vsel vm0, s24, v1;
	v0 =	vld [tilespmem:s21+$0x60];
	(pc) =	sbr.rel @p0 .LBB2_3-.Ltmp0, $4  }
0x53: {  	s24 =	sadd.s32 $0xFFFFFFFD, s22;
	vm0 =	vgt.f32 v2, v3  }
0x54: {  	v4 =	vsel vm0, v2, v3;
	v1 =	vsel vm0, s24, v1;
	v2 =	vld [tilespmem:s21+$0x70]  }
0x55: {  	s24 =	sadd.s32 $0xFFFFFFFE, s22;
	s21 =	sadd.s32 $0x800, s21;
	vm0 =	vgt.f32 v5, v4  }
0x56: {  	s23 =	sadd.s32 $0x10, s23;
	v3 =	vld [tilespmem:s21+$0xFFFFFC00];
	v4 =	vsel vm0, v5, v4;
	v1 =	vsel vm0, s24, v1  }
0x57: {  	vm0 =	vgt.f32 v0, v4  }
0x58: {  	v5 =	vld [tilespmem:s21+$0xFFFFFC10];
	v0 =	vsel vm0, v0, v4  }
0x59: {  	vm1 =	vgt.f32 v2, v0  }
0x5a: {  	v50 =	vld [tilespmem:s21+$0xFFFFFC20];
	v0 =	vsel vm1, v2, v0  }
0x5b: {  	vm2 =	vgt.f32 v3, v0  }
0x5c: {  	v51 =	vld [tilespmem:s21+$0xFFFFFC30];
	v0 =	vsel vm2, v3, v0  }
0x5d: {  	vm3 =	vgt.f32 v5, v0  }
0x5e: {  	v52 =	vld [tilespmem:s21+$0xFFFFFC40];
	v0 =	vsel vm3, v5, v0  }
0x5f: {  	vm4 =	vgt.f32 v50, v0  }
0x60: {  	v53 =	vld [tilespmem:s21+$0xFFFFFC50];
	v0 =	vsel vm4, v50, v0  }
0x61: {  	vm5 =	vgt.f32 v51, v0  }
0x62: {  	v54 =	vld [tilespmem:s21+$0xFFFFFC60];
	v0 =	vsel vm5, v51, v0  }
0x63: {  	vm6 =	vgt.f32 v52, v0  }
0x64: {  	v55 =	vld [tilespmem:s21+$0xFFFFFC70];
	v0 =	vsel vm6, v52, v0  }
0x65: {  	vm7 =	vgt.f32 v53, v0  }
0x66: {  	v56 =	vld [tilespmem:s21+$0x0];
	v0 =	vsel vm7, v53, v0  }
0x67: {  	vm8 =	vgt.f32 v54, v0  }
0x68: {  	s23 =	sadd.s32 $0xFFFFFFFF, s22;
	v57 =	vld [tilespmem:s21+$0x10];
	v0 =	vsel vm8, v54, v0  }
0x69: {  	v1 =	vsel vm0, s23, v1;
	vm14 =	vgt.f32 v55, v0  }
0x6a: {  	v58 =	vld [tilespmem:s21+$0x20];
	s23 =	sadd.s32 $0xFFFFFFF1, s20;
	v1 =	vsel vm1, s22, v1;
	v0 =	vsel vm14, v55, v0  }
0x6b: {  	s24 =	sadd.s32 $0xFFFFFFF2, s20;
	v1 =	vsel vm2, s23, v1;
	vm15 =	vgt.f32 v56, v0  }
0x6c: {  	s25 =	sadd.s32 $0xFFFFFFF3, s20;
	v59 =	vld [tilespmem:s21+$0x30];
	v1 =	vsel vm3, s24, v1;
	v0 =	vsel vm15, v56, v0  }
0x6d: {  	s26 =	sadd.s32 $0xFFFFFFF4, s20;
	v1 =	vsel vm4, s25, v1;
	vm9 =	vgt.f32 v57, v0  }
0x6e: {  	s28 =	sadd.s32 $0xFFFFFFF5, s20;
	v60 =	vld [tilespmem:s21+$0x40];
	v1 =	vsel vm5, s26, v1;
	v0 =	vsel vm9, v57, v0  }
0x6f: {  	s29 =	sadd.s32 $0xFFFFFFF6, s20;
	v1 =	vsel vm6, s28, v1;
	vm10 =	vgt.f32 v58, v0  }
0x70: {  	s30 =	sadd.s32 $0xFFFFFFF7, s20;
	v61 =	vld [tilespmem:s21+$0x50];
	v1 =	vsel vm7, s29, v1;
	v0 =	vsel vm10, v58, v0  }
0x71: {  	s31 =	sadd.s32 $0xFFFFFFF8, s20;
	v1 =	vsel vm8, s30, v1;
	vm11 =	vgt.f32 v59, v0  }
0x72: {  	v62 =	vld [tilespmem:s21+$0x60];
	s23 =	sadd.s32 $0xFFFFFFF9, s20;
	v1 =	vsel vm14, s31, v1;
	v0 =	vsel vm11, v59, v0  }
0x73: {  	s24 =	sadd.s32 $0xFFFFFFFA, s20;
	v1 =	vsel vm15, s23, v1;
	vm12 =	vgt.f32 v60, v0  }
0x74: {  	v63 =	vld [tilespmem:s21+$0x70];
	s25 =	sadd.s32 $0xFFFFFFFB, s20;
	v1 =	vsel vm9, s24, v1;
	v0 =	vsel vm12, v60, v0  }
0x75: {  	s26 =	sadd.s32 $0xFFFFFFFC, s20;
	v1 =	vsel vm10, s25, v1;
	vm13 =	vgt.f32 v61, v0  }
0x76: {  	s28 =	sadd.s32 $0xFFFFFFFD, s20;
	s31 =	sshll.u32 s19, $0x4;
	s19 =	sadd.s32 $0x1, s19;
	v1 =	vsel vm11, s26, v1;
	v0 =	vsel vm13, v61, v0  }
0x77: {  	s29 =	sadd.s32 $0xFFFFFFFE, s20;
	p0 =	sne.s32 s19, $0x20;
	v1 =	vsel vm12, s28, v1;
	vm14 =	vgt.f32 v62, v0  }
.Ltmp1:
0x78: {  	s30 =	sadd.s32 $0xFFFFFFFF, s20;
	v1 =	vsel vm13, s29, v1;
	v0 =	vsel vm14, v62, v0;
	(pc) =	sbr.rel @p0 .LBB2_2-.Ltmp1, $4  }
0x79: {  	v1 =	vsel vm14, s30, v1;
	vm15 =	vgt.f32 v63, v0  }
0x7a: {  	v1 =	vsel vm15, s20, v1  }
0x7b: {  	v0 =	vsel vm15, v63, v0;
	[tilespmem:s31+$0x10000] =	vst v1  }
0x7c: {  	s18 =	sadd.s32 $0x400, s18;
	s17 =	sadd.s32 $0x1, s17;
	[tilespmem:s31+$0x10800] =	vst v0  }
0x7d: {  	_ =	swait.ge [sflag:s12], $0x8000  }
0x7e: {  	s17 =	simm.s32 $0x0;
	[sflag:s12] =	ssyncset.done $0x0  }
0x7f: {  	s18 =	simm.s32 $0x0;
	s19 =	simm.s32 $0x0;
	[sflag:s12] =	ssyncadd.s32 $0xFFFF8000  }
0x80: {  	[tilespmem:s17], [sflag:$0x1] =	stream.linear.gather [hbm4b:s5+s17], $0x8000, $0x38;
	[tilespmem:$0x11000] =	vst v63  }
.LBB2_6:
0x81: {  	s20 =	sshll.u32 s18, $0x2;
	s21 =	sand.u32 $0x7, s17  }
0x82: {  	s20 =	sand.u32 $0xFFFF8000, s20;
	s21 =	sshll.u32 s21, $0x9  }
0x83: {  	s20 =	sor.u32 s21, s20  }
0x84: {  	s20 =	sshrl.u32 s20, $0x2  }
0x85: {  	s20 =	sadd.s32 $0x8000, s20  }
0x86: {  	v0 =	vld [tilespmem:s20+$0x0];
	_ =	sdelay $0x1  }
0x87: {  	v1 =	vld [tilespmem:s20+$0x10];
	_ =	sdelay $0x1  }
0x88: {  	v2 =	vimm.f32 $-3.000000010e+38;
	v3 =	vld [tilespmem:s20+$0x20]  }
0x89: {  	vm0 =	vgt.f32 v0, v2  }
0x8a: {  	v0 =	vsel vm0, v0, v2;
	v2 =	vld [tilespmem:s20+$0x30]  }
0x8b: {  	vm1 =	vgt.f32 v1, v0  }
0x8c: {  	v0 =	vsel vm1, v1, v0;
	v1 =	vld [tilespmem:s20+$0x40]  }
0x8d: {  	vm2 =	vgt.f32 v3, v0  }
0x8e: {  	v0 =	vsel vm2, v3, v0;
	v3 =	vld [tilespmem:s20+$0x50]  }
0x8f: {  	vm3 =	vgt.f32 v2, v0  }
0x90: {  	v0 =	vsel vm3, v2, v0;
	v2 =	vld [tilespmem:s20+$0x60]  }
0x91: {  	vm4 =	vgt.f32 v1, v0  }
0x92: {  	v0 =	vsel vm4, v1, v0;
	v1 =	vld [tilespmem:s20+$0x70]  }
0x93: {  	vm5 =	vgt.f32 v3, v0  }
0x94: {  	v0 =	vsel vm5, v3, v0;
	v3 =	vld [tilespmem:s20+$0x400]  }
0x95: {  	v4 =	vimm.s32 $0x0;
	s28 =	simm.s32 $0x0;
	vm6 =	vgt.f32 v2, v0  }
0x96: {  	s29 =	simm.s32 $0x1;
	v4 =	vsel vm0, s28, v4;
	v0 =	vsel vm6, v2, v0;
	v2 =	vld [tilespmem:s20+$0x410]  }
0x97: {  	s30 =	simm.s32 $0x2;
	v4 =	vsel vm1, s29, v4;
	vm9 =	vgt.f32 v1, v0  }
0x98: {  	s31 =	simm.s32 $0x3;
	v4 =	vsel vm2, s30, v4;
	v0 =	vsel vm9, v1, v0;
	v1 =	vld [tilespmem:s20+$0x420]  }
0x99: {  	s22 =	simm.s32 $0x4;
	v4 =	vsel vm3, s31, v4;
	vm10 =	vgt.f32 v3, v0  }
0x9a: {  	s23 =	simm.s32 $0x5;
	v4 =	vsel vm4, s22, v4;
	v0 =	vsel vm10, v3, v0;
	v3 =	vld [tilespmem:s20+$0x430]  }
0x9b: {  	s24 =	simm.s32 $0x6;
	v4 =	vsel vm5, s23, v4;
	vm11 =	vgt.f32 v2, v0  }
0x9c: {  	s25 =	simm.s32 $0x7;
	v4 =	vsel vm6, s24, v4;
	v0 =	vsel vm11, v2, v0  }
0x9d: {  	s26 =	simm.s32 $0x8;
	v4 =	vsel vm9, s25, v4;
	v2 =	vld [tilespmem:s20+$0x440];
	vm12 =	vgt.f32 v1, v0  }
0x9e: {  	s28 =	simm.s32 $0x9;
	v4 =	vsel vm10, s26, v4;
	v0 =	vsel vm12, v1, v0  }
0x9f: {  	s29 =	simm.s32 $0xA;
	v4 =	vsel vm11, s28, v4;
	v1 =	vld [tilespmem:s20+$0x450];
	vm13 =	vgt.f32 v3, v0  }
0xa0: {  	s30 =	simm.s32 $0xB;
	v3 =	vsel vm13, v3, v0;
	v0 =	vsel vm12, s29, v4  }
0xa1: {  	v4 =	vsel vm13, s30, v0;
	v0 =	vld [tilespmem:s20+$0x460]  }
0xa2: {  	vm14 =	vgt.f32 v2, v3  }
0xa3: {  	s31 =	simm.s32 $0xC;
	v5 =	vsel vm14, v2, v3;
	v2 =	vld [tilespmem:s20+$0x470]  }
0xa4: {  	s21 =	sadd.s32 $0x800, s20;
	s24 =	simm.s32 $0xD;
	v6 =	vsel vm14, s31, v4;
	vm15 =	vgt.f32 v1, v5  }
0xa5: {  	s22 =	simm.s32 $0xF;
	s23 =	simm.s32 $0x2F;
	s20 =	simm.s32 $0x1F;
	v3 =	vld [tilespmem:s21+$0x0];
	v4 =	vsel vm15, v1, v5;
	v1 =	vsel vm15, s24, v6  }
.LBB2_7:
0xa6: {  	p0 =	sne.s32 s23, $0x3F;
	s24 =	sadd.s32 $0xFFFFFFFF, s22;
	vm0 =	vgt.f32 v0, v4  }
0xa7: {  	v5 =	vld [tilespmem:s21+$0x10];
	v0 =	vsel vm0, v0, v4;
	v1 =	vsel vm0, s24, v1  }
0xa8: {  	vm0 =	vgt.f32 v2, v0  }
0xa9: {  	v4 =	vld [tilespmem:s21+$0x20];
	v0 =	vsel vm0, v2, v0;
	v1 =	vsel vm0, s22, v1;
	s22 =	smov.u32 s20;
	s20 =	smov.u32 s23  }
0xaa: {  	s24 =	sadd.s32 $0xFFFFFFF1, s22;
	vm0 =	vgt.f32 v3, v0  }
0xab: {  	v0 =	vsel vm0, v3, v0;
	v1 =	vsel vm0, s24, v1;
	v2 =	vld [tilespmem:s21+$0x30]  }
0xac: {  	s24 =	sadd.s32 $0xFFFFFFF2, s22;
	vm0 =	vgt.f32 v5, v0  }
0xad: {  	v0 =	vsel vm0, v5, v0;
	v1 =	vsel vm0, s24, v1;
	v3 =	vld [tilespmem:s21+$0x40]  }
0xae: {  	s24 =	sadd.s32 $0xFFFFFFF3, s22;
	vm0 =	vgt.f32 v4, v0  }
0xaf: {  	v0 =	vsel vm0, v4, v0;
	v1 =	vsel vm0, s24, v1;
	v4 =	vld [tilespmem:s21+$0x50]  }
0xb0: {  	s24 =	sadd.s32 $0xFFFFFFF4, s22;
	vm0 =	vgt.f32 v2, v0  }
0xb1: {  	v0 =	vsel vm0, v2, v0;
	v1 =	vsel vm0, s24, v1;
	v2 =	vld [tilespmem:s21+$0x60]  }
0xb2: {  	s24 =	sadd.s32 $0xFFFFFFF5, s22;
	vm0 =	vgt.f32 v3, v0  }
0xb3: {  	v0 =	vsel vm0, v3, v0;
	v1 =	vsel vm0, s24, v1;
	v3 =	vld [tilespmem:s21+$0x70]  }
0xb4: {  	s24 =	sadd.s32 $0xFFFFFFF6, s22;
	vm0 =	vgt.f32 v4, v0  }
0xb5: {  	v0 =	vsel vm0, v4, v0;
	v1 =	vsel vm0, s24, v1;
	v4 =	vld [tilespmem:s21+$0x400]  }
0xb6: {  	s24 =	sadd.s32 $0xFFFFFFF7, s22;
	vm0 =	vgt.f32 v2, v0  }
0xb7: {  	v0 =	vsel vm0, v2, v0;
	v1 =	vsel vm0, s24, v1;
	v2 =	vld [tilespmem:s21+$0x410]  }
0xb8: {  	s24 =	sadd.s32 $0xFFFFFFF8, s22;
	vm0 =	vgt.f32 v3, v0  }
0xb9: {  	v0 =	vsel vm0, v3, v0;
	v1 =	vsel vm0, s24, v1;
	v3 =	vld [tilespmem:s21+$0x420]  }
0xba: {  	s24 =	sadd.s32 $0xFFFFFFF9, s22;
	vm0 =	vgt.f32 v4, v0  }
0xbb: {  	v0 =	vsel vm0, v4, v0;
	v1 =	vsel vm0, s24, v1;
	v4 =	vld [tilespmem:s21+$0x430]  }
0xbc: {  	s24 =	sadd.s32 $0xFFFFFFFA, s22;
	vm0 =	vgt.f32 v2, v0  }
0xbd: {  	v0 =	vsel vm0, v2, v0;
	v1 =	vsel vm0, s24, v1;
	v2 =	vld [tilespmem:s21+$0x440]  }
0xbe: {  	s24 =	sadd.s32 $0xFFFFFFFB, s22;
	vm0 =	vgt.f32 v3, v0  }
0xbf: {  	v0 =	vsel vm0, v3, v0;
	v1 =	vsel vm0, s24, v1;
	v5 =	vld [tilespmem:s21+$0x450]  }
0xc0: {  	s24 =	sadd.s32 $0xFFFFFFFC, s22;
	vm0 =	vgt.f32 v4, v0  }
.Ltmp2:
0xc1: {  	v3 =	vsel vm0, v4, v0;
	v1 =	vsel vm0, s24, v1;
	v0 =	vld [tilespmem:s21+$0x460];
	(pc) =	sbr.rel @p0 .LBB2_7-.Ltmp2, $4  }
0xc2: {  	s24 =	sadd.s32 $0xFFFFFFFD, s22;
	vm0 =	vgt.f32 v2, v3  }
0xc3: {  	v4 =	vsel vm0, v2, v3;
	v1 =	vsel vm0, s24, v1;
	v2 =	vld [tilespmem:s21+$0x470]  }
0xc4: {  	s24 =	sadd.s32 $0xFFFFFFFE, s22;
	s21 =	sadd.s32 $0x800, s21;
	vm0 =	vgt.f32 v5, v4  }
0xc5: {  	s23 =	sadd.s32 $0x10, s23;
	v3 =	vld [tilespmem:s21+$0x0];
	v4 =	vsel vm0, v5, v4;
	v1 =	vsel vm0, s24, v1  }
0xc6: {  	vm0 =	vgt.f32 v0, v4  }
0xc7: {  	v5 =	vld [tilespmem:s21+$0x10];
	v0 =	vsel vm0, v0, v4  }
0xc8: {  	vm1 =	vgt.f32 v2, v0  }
0xc9: {  	v50 =	vld [tilespmem:s21+$0x20];
	v0 =	vsel vm1, v2, v0  }
0xca: {  	vm2 =	vgt.f32 v3, v0  }
0xcb: {  	v51 =	vld [tilespmem:s21+$0x30];
	v0 =	vsel vm2, v3, v0  }
0xcc: {  	vm3 =	vgt.f32 v5, v0  }
0xcd: {  	v52 =	vld [tilespmem:s21+$0x40];
	v0 =	vsel vm3, v5, v0  }
0xce: {  	vm4 =	vgt.f32 v50, v0  }
0xcf: {  	v53 =	vld [tilespmem:s21+$0x50];
	v0 =	vsel vm4, v50, v0  }
0xd0: {  	vm5 =	vgt.f32 v51, v0  }
0xd1: {  	v54 =	vld [tilespmem:s21+$0x60];
	v0 =	vsel vm5, v51, v0  }
0xd2: {  	vm6 =	vgt.f32 v52, v0  }
0xd3: {  	v55 =	vld [tilespmem:s21+$0x70];
	v0 =	vsel vm6, v52, v0  }
0xd4: {  	vm7 =	vgt.f32 v53, v0  }
0xd5: {  	v56 =	vld [tilespmem:s21+$0x400];
	v0 =	vsel vm7, v53, v0  }
0xd6: {  	vm8 =	vgt.f32 v54, v0  }
0xd7: {  	s23 =	sadd.s32 $0xFFFFFFFF, s22;
	v57 =	vld [tilespmem:s21+$0x410];
	v0 =	vsel vm8, v54, v0  }
0xd8: {  	v1 =	vsel vm0, s23, v1;
	vm14 =	vgt.f32 v55, v0  }
0xd9: {  	v58 =	vld [tilespmem:s21+$0x420];
	s23 =	sadd.s32 $0xFFFFFFF1, s20;
	v1 =	vsel vm1, s22, v1;
	v0 =	vsel vm14, v55, v0  }
0xda: {  	s24 =	sadd.s32 $0xFFFFFFF2, s20;
	v1 =	vsel vm2, s23, v1;
	vm15 =	vgt.f32 v56, v0  }
0xdb: {  	s25 =	sadd.s32 $0xFFFFFFF3, s20;
	v59 =	vld [tilespmem:s21+$0x430];
	v1 =	vsel vm3, s24, v1;
	v0 =	vsel vm15, v56, v0  }
0xdc: {  	s26 =	sadd.s32 $0xFFFFFFF4, s20;
	v1 =	vsel vm4, s25, v1;
	vm9 =	vgt.f32 v57, v0  }
0xdd: {  	s28 =	sadd.s32 $0xFFFFFFF5, s20;
	v60 =	vld [tilespmem:s21+$0x440];
	v1 =	vsel vm5, s26, v1;
	v0 =	vsel vm9, v57, v0  }
0xde: {  	s29 =	sadd.s32 $0xFFFFFFF6, s20;
	v1 =	vsel vm6, s28, v1;
	vm10 =	vgt.f32 v58, v0  }
0xdf: {  	s30 =	sadd.s32 $0xFFFFFFF7, s20;
	v61 =	vld [tilespmem:s21+$0x450];
	v1 =	vsel vm7, s29, v1;
	v0 =	vsel vm10, v58, v0  }
0xe0: {  	s31 =	sadd.s32 $0xFFFFFFF8, s20;
	v1 =	vsel vm8, s30, v1;
	vm11 =	vgt.f32 v59, v0  }
0xe1: {  	v62 =	vld [tilespmem:s21+$0x460];
	s23 =	sadd.s32 $0xFFFFFFF9, s20;
	v1 =	vsel vm14, s31, v1;
	v0 =	vsel vm11, v59, v0  }
0xe2: {  	s24 =	sadd.s32 $0xFFFFFFFA, s20;
	v1 =	vsel vm15, s23, v1;
	vm12 =	vgt.f32 v60, v0  }
0xe3: {  	v63 =	vld [tilespmem:s21+$0x470];
	s25 =	sadd.s32 $0xFFFFFFFB, s20;
	v1 =	vsel vm9, s24, v1;
	v0 =	vsel vm12, v60, v0  }
0xe4: {  	s26 =	sadd.s32 $0xFFFFFFFC, s20;
	v1 =	vsel vm10, s25, v1;
	vm13 =	vgt.f32 v61, v0  }
0xe5: {  	s28 =	sadd.s32 $0xFFFFFFFD, s20;
	s31 =	sshll.u32 s19, $0x4;
	s19 =	sadd.s32 $0x1, s19;
	v1 =	vsel vm11, s26, v1;
	v0 =	vsel vm13, v61, v0  }
0xe6: {  	s29 =	sadd.s32 $0xFFFFFFFE, s20;
	p0 =	sne.s32 s19, $0x20;
	v1 =	vsel vm12, s28, v1;
	vm14 =	vgt.f32 v62, v0  }
.Ltmp3:
0xe7: {  	s30 =	sadd.s32 $0xFFFFFFFF, s20;
	v1 =	vsel vm13, s29, v1;
	v0 =	vsel vm14, v62, v0;
	(pc) =	sbr.rel @p0 .LBB2_6-.Ltmp3, $4  }
0xe8: {  	v1 =	vsel vm14, s30, v1;
	vm15 =	vgt.f32 v63, v0  }
0xe9: {  	v1 =	vsel vm15, s20, v1  }
0xea: {  	v0 =	vsel vm15, v63, v0;
	[tilespmem:s31+$0x10200] =	vst v1  }
0xeb: {  	s18 =	sadd.s32 $0x400, s18;
	s17 =	sadd.s32 $0x1, s17;
	[tilespmem:s31+$0x10A00] =	vst v0  }
0xec: {  	_ =	swait.ge [sflag:s10], $0x8000  }
0xed: {  	s17 =	simm.s32 $0x0;
	[sflag:s10] =	ssyncset.done $0x0  }
0xee: {  	s18 =	simm.s32 $0x0;
	s19 =	simm.s32 $0x0;
	[sflag:s10] =	ssyncadd.s32 $0xFFFF8000  }
0xef: {  	[tilespmem:s11], [sflag:$0x2] =	stream.linear.gather [hbm4b:s6+s17], $0x8000, $0x38;
	[tilespmem:$0x11000] =	vst v63  }
.LBB2_10:
0xf0: {  	s20 =	sshll.u32 s18, $0x2;
	s21 =	sand.u32 $0x7, s17  }
0xf1: {  	s20 =	sand.u32 $0xFFFF8000, s20;
	s21 =	sshll.u32 s21, $0x9  }
0xf2: {  	s20 =	sor.u32 s21, s20  }
0xf3: {  	s20 =	sshrl.u32 s20, $0x2  }
0xf4: {  	s20 =	sor.u32 $0x400, s20  }
0xf5: {  	v0 =	vld [tilespmem:s20+$0xFFFFFC00];
	_ =	sdelay $0x1  }
0xf6: {  	v1 =	vld [tilespmem:s20+$0xFFFFFC10];
	_ =	sdelay $0x1  }
0xf7: {  	v2 =	vimm.f32 $-3.000000010e+38;
	v3 =	vld [tilespmem:s20+$0xFFFFFC20]  }
0xf8: {  	vm0 =	vgt.f32 v0, v2  }
0xf9: {  	v0 =	vsel vm0, v0, v2;
	v2 =	vld [tilespmem:s20+$0xFFFFFC30]  }
0xfa: {  	vm1 =	vgt.f32 v1, v0  }
0xfb: {  	v0 =	vsel vm1, v1, v0;
	v1 =	vld [tilespmem:s20+$0xFFFFFC40]  }
0xfc: {  	vm2 =	vgt.f32 v3, v0  }
0xfd: {  	v0 =	vsel vm2, v3, v0;
	v3 =	vld [tilespmem:s20+$0xFFFFFC50]  }
0xfe: {  	vm3 =	vgt.f32 v2, v0  }
0xff: {  	v0 =	vsel vm3, v2, v0;
	v2 =	vld [tilespmem:s20+$0xFFFFFC60]  }
0x100: {  	vm4 =	vgt.f32 v1, v0  }
0x101: {  	v0 =	vsel vm4, v1, v0;
	v1 =	vld [tilespmem:s20+$0xFFFFFC70]  }
0x102: {  	vm5 =	vgt.f32 v3, v0  }
0x103: {  	v0 =	vsel vm5, v3, v0;
	v3 =	vld [tilespmem:s20+$0x0]  }
0x104: {  	v4 =	vimm.s32 $0x0;
	s28 =	simm.s32 $0x0;
	vm6 =	vgt.f32 v2, v0  }
0x105: {  	s29 =	simm.s32 $0x1;
	v4 =	vsel vm0, s28, v4;
	v0 =	vsel vm6, v2, v0;
	v2 =	vld [tilespmem:s20+$0x10]  }
0x106: {  	s30 =	simm.s32 $0x2;
	v4 =	vsel vm1, s29, v4;
	vm9 =	vgt.f32 v1, v0  }
0x107: {  	s31 =	simm.s32 $0x3;
	v4 =	vsel vm2, s30, v4;
	v0 =	vsel vm9, v1, v0;
	v1 =	vld [tilespmem:s20+$0x20]  }
0x108: {  	s22 =	simm.s32 $0x4;
	v4 =	vsel vm3, s31, v4;
	vm10 =	vgt.f32 v3, v0  }
0x109: {  	s23 =	simm.s32 $0x5;
	v4 =	vsel vm4, s22, v4;
	v0 =	vsel vm10, v3, v0;
	v3 =	vld [tilespmem:s20+$0x30]  }
0x10a: {  	s24 =	simm.s32 $0x6;
	v4 =	vsel vm5, s23, v4;
	vm11 =	vgt.f32 v2, v0  }
0x10b: {  	s25 =	simm.s32 $0x7;
	v4 =	vsel vm6, s24, v4;
	v0 =	vsel vm11, v2, v0  }
0x10c: {  	s26 =	simm.s32 $0x8;
	v4 =	vsel vm9, s25, v4;
	v2 =	vld [tilespmem:s20+$0x40];
	vm12 =	vgt.f32 v1, v0  }
0x10d: {  	s28 =	simm.s32 $0x9;
	v4 =	vsel vm10, s26, v4;
	v0 =	vsel vm12, v1, v0  }
0x10e: {  	s29 =	simm.s32 $0xA;
	v4 =	vsel vm11, s28, v4;
	v1 =	vld [tilespmem:s20+$0x50];
	vm13 =	vgt.f32 v3, v0  }
0x10f: {  	s30 =	simm.s32 $0xB;
	v3 =	vsel vm13, v3, v0;
	v0 =	vsel vm12, s29, v4  }
0x110: {  	v4 =	vsel vm13, s30, v0;
	v0 =	vld [tilespmem:s20+$0x60]  }
0x111: {  	vm14 =	vgt.f32 v2, v3  }
0x112: {  	s31 =	simm.s32 $0xC;
	v5 =	vsel vm14, v2, v3;
	v2 =	vld [tilespmem:s20+$0x70]  }
0x113: {  	s21 =	sadd.s32 $0x800, s20;
	s24 =	simm.s32 $0xD;
	v6 =	vsel vm14, s31, v4;
	vm15 =	vgt.f32 v1, v5  }
0x114: {  	s22 =	simm.s32 $0xF;
	s23 =	simm.s32 $0x2F;
	s20 =	simm.s32 $0x1F;
	v3 =	vld [tilespmem:s21+$0xFFFFFC00];
	v4 =	vsel vm15, v1, v5;
	v1 =	vsel vm15, s24, v6  }
.LBB2_11:
0x115: {  	p0 =	sne.s32 s23, $0x3F;
	s24 =	sadd.s32 $0xFFFFFFFF, s22;
	vm0 =	vgt.f32 v0, v4  }
0x116: {  	v5 =	vld [tilespmem:s21+$0xFFFFFC10];
	v0 =	vsel vm0, v0, v4;
	v1 =	vsel vm0, s24, v1  }
0x117: {  	vm0 =	vgt.f32 v2, v0  }
0x118: {  	v4 =	vld [tilespmem:s21+$0xFFFFFC20];
	v0 =	vsel vm0, v2, v0;
	v1 =	vsel vm0, s22, v1;
	s22 =	smov.u32 s20;
	s20 =	smov.u32 s23  }
0x119: {  	s24 =	sadd.s32 $0xFFFFFFF1, s22;
	vm0 =	vgt.f32 v3, v0  }
0x11a: {  	v0 =	vsel vm0, v3, v0;
	v1 =	vsel vm0, s24, v1;
	v2 =	vld [tilespmem:s21+$0xFFFFFC30]  }
0x11b: {  	s24 =	sadd.s32 $0xFFFFFFF2, s22;
	vm0 =	vgt.f32 v5, v0  }
0x11c: {  	v0 =	vsel vm0, v5, v0;
	v1 =	vsel vm0, s24, v1;
	v3 =	vld [tilespmem:s21+$0xFFFFFC40]  }
0x11d: {  	s24 =	sadd.s32 $0xFFFFFFF3, s22;
	vm0 =	vgt.f32 v4, v0  }
0x11e: {  	v0 =	vsel vm0, v4, v0;
	v1 =	vsel vm0, s24, v1;
	v4 =	vld [tilespmem:s21+$0xFFFFFC50]  }
0x11f: {  	s24 =	sadd.s32 $0xFFFFFFF4, s22;
	vm0 =	vgt.f32 v2, v0  }
0x120: {  	v0 =	vsel vm0, v2, v0;
	v1 =	vsel vm0, s24, v1;
	v2 =	vld [tilespmem:s21+$0xFFFFFC60]  }
0x121: {  	s24 =	sadd.s32 $0xFFFFFFF5, s22;
	vm0 =	vgt.f32 v3, v0  }
0x122: {  	v0 =	vsel vm0, v3, v0;
	v1 =	vsel vm0, s24, v1;
	v3 =	vld [tilespmem:s21+$0xFFFFFC70]  }
0x123: {  	s24 =	sadd.s32 $0xFFFFFFF6, s22;
	vm0 =	vgt.f32 v4, v0  }
0x124: {  	v0 =	vsel vm0, v4, v0;
	v1 =	vsel vm0, s24, v1;
	v4 =	vld [tilespmem:s21+$0x0]  }
0x125: {  	s24 =	sadd.s32 $0xFFFFFFF7, s22;
	vm0 =	vgt.f32 v2, v0  }
0x126: {  	v0 =	vsel vm0, v2, v0;
	v1 =	vsel vm0, s24, v1;
	v2 =	vld [tilespmem:s21+$0x10]  }
0x127: {  	s24 =	sadd.s32 $0xFFFFFFF8, s22;
	vm0 =	vgt.f32 v3, v0  }
0x128: {  	v0 =	vsel vm0, v3, v0;
	v1 =	vsel vm0, s24, v1;
	v3 =	vld [tilespmem:s21+$0x20]  }
0x129: {  	s24 =	sadd.s32 $0xFFFFFFF9, s22;
	vm0 =	vgt.f32 v4, v0  }
0x12a: {  	v0 =	vsel vm0, v4, v0;
	v1 =	vsel vm0, s24, v1;
	v4 =	vld [tilespmem:s21+$0x30]  }
0x12b: {  	s24 =	sadd.s32 $0xFFFFFFFA, s22;
	vm0 =	vgt.f32 v2, v0  }
0x12c: {  	v0 =	vsel vm0, v2, v0;
	v1 =	vsel vm0, s24, v1;
	v2 =	vld [tilespmem:s21+$0x40]  }
0x12d: {  	s24 =	sadd.s32 $0xFFFFFFFB, s22;
	vm0 =	vgt.f32 v3, v0  }
0x12e: {  	v0 =	vsel vm0, v3, v0;
	v1 =	vsel vm0, s24, v1;
	v5 =	vld [tilespmem:s21+$0x50]  }
0x12f: {  	s24 =	sadd.s32 $0xFFFFFFFC, s22;
	vm0 =	vgt.f32 v4, v0  }
.Ltmp4:
0x130: {  	v3 =	vsel vm0, v4, v0;
	v1 =	vsel vm0, s24, v1;
	v0 =	vld [tilespmem:s21+$0x60];
	(pc) =	sbr.rel @p0 .LBB2_11-.Ltmp4, $4  }
0x131: {  	s24 =	sadd.s32 $0xFFFFFFFD, s22;
	vm0 =	vgt.f32 v2, v3  }
0x132: {  	v4 =	vsel vm0, v2, v3;
	v1 =	vsel vm0, s24, v1;
	v2 =	vld [tilespmem:s21+$0x70]  }
0x133: {  	s24 =	sadd.s32 $0xFFFFFFFE, s22;
	s21 =	sadd.s32 $0x800, s21;
	vm0 =	vgt.f32 v5, v4  }
0x134: {  	s23 =	sadd.s32 $0x10, s23;
	v3 =	vld [tilespmem:s21+$0xFFFFFC00];
	v4 =	vsel vm0, v5, v4;
	v1 =	vsel vm0, s24, v1  }
0x135: {  	vm0 =	vgt.f32 v0, v4  }
0x136: {  	v5 =	vld [tilespmem:s21+$0xFFFFFC10];
	v0 =	vsel vm0, v0, v4  }
0x137: {  	vm1 =	vgt.f32 v2, v0  }
0x138: {  	v50 =	vld [tilespmem:s21+$0xFFFFFC20];
	v0 =	vsel vm1, v2, v0  }
0x139: {  	vm2 =	vgt.f32 v3, v0  }
0x13a: {  	v51 =	vld [tilespmem:s21+$0xFFFFFC30];
	v0 =	vsel vm2, v3, v0  }
0x13b: {  	vm3 =	vgt.f32 v5, v0  }
0x13c: {  	v52 =	vld [tilespmem:s21+$0xFFFFFC40];
	v0 =	vsel vm3, v5, v0  }
0x13d: {  	vm4 =	vgt.f32 v50, v0  }
0x13e: {  	v53 =	vld [tilespmem:s21+$0xFFFFFC50];
	v0 =	vsel vm4, v50, v0  }
0x13f: {  	vm5 =	vgt.f32 v51, v0  }
0x140: {  	v54 =	vld [tilespmem:s21+$0xFFFFFC60];
	v0 =	vsel vm5, v51, v0  }
0x141: {  	vm6 =	vgt.f32 v52, v0  }
0x142: {  	v55 =	vld [tilespmem:s21+$0xFFFFFC70];
	v0 =	vsel vm6, v52, v0  }
0x143: {  	vm7 =	vgt.f32 v53, v0  }
0x144: {  	v56 =	vld [tilespmem:s21+$0x0];
	v0 =	vsel vm7, v53, v0  }
0x145: {  	vm8 =	vgt.f32 v54, v0  }
0x146: {  	s23 =	sadd.s32 $0xFFFFFFFF, s22;
	v57 =	vld [tilespmem:s21+$0x10];
	v0 =	vsel vm8, v54, v0  }
0x147: {  	v1 =	vsel vm0, s23, v1;
	vm14 =	vgt.f32 v55, v0  }
0x148: {  	v58 =	vld [tilespmem:s21+$0x20];
	s23 =	sadd.s32 $0xFFFFFFF1, s20;
	v1 =	vsel vm1, s22, v1;
	v0 =	vsel vm14, v55, v0  }
0x149: {  	s24 =	sadd.s32 $0xFFFFFFF2, s20;
	v1 =	vsel vm2, s23, v1;
	vm15 =	vgt.f32 v56, v0  }
0x14a: {  	s25 =	sadd.s32 $0xFFFFFFF3, s20;
	v59 =	vld [tilespmem:s21+$0x30];
	v1 =	vsel vm3, s24, v1;
	v0 =	vsel vm15, v56, v0  }
0x14b: {  	s26 =	sadd.s32 $0xFFFFFFF4, s20;
	v1 =	vsel vm4, s25, v1;
	vm9 =	vgt.f32 v57, v0  }
0x14c: {  	s28 =	sadd.s32 $0xFFFFFFF5, s20;
	v60 =	vld [tilespmem:s21+$0x40];
	v1 =	vsel vm5, s26, v1;
	v0 =	vsel vm9, v57, v0  }
0x14d: {  	s29 =	sadd.s32 $0xFFFFFFF6, s20;
	v1 =	vsel vm6, s28, v1;
	vm10 =	vgt.f32 v58, v0  }
0x14e: {  	s30 =	sadd.s32 $0xFFFFFFF7, s20;
	v61 =	vld [tilespmem:s21+$0x50];
	v1 =	vsel vm7, s29, v1;
	v0 =	vsel vm10, v58, v0  }
0x14f: {  	s31 =	sadd.s32 $0xFFFFFFF8, s20;
	v1 =	vsel vm8, s30, v1;
	vm11 =	vgt.f32 v59, v0  }
0x150: {  	v62 =	vld [tilespmem:s21+$0x60];
	s23 =	sadd.s32 $0xFFFFFFF9, s20;
	v1 =	vsel vm14, s31, v1;
	v0 =	vsel vm11, v59, v0  }
0x151: {  	s24 =	sadd.s32 $0xFFFFFFFA, s20;
	v1 =	vsel vm15, s23, v1;
	vm12 =	vgt.f32 v60, v0  }
0x152: {  	v63 =	vld [tilespmem:s21+$0x70];
	s25 =	sadd.s32 $0xFFFFFFFB, s20;
	v1 =	vsel vm9, s24, v1;
	v0 =	vsel vm12, v60, v0  }
0x153: {  	s26 =	sadd.s32 $0xFFFFFFFC, s20;
	v1 =	vsel vm10, s25, v1;
	vm13 =	vgt.f32 v61, v0  }
0x154: {  	s28 =	sadd.s32 $0xFFFFFFFD, s20;
	s31 =	sshll.u32 s19, $0x4;
	s19 =	sadd.s32 $0x1, s19;
	v1 =	vsel vm11, s26, v1;
	v0 =	vsel vm13, v61, v0  }
0x155: {  	s29 =	sadd.s32 $0xFFFFFFFE, s20;
	p0 =	sne.s32 s19, $0x20;
	v1 =	vsel vm12, s28, v1;
	vm14 =	vgt.f32 v62, v0  }
.Ltmp5:
0x156: {  	s30 =	sadd.s32 $0xFFFFFFFF, s20;
	v1 =	vsel vm13, s29, v1;
	v0 =	vsel vm14, v62, v0;
	(pc) =	sbr.rel @p0 .LBB2_10-.Ltmp5, $4  }
0x157: {  	v1 =	vsel vm14, s30, v1;
	vm15 =	vgt.f32 v63, v0  }
0x158: {  	v1 =	vsel vm15, s20, v1  }
0x159: {  	v0 =	vsel vm15, v63, v0;
	[tilespmem:s31+$0x10400] =	vst v1  }
0x15a: {  	s18 =	sadd.s32 $0x400, s18;
	s17 =	sadd.s32 $0x1, s17;
	[tilespmem:s31+$0x10C00] =	vst v0  }
0x15b: {  	_ =	swait.ge [sflag:s12], $0x8000  }
0x15c: {  	s17 =	simm.s32 $0x0;
	[sflag:s12] =	ssyncset.done $0x0  }
0x15d: {  	s18 =	simm.s32 $0x0;
	s19 =	simm.s32 $0x0;
	[sflag:s12] =	ssyncadd.s32 $0xFFFF8000  }
.LBB2_14:
0x15e: {  	s20 =	sshll.u32 s18, $0x2;
	s21 =	sand.u32 $0x7, s17  }
0x15f: {  	s20 =	sand.u32 $0xFFFF8000, s20;
	s21 =	sshll.u32 s21, $0x9  }
0x160: {  	s20 =	sor.u32 s21, s20  }
0x161: {  	s20 =	sshrl.u32 s20, $0x2  }
0x162: {  	s20 =	sadd.s32 $0x8000, s20  }
0x163: {  	v0 =	vld [tilespmem:s20+$0x0];
	_ =	sdelay $0x1  }
0x164: {  	v1 =	vld [tilespmem:s20+$0x10];
	_ =	sdelay $0x1  }
0x165: {  	v2 =	vimm.f32 $-3.000000010e+38;
	v3 =	vld [tilespmem:s20+$0x20]  }
0x166: {  	vm0 =	vgt.f32 v0, v2  }
0x167: {  	v0 =	vsel vm0, v0, v2;
	v2 =	vld [tilespmem:s20+$0x30]  }
0x168: {  	vm1 =	vgt.f32 v1, v0  }
0x169: {  	v0 =	vsel vm1, v1, v0;
	v1 =	vld [tilespmem:s20+$0x40]  }
0x16a: {  	vm2 =	vgt.f32 v3, v0  }
0x16b: {  	v0 =	vsel vm2, v3, v0;
	v3 =	vld [tilespmem:s20+$0x50]  }
0x16c: {  	vm3 =	vgt.f32 v2, v0  }
0x16d: {  	v0 =	vsel vm3, v2, v0;
	v2 =	vld [tilespmem:s20+$0x60]  }
0x16e: {  	vm4 =	vgt.f32 v1, v0  }
0x16f: {  	v0 =	vsel vm4, v1, v0;
	v1 =	vld [tilespmem:s20+$0x70]  }
0x170: {  	vm5 =	vgt.f32 v3, v0  }
0x171: {  	v0 =	vsel vm5, v3, v0;
	v3 =	vld [tilespmem:s20+$0x400]  }
0x172: {  	v4 =	vimm.s32 $0x0;
	s28 =	simm.s32 $0x0;
	vm6 =	vgt.f32 v2, v0  }
0x173: {  	s29 =	simm.s32 $0x1;
	v4 =	vsel vm0, s28, v4;
	v0 =	vsel vm6, v2, v0;
	v2 =	vld [tilespmem:s20+$0x410]  }
0x174: {  	s30 =	simm.s32 $0x2;
	v4 =	vsel vm1, s29, v4;
	vm9 =	vgt.f32 v1, v0  }
0x175: {  	s31 =	simm.s32 $0x3;
	v4 =	vsel vm2, s30, v4;
	v0 =	vsel vm9, v1, v0;
	v1 =	vld [tilespmem:s20+$0x420]  }
0x176: {  	s22 =	simm.s32 $0x4;
	v4 =	vsel vm3, s31, v4;
	vm10 =	vgt.f32 v3, v0  }
0x177: {  	s23 =	simm.s32 $0x5;
	v4 =	vsel vm4, s22, v4;
	v0 =	vsel vm10, v3, v0;
	v3 =	vld [tilespmem:s20+$0x430]  }
0x178: {  	s24 =	simm.s32 $0x6;
	v4 =	vsel vm5, s23, v4;
	vm11 =	vgt.f32 v2, v0  }
0x179: {  	s25 =	simm.s32 $0x7;
	v4 =	vsel vm6, s24, v4;
	v0 =	vsel vm11, v2, v0  }
0x17a: {  	s26 =	simm.s32 $0x8;
	v4 =	vsel vm9, s25, v4;
	v2 =	vld [tilespmem:s20+$0x440];
	vm12 =	vgt.f32 v1, v0  }
0x17b: {  	s28 =	simm.s32 $0x9;
	v4 =	vsel vm10, s26, v4;
	v0 =	vsel vm12, v1, v0  }
0x17c: {  	s29 =	simm.s32 $0xA;
	v4 =	vsel vm11, s28, v4;
	v1 =	vld [tilespmem:s20+$0x450];
	vm13 =	vgt.f32 v3, v0  }
0x17d: {  	s30 =	simm.s32 $0xB;
	v3 =	vsel vm13, v3, v0;
	v0 =	vsel vm12, s29, v4  }
0x17e: {  	v4 =	vsel vm13, s30, v0;
	v0 =	vld [tilespmem:s20+$0x460]  }
0x17f: {  	vm14 =	vgt.f32 v2, v3  }
0x180: {  	s31 =	simm.s32 $0xC;
	v5 =	vsel vm14, v2, v3;
	v2 =	vld [tilespmem:s20+$0x470]  }
0x181: {  	s21 =	sadd.s32 $0x800, s20;
	s24 =	simm.s32 $0xD;
	v6 =	vsel vm14, s31, v4;
	vm15 =	vgt.f32 v1, v5  }
0x182: {  	s22 =	simm.s32 $0xF;
	s23 =	simm.s32 $0x2F;
	s20 =	simm.s32 $0x1F;
	v3 =	vld [tilespmem:s21+$0x0];
	v4 =	vsel vm15, v1, v5;
	v1 =	vsel vm15, s24, v6  }
.LBB2_15:
0x183: {  	p0 =	sne.s32 s23, $0x3F;
	s24 =	sadd.s32 $0xFFFFFFFF, s22;
	vm0 =	vgt.f32 v0, v4  }
0x184: {  	v5 =	vld [tilespmem:s21+$0x10];
	v0 =	vsel vm0, v0, v4;
	v1 =	vsel vm0, s24, v1  }
0x185: {  	vm0 =	vgt.f32 v2, v0  }
0x186: {  	v4 =	vld [tilespmem:s21+$0x20];
	v0 =	vsel vm0, v2, v0;
	v1 =	vsel vm0, s22, v1;
	s22 =	smov.u32 s20;
	s20 =	smov.u32 s23  }
0x187: {  	s24 =	sadd.s32 $0xFFFFFFF1, s22;
	vm0 =	vgt.f32 v3, v0  }
0x188: {  	v0 =	vsel vm0, v3, v0;
	v1 =	vsel vm0, s24, v1;
	v2 =	vld [tilespmem:s21+$0x30]  }
0x189: {  	s24 =	sadd.s32 $0xFFFFFFF2, s22;
	vm0 =	vgt.f32 v5, v0  }
0x18a: {  	v0 =	vsel vm0, v5, v0;
	v1 =	vsel vm0, s24, v1;
	v3 =	vld [tilespmem:s21+$0x40]  }
0x18b: {  	s24 =	sadd.s32 $0xFFFFFFF3, s22;
	vm0 =	vgt.f32 v4, v0  }
0x18c: {  	v0 =	vsel vm0, v4, v0;
	v1 =	vsel vm0, s24, v1;
	v4 =	vld [tilespmem:s21+$0x50]  }
0x18d: {  	s24 =	sadd.s32 $0xFFFFFFF4, s22;
	vm0 =	vgt.f32 v2, v0  }
0x18e: {  	v0 =	vsel vm0, v2, v0;
	v1 =	vsel vm0, s24, v1;
	v2 =	vld [tilespmem:s21+$0x60]  }
0x18f: {  	s24 =	sadd.s32 $0xFFFFFFF5, s22;
	vm0 =	vgt.f32 v3, v0  }
0x190: {  	v0 =	vsel vm0, v3, v0;
	v1 =	vsel vm0, s24, v1;
	v3 =	vld [tilespmem:s21+$0x70]  }
0x191: {  	s24 =	sadd.s32 $0xFFFFFFF6, s22;
	vm0 =	vgt.f32 v4, v0  }
0x192: {  	v0 =	vsel vm0, v4, v0;
	v1 =	vsel vm0, s24, v1;
	v4 =	vld [tilespmem:s21+$0x400]  }
0x193: {  	s24 =	sadd.s32 $0xFFFFFFF7, s22;
	vm0 =	vgt.f32 v2, v0  }
0x194: {  	v0 =	vsel vm0, v2, v0;
	v1 =	vsel vm0, s24, v1;
	v2 =	vld [tilespmem:s21+$0x410]  }
0x195: {  	s24 =	sadd.s32 $0xFFFFFFF8, s22;
	vm0 =	vgt.f32 v3, v0  }
0x196: {  	v0 =	vsel vm0, v3, v0;
	v1 =	vsel vm0, s24, v1;
	v3 =	vld [tilespmem:s21+$0x420]  }
0x197: {  	s24 =	sadd.s32 $0xFFFFFFF9, s22;
	vm0 =	vgt.f32 v4, v0  }
0x198: {  	v0 =	vsel vm0, v4, v0;
	v1 =	vsel vm0, s24, v1;
	v4 =	vld [tilespmem:s21+$0x430]  }
0x199: {  	s24 =	sadd.s32 $0xFFFFFFFA, s22;
	vm0 =	vgt.f32 v2, v0  }
0x19a: {  	v0 =	vsel vm0, v2, v0;
	v1 =	vsel vm0, s24, v1;
	v2 =	vld [tilespmem:s21+$0x440]  }
0x19b: {  	s24 =	sadd.s32 $0xFFFFFFFB, s22;
	vm0 =	vgt.f32 v3, v0  }
0x19c: {  	v0 =	vsel vm0, v3, v0;
	v1 =	vsel vm0, s24, v1;
	v5 =	vld [tilespmem:s21+$0x450]  }
0x19d: {  	s24 =	sadd.s32 $0xFFFFFFFC, s22;
	vm0 =	vgt.f32 v4, v0  }
.Ltmp6:
0x19e: {  	v3 =	vsel vm0, v4, v0;
	v1 =	vsel vm0, s24, v1;
	v0 =	vld [tilespmem:s21+$0x460];
	(pc) =	sbr.rel @p0 .LBB2_15-.Ltmp6, $4  }
0x19f: {  	s24 =	sadd.s32 $0xFFFFFFFD, s22;
	vm0 =	vgt.f32 v2, v3  }
0x1a0: {  	v4 =	vsel vm0, v2, v3;
	v1 =	vsel vm0, s24, v1;
	v2 =	vld [tilespmem:s21+$0x470]  }
0x1a1: {  	s24 =	sadd.s32 $0xFFFFFFFE, s22;
	s21 =	sadd.s32 $0x800, s21;
	vm0 =	vgt.f32 v5, v4  }
0x1a2: {  	s23 =	sadd.s32 $0x10, s23;
	v3 =	vld [tilespmem:s21+$0x0];
	v4 =	vsel vm0, v5, v4;
	v1 =	vsel vm0, s24, v1  }
0x1a3: {  	vm0 =	vgt.f32 v0, v4  }
0x1a4: {  	v5 =	vld [tilespmem:s21+$0x10];
	v0 =	vsel vm0, v0, v4  }
0x1a5: {  	vm1 =	vgt.f32 v2, v0  }
0x1a6: {  	v50 =	vld [tilespmem:s21+$0x20];
	v0 =	vsel vm1, v2, v0  }
0x1a7: {  	vm2 =	vgt.f32 v3, v0  }
0x1a8: {  	v51 =	vld [tilespmem:s21+$0x30];
	v0 =	vsel vm2, v3, v0  }
0x1a9: {  	vm3 =	vgt.f32 v5, v0  }
0x1aa: {  	v52 =	vld [tilespmem:s21+$0x40];
	v0 =	vsel vm3, v5, v0  }
0x1ab: {  	vm4 =	vgt.f32 v50, v0  }
0x1ac: {  	v53 =	vld [tilespmem:s21+$0x50];
	v0 =	vsel vm4, v50, v0  }
0x1ad: {  	vm5 =	vgt.f32 v51, v0  }
0x1ae: {  	v54 =	vld [tilespmem:s21+$0x60];
	v0 =	vsel vm5, v51, v0  }
0x1af: {  	vm6 =	vgt.f32 v52, v0  }
0x1b0: {  	v55 =	vld [tilespmem:s21+$0x70];
	v0 =	vsel vm6, v52, v0  }
0x1b1: {  	vm7 =	vgt.f32 v53, v0  }
0x1b2: {  	v56 =	vld [tilespmem:s21+$0x400];
	v0 =	vsel vm7, v53, v0  }
0x1b3: {  	vm8 =	vgt.f32 v54, v0  }
0x1b4: {  	s23 =	sadd.s32 $0xFFFFFFFF, s22;
	v57 =	vld [tilespmem:s21+$0x410];
	v0 =	vsel vm8, v54, v0  }
0x1b5: {  	v1 =	vsel vm0, s23, v1;
	vm14 =	vgt.f32 v55, v0  }
0x1b6: {  	v58 =	vld [tilespmem:s21+$0x420];
	s23 =	sadd.s32 $0xFFFFFFF1, s20;
	v1 =	vsel vm1, s22, v1;
	v0 =	vsel vm14, v55, v0  }
0x1b7: {  	s24 =	sadd.s32 $0xFFFFFFF2, s20;
	v1 =	vsel vm2, s23, v1;
	vm15 =	vgt.f32 v56, v0  }
0x1b8: {  	s25 =	sadd.s32 $0xFFFFFFF3, s20;
	v59 =	vld [tilespmem:s21+$0x430];
	v1 =	vsel vm3, s24, v1;
	v0 =	vsel vm15, v56, v0  }
0x1b9: {  	s26 =	sadd.s32 $0xFFFFFFF4, s20;
	v1 =	vsel vm4, s25, v1;
	vm9 =	vgt.f32 v57, v0  }
0x1ba: {  	s28 =	sadd.s32 $0xFFFFFFF5, s20;
	v60 =	vld [tilespmem:s21+$0x440];
	v1 =	vsel vm5, s26, v1;
	v0 =	vsel vm9, v57, v0  }
0x1bb: {  	s29 =	sadd.s32 $0xFFFFFFF6, s20;
	v1 =	vsel vm6, s28, v1;
	vm10 =	vgt.f32 v58, v0  }
0x1bc: {  	s30 =	sadd.s32 $0xFFFFFFF7, s20;
	v61 =	vld [tilespmem:s21+$0x450];
	v1 =	vsel vm7, s29, v1;
	v0 =	vsel vm10, v58, v0  }
0x1bd: {  	s31 =	sadd.s32 $0xFFFFFFF8, s20;
	v1 =	vsel vm8, s30, v1;
	vm11 =	vgt.f32 v59, v0  }
0x1be: {  	v62 =	vld [tilespmem:s21+$0x460];
	s23 =	sadd.s32 $0xFFFFFFF9, s20;
	v1 =	vsel vm14, s31, v1;
	v0 =	vsel vm11, v59, v0  }
0x1bf: {  	s24 =	sadd.s32 $0xFFFFFFFA, s20;
	v1 =	vsel vm15, s23, v1;
	vm12 =	vgt.f32 v60, v0  }
0x1c0: {  	v63 =	vld [tilespmem:s21+$0x470];
	s25 =	sadd.s32 $0xFFFFFFFB, s20;
	v1 =	vsel vm9, s24, v1;
	v0 =	vsel vm12, v60, v0  }
0x1c1: {  	s26 =	sadd.s32 $0xFFFFFFFC, s20;
	v1 =	vsel vm10, s25, v1;
	vm13 =	vgt.f32 v61, v0  }
0x1c2: {  	s28 =	sadd.s32 $0xFFFFFFFD, s20;
	s31 =	sshll.u32 s19, $0x4;
	s19 =	sadd.s32 $0x1, s19;
	v1 =	vsel vm11, s26, v1;
	v0 =	vsel vm13, v61, v0  }
0x1c3: {  	s29 =	sadd.s32 $0xFFFFFFFE, s20;
	p0 =	sne.s32 s19, $0x20;
	v1 =	vsel vm12, s28, v1;
	vm14 =	vgt.f32 v62, v0  }
.Ltmp7:
0x1c4: {  	s30 =	sadd.s32 $0xFFFFFFFF, s20;
	v1 =	vsel vm13, s29, v1;
	v0 =	vsel vm14, v62, v0;
	(pc) =	sbr.rel @p0 .LBB2_14-.Ltmp7, $4  }
0x1c5: {  	v1 =	vsel vm14, s30, v1;
	vm15 =	vgt.f32 v63, v0  }
0x1c6: {  	v1 =	vsel vm15, s20, v1  }
0x1c7: {  	v0 =	vsel vm15, v63, v0;
	[tilespmem:s31+$0x10600] =	vst v1  }
0x1c8: {  	s18 =	sadd.s32 $0x400, s18;
	s17 =	sadd.s32 $0x1, s17;
	[tilespmem:s31+$0x10E00] =	vst v0  }
0x1c9: {  	[hbm4b:s7+s2] =	stream.linear.scatter [tilespmem:s13], [sflag:$0x3], $0x800, $0x38;
	[tilespmem:$0x11000] =	vst v63  }
0x1ca: {  	s16 =	sadd.s32 $0x1, s16;
	_ =	swait.ge [sflag:s14], $0x800  }
0x1cb: {  	p0 =	sne.s32 s16, s9;
	[sflag:s14] =	ssyncset.done $0x0  }
.Ltmp8:
0x1cc: {  	[sflag:s14] =	ssyncadd.s32 $0xFFFFF800;
	(pc) =	sbr.rel @p0 .LBB2_1-.Ltmp8, $4  }
0x1cd: {  	[hbm4b:s8+s2] =	stream.linear.scatter [tilespmem:s15], [sflag:$0x3], $0x800, $0x38;
	[tilespmem:$0x11000] =	vst v63  }
0x1ce: {  	_ =	swait.ge [sflag:s14], $0x800  }
0x1cf: {  	[sflag:s14] =	ssyncset.done $0x0  }
0x1d0: {  	[sflag:s14] =	ssyncadd.s32 $0xFFFFF800  }
0x1d1: {  	_ =	sfence.sel $0x180000  }
0x1d2: {  	[bflag:$0x0] =	sbarrier.arrive $0xFFFF  }
0x1d3: {  	p0 =	sne.s32 s1, $0x0;
	_ =	strace $0x90000047  }
0x1d4: {  	s0 =	sadd.s32 @!p0 $0x100000, s0;
	[bflag:$0x2] =	sbarrier.arrive $0xFFFF  }
0x1d5: {  	[sflag:s0] =	ssyncadd.tile.s32 @!p0 $0x1;
	_ =	shalt  }
.Lfunc_end2:
_tile_overlayer_lowered:
.L_overlay_start_2:
0x1d6: {  	(tag) =	ssettag $0x2  }
0x1d7: {  	s0 =	rddreg [dreg:$0x0];
	s2 =	stileid.u32  }
0x1d8: {  	s1 =	rddreg [dreg:$0x1];
	p0 =	sne.s32 s2, $0x0  }
0x1d9: {  	s3 =	rddreg [dreg:$0x2];
	[bflag:$0x3] =	sbarrier.arrive $0xFFFF;
	s2 =	simm.s32 @!p0 $0x1C03  }
0x1da: {  	[timem:s3], [sflag:s2] =	dma.local @!p0 [hbm:s0], s1  }
0x1db: {  	s0 =	simm.s32 @!p0 $0x3  }
0x1dc: {  	_ =	swait.ge @!p0 [sflag:s0], s1  }
0x1dd: {  	s1 =	ssub.s32 @!p0 $0x0, s1;
	[sflag:s0] =	ssyncset.done @!p0 $0x0  }
0x1de: {  	[sflag:s0] =	ssyncadd.s32 @!p0 s1  }
0x1df: {  	[bflag:$0x3] =	sbarrier.arrive $0xFFFF  }
0x1e0: {  	_ =	shalt  }

</sc_bundles>
